<compile_context>
chip_gen: v7x
topology: tpu7x:2x2x1
jax: 0.10.2.dev20260603
libtpu: 0.0.44.dev20260713+nightly
codegen_flags: <defaults>
</compile_context>

<pallas_src>
import functools

import jax
import jax.numpy as jnp
from jax import lax
from jax.experimental import pallas as pl
from jax.experimental.pallas import tpu as pltpu
from jax.experimental.pallas import tpu_sc as plsc

E = 64
B = 4096
S = 200
NC = 2
NSUB = 16
NW = NC * NSUB
BBLK = B // NW
NS = 4
NCHUNK = S // NS
L = 16
SP = BBLK + 1


@jax.jit
def _run(xt, table, pos):
    mesh = plsc.VectorSubcoreMesh(core_axis_name="c", subcore_axis_name="s")

    @functools.partial(
        pl.kernel,
        mesh=mesh,
        compiler_params=pltpu.CompilerParams(
            use_tc_tiling_on_sc=False, needs_layout_passes=False,
            disable_bounds_checks=True),
        out_type=jax.ShapeDtypeStruct((S, E // 8, NW, 8, BBLK), jnp.float32),
        scratch_types=[
            pltpu.VMEM((2, NS * BBLK), jnp.int32),
            pltpu.VMEM((NS * BBLK, E), jnp.float32),
            pltpu.VMEM((NS * BBLK, E), jnp.float32),
            pltpu.VMEM((NS, E // 8, 8, SP), jnp.float32),
            pltpu.VMEM((S, E), jnp.float32),
            pltpu.SemaphoreType.DMA,
            pltpu.SemaphoreType.DMA,
            pltpu.SemaphoreType.DMA,
            pltpu.SemaphoreType.DMA,
        ],
    )
    def body(xt_hbm, table_hbm, pos_hbm, out_hbm,
             idx_v, rows0_v, rows1_v, stage_v, pos_v,
             sem0, sem1, sem_idx, sem_out):
        wid = lax.axis_index("s") * NC + lax.axis_index("c")
        rows_bufs = (rows0_v, rows1_v)
        sems = (sem0, sem1)
        pltpu.sync_copy(pos_hbm, pos_v)

        def idx_fetch(c, buf, sem):
            for j in range(NS):
                pltpu.async_copy(
                    xt_hbm.at[c * NS + j, pl.ds(wid * BBLK, BBLK)],
                    idx_v.at[buf, pl.ds(j * BBLK, BBLK)], sem)

        def idx_wait(c, buf, sem):
            for j in range(NS):
                pltpu.make_async_copy(
                    xt_hbm.at[c * NS + j, pl.ds(wid * BBLK, BBLK)],
                    idx_v.at[buf, pl.ds(j * BBLK, BBLK)], sem).wait()

        def fire(c, buf):
            pltpu.async_copy(
                table_hbm.at[idx_v.at[buf]], rows_bufs[buf], sems[buf])

        def drain(buf):
            pltpu.make_async_copy(
                table_hbm.at[idx_v.at[buf]], rows_bufs[buf],
                sems[buf]).wait()

        def out_dst(c):
            return out_hbm.at[pl.ds(c * NS, NS), :, wid]

        idx_fetch(0, 0, sem_idx)
        idx_wait(0, 0, sem_idx)
        fire(0, 0)
        idx_fetch(1, 1, sem_idx)

        lanes = lax.iota(jnp.int32, L)
        zv = lanes * 0

        def chunk_pair(c, carry):
            for b in range(2):
                cc = c + b
                nb = 1 - b

                @pl.when(cc + 1 < NCHUNK)
                def _():
                    idx_wait(cc + 1, nb, sem_idx)
                    fire(cc + 1, nb)

                drain(b)

                @pl.when(cc + 2 < NCHUNK)
                def _():
                    idx_fetch(cc + 2, b, sem_idx)

                @pl.when(cc > 0)
                def _():
                    pltpu.make_async_copy(
                        stage_v.at[:, :, :, pl.ds(0, BBLK)],
                        out_dst(cc - 1), sem_out).wait()

                rows = rows_bufs[b]

                def jb_body(i, carry2):
                    j = i // (BBLK // 8)
                    i8 = i % (BBLK // 8)
                    jev = [j * E + k * L + lanes for k in range(E // L)]
                    pv = [pos_v[cc * NS + j, pl.ds(k * L, L)]
                          for k in range(E // L)]
                    for bu in range(8):
                        bb = i8 * 8 + bu
                        bv = jnp.full((L,), bb, jnp.int32)
                        for k in range(E // L):
                            vec = (rows[j * BBLK + bb, pl.ds(k * L, L)]
                                   + pv[k])
                            plsc.store_scatter(
                                stage_v, [zv, zv, jev[k], bv], vec)
                    return carry2

                lax.fori_loop(0, NS * (BBLK // 8), jb_body, 0)

                pltpu.async_copy(
                    stage_v.at[:, :, :, pl.ds(0, BBLK)],
                    out_dst(cc), sem_out)
            return carry

        lax.fori_loop(0, NCHUNK // 2, lambda i, c: chunk_pair(i * 2, c), 0)
        pltpu.make_async_copy(
            stage_v.at[:, :, :, pl.ds(0, BBLK)],
            out_dst(NCHUNK - 1), sem_out).wait()

    return body(xt, table, pos)


def kernel(x, table, pos_encoding):
    xt = x.T
    pos = pos_encoding[:S]
    a = _run(xt, table, pos)
    return a.transpose(2, 4, 0, 1, 3).reshape(B, S, E)

# --- scband reference (transcript-rebuilt; emitter-appended) ---
"""Pipeline reference for scband-embedding-with-position-4002909520712 (READ-ONLY COPY).

The authoritative reference and input builder live on the scoring server;
editing this copy changes nothing except your own understanding.
"""

import jax, jax.numpy as jnp
import numpy as np
import math

VOCAB_SIZE = 1000000
EMB_SIZE = 64
SEQ_MAX_LEN = 500
BATCH = 4096
SEQ_LEN = 200


def _make_pos_encoding(seq_max_len, emb_size):
    position_idx = np.arange(0, seq_max_len, dtype=np.float32)[:, None]
    position_emb_fill = position_idx * np.exp(-np.arange(0, emb_size, 2, dtype=np.float32) * math.log(10000.0 / emb_size))
    pos_encoding = np.zeros((seq_max_len, emb_size), dtype=np.float32)
    pos_encoding[:, 0::2] = np.sin(position_emb_fill)
    pos_encoding[:, 1::2] = np.cos(position_emb_fill)
    return jnp.asarray(pos_encoding)


def setup_inputs(seed: int = 0) -> dict:
    key = jax.random.key(seed)
    k1, k2 = jax.random.split(key)
    x = jax.random.randint(k1, (BATCH, SEQ_LEN), 0, VOCAB_SIZE, dtype=jnp.int64 if jax.config.jax_enable_x64 else jnp.int32)
    table = jax.random.normal(k2, (VOCAB_SIZE, EMB_SIZE), dtype=jnp.float32)
    pos_encoding = _make_pos_encoding(SEQ_MAX_LEN, EMB_SIZE)
    return {"x": x, "table": table, "pos_encoding": pos_encoding}


def reference(x, table, pos_encoding):
    # Embedding lookup (gather) + additive positional encoding.
    # Dropout is identity in eval mode.
    emb = jnp.take(table, x, axis=0)  # [B, S, E]
    out = emb + pos_encoding[None, : x.shape[1], :]
    return out

if __name__ == "__main__":
    import jax
    _d = setup_inputs()
    print(jax.jit(kernel)(*tuple(_d.values())))

</pallas_src>

<mosaic_0001>
#map = affine_map<(d0, d1) -> (0, 0)>
#map1 = affine_map<(d0, d1) -> (0, 0, 0, 0, 0)>
module attributes {stable_mosaic.version = 14 : i64} {
  func.func @body(%arg0: i32, %arg1: i32, %arg2: memref<200x4096xi32, #tpu.memory_space<hbm>>, %arg3: memref<1000000x64xf32, #tpu.memory_space<hbm>>, %arg4: memref<200x64xf32, #tpu.memory_space<hbm>>, %arg5: memref<200x8x32x8x128xf32, #tpu.memory_space<hbm>>, %arg6: memref<2x512xi32, #tpu.memory_space<vmem>>, %arg7: memref<512x64xf32, #tpu.memory_space<vmem>>, %arg8: memref<512x64xf32, #tpu.memory_space<vmem>>, %arg9: memref<4x8x8x129xf32, #tpu.memory_space<vmem>>, %arg10: memref<200x64xf32, #tpu.memory_space<vmem>>, %arg11: memref<!tpu.dma_semaphore, #tpu.memory_space<semaphore_mem>>, %arg12: memref<!tpu.dma_semaphore, #tpu.memory_space<semaphore_mem>>, %arg13: memref<!tpu.dma_semaphore, #tpu.memory_space<semaphore_mem>>, %arg14: memref<!tpu.dma_semaphore, #tpu.memory_space<semaphore_mem>>) attributes {dimension_semantics = [#tpu.dimension_semantics<core_parallel>, #tpu.dimension_semantics<subcore_parallel>], iteration_bounds = array<i64: 2, 16>, scalar_prefetch = 0 : i64, scratch_operands = 9 : i64, tpu.core_type = #tpu.core_type<sc_vector_subcore>, window_params = [{transform_indices = #map}, {transform_indices = #map}, {transform_indices = #map}, {transform_indices = #map1}]} {
    %mul3A = arith.constant 2 : i32
    %mul3A_0 = arith.muli %arg1, %mul3A : i32
    %add3A = arith.addi %mul3A_0, %arg0 : i32
    "tpu.region"() ({
      %run_scoped3A = tpu.sem_alloc : memref<!tpu.dma_semaphore, #tpu.memory_space<semaphore_mem>>
      tpu.enqueue_dma source(%arg4 : memref<200x64xf32, #tpu.memory_space<hbm>>) target(%arg10 : memref<200x64xf32, #tpu.memory_space<vmem>>) target_semaphore(%run_scoped3A : memref<!tpu.dma_semaphore, #tpu.memory_space<semaphore_mem>>)
      tpu.wait_dma2 semaphore(%run_scoped3A : memref<!tpu.dma_semaphore, #tpu.memory_space<semaphore_mem>>) src(%arg4 : memref<200x64xf32, #tpu.memory_space<hbm>>) dst(%arg10 : memref<200x64xf32, #tpu.memory_space<vmem>>)
      tpu.yield
    }) : () -> ()
    %mul3A_1 = arith.constant 128 : i32
    %mul3A_2 = arith.muli %add3A, %mul3A_1 : i32
    %dma_start3A = arith.constant 0 : i32
    %dma_start3A_3 = arith.constant 0 : i32
    %dma_start3A_4 = arith.constant 0 : i32
    %dma_start3A_5 = tpu.memref_slice %arg6[%dma_start3A_3, %dma_start3A_4] : memref<2x512xi32, #tpu.memory_space<vmem>> -> memref<1x128xi32, #tpu.memory_space<vmem>>
    %dma_start3A_6 = tpu.memref_squeeze %dma_start3A_5 : memref<1x128xi32, #tpu.memory_space<vmem>> -> memref<128xi32, #tpu.memory_space<vmem>>
    %dma_start3A_7 = tpu.memref_slice %arg2[%dma_start3A, %mul3A_2] : memref<200x4096xi32, #tpu.memory_space<hbm>> -> memref<1x128xi32, #tpu.memory_space<hbm>>
    %dma_start3A_8 = tpu.memref_squeeze %dma_start3A_7 : memref<1x128xi32, #tpu.memory_space<hbm>> -> memref<128xi32, #tpu.memory_space<hbm>>
    %dma_start3A_9 = arith.constant 0 : i32
    %dma_start3A_10 = tpu.memref_slice %arg6[%dma_start3A_3, %dma_start3A_9] : memref<2x512xi32, #tpu.memory_space<vmem>> -> memref<1x128xi32, #tpu.memory_space<vmem>>
    %dma_start3A_11 = tpu.memref_squeeze %dma_start3A_10 : memref<1x128xi32, #tpu.memory_space<vmem>> -> memref<128xi32, #tpu.memory_space<vmem>>
    %dma_start3A_12 = tpu.memref_slice %arg2[%dma_start3A, %mul3A_2] : memref<200x4096xi32, #tpu.memory_space<hbm>> -> memref<1x128xi32, #tpu.memory_space<hbm>>
    %dma_start3A_13 = tpu.memref_squeeze %dma_start3A_12 : memref<1x128xi32, #tpu.memory_space<hbm>> -> memref<128xi32, #tpu.memory_space<hbm>>
    tpu.enqueue_dma source(%dma_start3A_13 : memref<128xi32, #tpu.memory_space<hbm>>) target(%dma_start3A_11 : memref<128xi32, #tpu.memory_space<vmem>>) target_semaphore(%arg13 : memref<!tpu.dma_semaphore, #tpu.memory_space<semaphore_mem>>)
    %mul3A_14 = arith.constant 128 : i32
    %mul3A_15 = arith.muli %add3A, %mul3A_14 : i32
    %dma_start3A_16 = arith.constant 1 : i32
    %dma_start3A_17 = arith.constant 0 : i32
    %dma_start3A_18 = arith.constant 128 : i32
    %dma_start3A_19 = tpu.memref_slice %arg6[%dma_start3A_17, %dma_start3A_18] : memref<2x512xi32, #tpu.memory_space<vmem>> -> memref<1x128xi32, #tpu.memory_space<vmem>>
    %dma_start3A_20 = tpu.memref_squeeze %dma_start3A_19 : memref<1x128xi32, #tpu.memory_space<vmem>> -> memref<128xi32, #tpu.memory_space<vmem>>
    %dma_start3A_21 = tpu.memref_slice %arg2[%dma_start3A_16, %mul3A_15] : memref<200x4096xi32, #tpu.memory_space<hbm>> -> memref<1x128xi32, #tpu.memory_space<hbm>>
    %dma_start3A_22 = tpu.memref_squeeze %dma_start3A_21 : memref<1x128xi32, #tpu.memory_space<hbm>> -> memref<128xi32, #tpu.memory_space<hbm>>
    %dma_start3A_23 = arith.constant 128 : i32
    %dma_start3A_24 = tpu.memref_slice %arg6[%dma_start3A_17, %dma_start3A_23] : memref<2x512xi32, #tpu.memory_space<vmem>> -> memref<1x128xi32, #tpu.memory_space<vmem>>
    %dma_start3A_25 = tpu.memref_squeeze %dma_start3A_24 : memref<1x128xi32, #tpu.memory_space<vmem>> -> memref<128xi32, #tpu.memory_space<vmem>>
    %dma_start3A_26 = tpu.memref_slice %arg2[%dma_start3A_16, %mul3A_15] : memref<200x4096xi32, #tpu.memory_space<hbm>> -> memref<1x128xi32, #tpu.memory_space<hbm>>
    %dma_start3A_27 = tpu.memref_squeeze %dma_start3A_26 : memref<1x128xi32, #tpu.memory_space<hbm>> -> memref<128xi32, #tpu.memory_space<hbm>>
    tpu.enqueue_dma source(%dma_start3A_27 : memref<128xi32, #tpu.memory_space<hbm>>) target(%dma_start3A_25 : memref<128xi32, #tpu.memory_space<vmem>>) target_semaphore(%arg13 : memref<!tpu.dma_semaphore, #tpu.memory_space<semaphore_mem>>)
    %mul3A_28 = arith.constant 128 : i32
    %mul3A_29 = arith.muli %add3A, %mul3A_28 : i32
    %dma_start3A_30 = arith.constant 2 : i32
    %dma_start3A_31 = arith.constant 0 : i32
    %dma_start3A_32 = arith.constant 256 : i32
    %dma_start3A_33 = tpu.memref_slice %arg6[%dma_start3A_31, %dma_start3A_32] : memref<2x512xi32, #tpu.memory_space<vmem>> -> memref<1x128xi32, #tpu.memory_space<vmem>>
    %dma_start3A_34 = tpu.memref_squeeze %dma_start3A_33 : memref<1x128xi32, #tpu.memory_space<vmem>> -> memref<128xi32, #tpu.memory_space<vmem>>
    %dma_start3A_35 = tpu.memref_slice %arg2[%dma_start3A_30, %mul3A_29] : memref<200x4096xi32, #tpu.memory_space<hbm>> -> memref<1x128xi32, #tpu.memory_space<hbm>>
    %dma_start3A_36 = tpu.memref_squeeze %dma_start3A_35 : memref<1x128xi32, #tpu.memory_space<hbm>> -> memref<128xi32, #tpu.memory_space<hbm>>
    %dma_start3A_37 = arith.constant 256 : i32
    %dma_start3A_38 = tpu.memref_slice %arg6[%dma_start3A_31, %dma_start3A_37] : memref<2x512xi32, #tpu.memory_space<vmem>> -> memref<1x128xi32, #tpu.memory_space<vmem>>
    %dma_start3A_39 = tpu.memref_squeeze %dma_start3A_38 : memref<1x128xi32, #tpu.memory_space<vmem>> -> memref<128xi32, #tpu.memory_space<vmem>>
    %dma_start3A_40 = tpu.memref_slice %arg2[%dma_start3A_30, %mul3A_29] : memref<200x4096xi32, #tpu.memory_space<hbm>> -> memref<1x128xi32, #tpu.memory_space<hbm>>
    %dma_start3A_41 = tpu.memref_squeeze %dma_start3A_40 : memref<1x128xi32, #tpu.memory_space<hbm>> -> memref<128xi32, #tpu.memory_space<hbm>>
    tpu.enqueue_dma source(%dma_start3A_41 : memref<128xi32, #tpu.memory_space<hbm>>) target(%dma_start3A_39 : memref<128xi32, #tpu.memory_space<vmem>>) target_semaphore(%arg13 : memref<!tpu.dma_semaphore, #tpu.memory_space<semaphore_mem>>)
    %mul3A_42 = arith.constant 128 : i32
    %mul3A_43 = arith.muli %add3A, %mul3A_42 : i32
    %dma_start3A_44 = arith.constant 3 : i32
    %dma_start3A_45 = arith.constant 0 : i32
    %dma_start3A_46 = arith.constant 384 : i32
    %dma_start3A_47 = tpu.memref_slice %arg6[%dma_start3A_45, %dma_start3A_46] : memref<2x512xi32, #tpu.memory_space<vmem>> -> memref<1x128xi32, #tpu.memory_space<vmem>>
    %dma_start3A_48 = tpu.memref_squeeze %dma_start3A_47 : memref<1x128xi32, #tpu.memory_space<vmem>> -> memref<128xi32, #tpu.memory_space<vmem>>
    %dma_start3A_49 = tpu.memref_slice %arg2[%dma_start3A_44, %mul3A_43] : memref<200x4096xi32, #tpu.memory_space<hbm>> -> memref<1x128xi32, #tpu.memory_space<hbm>>
    %dma_start3A_50 = tpu.memref_squeeze %dma_start3A_49 : memref<1x128xi32, #tpu.memory_space<hbm>> -> memref<128xi32, #tpu.memory_space<hbm>>
    %dma_start3A_51 = arith.constant 384 : i32
    %dma_start3A_52 = tpu.memref_slice %arg6[%dma_start3A_45, %dma_start3A_51] : memref<2x512xi32, #tpu.memory_space<vmem>> -> memref<1x128xi32, #tpu.memory_space<vmem>>
    %dma_start3A_53 = tpu.memref_squeeze %dma_start3A_52 : memref<1x128xi32, #tpu.memory_space<vmem>> -> memref<128xi32, #tpu.memory_space<vmem>>
    %dma_start3A_54 = tpu.memref_slice %arg2[%dma_start3A_44, %mul3A_43] : memref<200x4096xi32, #tpu.memory_space<hbm>> -> memref<1x128xi32, #tpu.memory_space<hbm>>
    %dma_start3A_55 = tpu.memref_squeeze %dma_start3A_54 : memref<1x128xi32, #tpu.memory_space<hbm>> -> memref<128xi32, #tpu.memory_space<hbm>>
    tpu.enqueue_dma source(%dma_start3A_55 : memref<128xi32, #tpu.memory_space<hbm>>) target(%dma_start3A_53 : memref<128xi32, #tpu.memory_space<vmem>>) target_semaphore(%arg13 : memref<!tpu.dma_semaphore, #tpu.memory_space<semaphore_mem>>)
    %mul3A_56 = arith.constant 128 : i32
    %mul3A_57 = arith.muli %add3A, %mul3A_56 : i32
    %dma_wait3A = arith.constant 0 : i32
    %dma_wait3A_58 = arith.constant 0 : i32
    %dma_wait3A_59 = arith.constant 0 : i32
    %dma_wait3A_60 = tpu.memref_slice %arg6[%dma_wait3A_58, %dma_wait3A_59] : memref<2x512xi32, #tpu.memory_space<vmem>> -> memref<1x128xi32, #tpu.memory_space<vmem>>
    %dma_wait3A_61 = tpu.memref_squeeze %dma_wait3A_60 : memref<1x128xi32, #tpu.memory_space<vmem>> -> memref<128xi32, #tpu.memory_space<vmem>>
    %dma_wait3A_62 = tpu.memref_slice %arg2[%dma_wait3A, %mul3A_57] : memref<200x4096xi32, #tpu.memory_space<hbm>> -> memref<1x128xi32, #tpu.memory_space<hbm>>
    %dma_wait3A_63 = tpu.memref_squeeze %dma_wait3A_62 : memref<1x128xi32, #tpu.memory_space<hbm>> -> memref<128xi32, #tpu.memory_space<hbm>>
    %dma_wait3A_64 = arith.constant 0 : i32
    %dma_wait3A_65 = tpu.memref_slice %arg6[%dma_wait3A_58, %dma_wait3A_64] : memref<2x512xi32, #tpu.memory_space<vmem>> -> memref<1x128xi32, #tpu.memory_space<vmem>>
    %dma_wait3A_66 = tpu.memref_squeeze %dma_wait3A_65 : memref<1x128xi32, #tpu.memory_space<vmem>> -> memref<128xi32, #tpu.memory_space<vmem>>
    %dma_wait3A_67 = tpu.memref_slice %arg2[%dma_wait3A, %mul3A_57] : memref<200x4096xi32, #tpu.memory_space<hbm>> -> memref<1x128xi32, #tpu.memory_space<hbm>>
    %dma_wait3A_68 = tpu.memref_squeeze %dma_wait3A_67 : memref<1x128xi32, #tpu.memory_space<hbm>> -> memref<128xi32, #tpu.memory_space<hbm>>
    tpu.wait_dma2 semaphore(%arg13 : memref<!tpu.dma_semaphore, #tpu.memory_space<semaphore_mem>>) src(%dma_wait3A_68 : memref<128xi32, #tpu.memory_space<hbm>>) dst(%dma_wait3A_66 : memref<128xi32, #tpu.memory_space<vmem>>)
    %mul3A_69 = arith.constant 128 : i32
    %mul3A_70 = arith.muli %add3A, %mul3A_69 : i32
    %dma_wait3A_71 = arith.constant 1 : i32
    %dma_wait3A_72 = arith.constant 0 : i32
    %dma_wait3A_73 = arith.constant 128 : i32
    %dma_wait3A_74 = tpu.memref_slice %arg6[%dma_wait3A_72, %dma_wait3A_73] : memref<2x512xi32, #tpu.memory_space<vmem>> -> memref<1x128xi32, #tpu.memory_space<vmem>>
    %dma_wait3A_75 = tpu.memref_squeeze %dma_wait3A_74 : memref<1x128xi32, #tpu.memory_space<vmem>> -> memref<128xi32, #tpu.memory_space<vmem>>
    %dma_wait3A_76 = tpu.memref_slice %arg2[%dma_wait3A_71, %mul3A_70] : memref<200x4096xi32, #tpu.memory_space<hbm>> -> memref<1x128xi32, #tpu.memory_space<hbm>>
    %dma_wait3A_77 = tpu.memref_squeeze %dma_wait3A_76 : memref<1x128xi32, #tpu.memory_space<hbm>> -> memref<128xi32, #tpu.memory_space<hbm>>
    %dma_wait3A_78 = arith.constant 128 : i32
    %dma_wait3A_79 = tpu.memref_slice %arg6[%dma_wait3A_72, %dma_wait3A_78] : memref<2x512xi32, #tpu.memory_space<vmem>> -> memref<1x128xi32, #tpu.memory_space<vmem>>
    %dma_wait3A_80 = tpu.memref_squeeze %dma_wait3A_79 : memref<1x128xi32, #tpu.memory_space<vmem>> -> memref<128xi32, #tpu.memory_space<vmem>>
    %dma_wait3A_81 = tpu.memref_slice %arg2[%dma_wait3A_71, %mul3A_70] : memref<200x4096xi32, #tpu.memory_space<hbm>> -> memref<1x128xi32, #tpu.memory_space<hbm>>
    %dma_wait3A_82 = tpu.memref_squeeze %dma_wait3A_81 : memref<1x128xi32, #tpu.memory_space<hbm>> -> memref<128xi32, #tpu.memory_space<hbm>>
    tpu.wait_dma2 semaphore(%arg13 : memref<!tpu.dma_semaphore, #tpu.memory_space<semaphore_mem>>) src(%dma_wait3A_82 : memref<128xi32, #tpu.memory_space<hbm>>) dst(%dma_wait3A_80 : memref<128xi32, #tpu.memory_space<vmem>>)
    %mul3A_83 = arith.constant 128 : i32
    %mul3A_84 = arith.muli %add3A, %mul3A_83 : i32
    %dma_wait3A_85 = arith.constant 2 : i32
    %dma_wait3A_86 = arith.constant 0 : i32
    %dma_wait3A_87 = arith.constant 256 : i32
    %dma_wait3A_88 = tpu.memref_slice %arg6[%dma_wait3A_86, %dma_wait3A_87] : memref<2x512xi32, #tpu.memory_space<vmem>> -> memref<1x128xi32, #tpu.memory_space<vmem>>
    %dma_wait3A_89 = tpu.memref_squeeze %dma_wait3A_88 : memref<1x128xi32, #tpu.memory_space<vmem>> -> memref<128xi32, #tpu.memory_space<vmem>>
    %dma_wait3A_90 = tpu.memref_slice %arg2[%dma_wait3A_85, %mul3A_84] : memref<200x4096xi32, #tpu.memory_space<hbm>> -> memref<1x128xi32, #tpu.memory_space<hbm>>
    %dma_wait3A_91 = tpu.memref_squeeze %dma_wait3A_90 : memref<1x128xi32, #tpu.memory_space<hbm>> -> memref<128xi32, #tpu.memory_space<hbm>>
    %dma_wait3A_92 = arith.constant 256 : i32
    %dma_wait3A_93 = tpu.memref_slice %arg6[%dma_wait3A_86, %dma_wait3A_92] : memref<2x512xi32, #tpu.memory_space<vmem>> -> memref<1x128xi32, #tpu.memory_space<vmem>>
    %dma_wait3A_94 = tpu.memref_squeeze %dma_wait3A_93 : memref<1x128xi32, #tpu.memory_space<vmem>> -> memref<128xi32, #tpu.memory_space<vmem>>
    %dma_wait3A_95 = tpu.memref_slice %arg2[%dma_wait3A_85, %mul3A_84] : memref<200x4096xi32, #tpu.memory_space<hbm>> -> memref<1x128xi32, #tpu.memory_space<hbm>>
    %dma_wait3A_96 = tpu.memref_squeeze %dma_wait3A_95 : memref<1x128xi32, #tpu.memory_space<hbm>> -> memref<128xi32, #tpu.memory_space<hbm>>
    tpu.wait_dma2 semaphore(%arg13 : memref<!tpu.dma_semaphore, #tpu.memory_space<semaphore_mem>>) src(%dma_wait3A_96 : memref<128xi32, #tpu.memory_space<hbm>>) dst(%dma_wait3A_94 : memref<128xi32, #tpu.memory_space<vmem>>)
    %mul3A_97 = arith.constant 128 : i32
    %mul3A_98 = arith.muli %add3A, %mul3A_97 : i32
    %dma_wait3A_99 = arith.constant 3 : i32
    %dma_wait3A_100 = arith.constant 0 : i32
    %dma_wait3A_101 = arith.constant 384 : i32
    %dma_wait3A_102 = tpu.memref_slice %arg6[%dma_wait3A_100, %dma_wait3A_101] : memref<2x512xi32, #tpu.memory_space<vmem>> -> memref<1x128xi32, #tpu.memory_space<vmem>>
    %dma_wait3A_103 = tpu.memref_squeeze %dma_wait3A_102 : memref<1x128xi32, #tpu.memory_space<vmem>> -> memref<128xi32, #tpu.memory_space<vmem>>
    %dma_wait3A_104 = tpu.memref_slice %arg2[%dma_wait3A_99, %mul3A_98] : memref<200x4096xi32, #tpu.memory_space<hbm>> -> memref<1x128xi32, #tpu.memory_space<hbm>>
    %dma_wait3A_105 = tpu.memref_squeeze %dma_wait3A_104 : memref<1x128xi32, #tpu.memory_space<hbm>> -> memref<128xi32, #tpu.memory_space<hbm>>
    %dma_wait3A_106 = arith.constant 384 : i32
    %dma_wait3A_107 = tpu.memref_slice %arg6[%dma_wait3A_100, %dma_wait3A_106] : memref<2x512xi32, #tpu.memory_space<vmem>> -> memref<1x128xi32, #tpu.memory_space<vmem>>
    %dma_wait3A_108 = tpu.memref_squeeze %dma_wait3A_107 : memref<1x128xi32, #tpu.memory_space<vmem>> -> memref<128xi32, #tpu.memory_space<vmem>>
    %dma_wait3A_109 = tpu.memref_slice %arg2[%dma_wait3A_99, %mul3A_98] : memref<200x4096xi32, #tpu.memory_space<hbm>> -> memref<1x128xi32, #tpu.memory_space<hbm>>
    %dma_wait3A_110 = tpu.memref_squeeze %dma_wait3A_109 : memref<1x128xi32, #tpu.memory_space<hbm>> -> memref<128xi32, #tpu.memory_space<hbm>>
    tpu.wait_dma2 semaphore(%arg13 : memref<!tpu.dma_semaphore, #tpu.memory_space<semaphore_mem>>) src(%dma_wait3A_110 : memref<128xi32, #tpu.memory_space<hbm>>) dst(%dma_wait3A_108 : memref<128xi32, #tpu.memory_space<vmem>>)
    %dma_start3A_111 = arith.constant 0 : i32
    %dma_start3A_112 = arith.constant 0 : i32
    %dma_start3A_113 = tpu.memref_slice %arg6[%dma_start3A_111, %dma_start3A_112] : memref<2x512xi32, #tpu.memory_space<vmem>> -> memref<1x512xi32, #tpu.memory_space<vmem>>
    %dma_start3A_114 = tpu.memref_squeeze %dma_start3A_113 : memref<1x512xi32, #tpu.memory_space<vmem>> -> memref<512xi32, #tpu.memory_space<vmem>>
    %dma_start3A_115 = arith.constant 0 : i32
    %dma_start3A_116 = arith.constant 0 : i32
    %dma_start3A_117 = tpu.memref_slice %arg3[%dma_start3A_115, %dma_start3A_116] : memref<1000000x64xf32, #tpu.memory_space<hbm>> -> memref<1000000x64xf32, #tpu.memory_space<hbm>>
    tpu.enqueue_indirect_dma source(%dma_start3A_117 : memref<1000000x64xf32, #tpu.memory_space<hbm>>) target(%arg7 : memref<512x64xf32, #tpu.memory_space<vmem>>) offsets(%dma_start3A_114 : memref<512xi32, #tpu.memory_space<vmem>>) semaphore(%arg11 : memref<!tpu.dma_semaphore, #tpu.memory_space<semaphore_mem>>)
    %mul3A_118 = arith.constant 128 : i32
    %mul3A_119 = arith.muli %add3A, %mul3A_118 : i32
    %dma_start3A_120 = arith.constant 4 : i32
    %dma_start3A_121 = arith.constant 1 : i32
    %dma_start3A_122 = arith.constant 0 : i32
    %dma_start3A_123 = tpu.memref_slice %arg6[%dma_start3A_121, %dma_start3A_122] : memref<2x512xi32, #tpu.memory_space<vmem>> -> memref<1x128xi32, #tpu.memory_space<vmem>>
    %dma_start3A_124 = tpu.memref_squeeze %dma_start3A_123 : memref<1x128xi32, #tpu.memory_space<vmem>> -> memref<128xi32, #tpu.memory_space<vmem>>
    %dma_start3A_125 = tpu.memref_slice %arg2[%dma_start3A_120, %mul3A_119] : memref<200x4096xi32, #tpu.memory_space<hbm>> -> memref<1x128xi32, #tpu.memory_space<hbm>>
    %dma_start3A_126 = tpu.memref_squeeze %dma_start3A_125 : memref<1x128xi32, #tpu.memory_space<hbm>> -> memref<128xi32, #tpu.memory_space<hbm>>
    %dma_start3A_127 = arith.constant 0 : i32
    %dma_start3A_128 = tpu.memref_slice %arg6[%dma_start3A_121, %dma_start3A_127] : memref<2x512xi32, #tpu.memory_space<vmem>> -> memref<1x128xi32, #tpu.memory_space<vmem>>
    %dma_start3A_129 = tpu.memref_squeeze %dma_start3A_128 : memref<1x128xi32, #tpu.memory_space<vmem>> -> memref<128xi32, #tpu.memory_space<vmem>>
    %dma_start3A_130 = tpu.memref_slice %arg2[%dma_start3A_120, %mul3A_119] : memref<200x4096xi32, #tpu.memory_space<hbm>> -> memref<1x128xi32, #tpu.memory_space<hbm>>
    %dma_start3A_131 = tpu.memref_squeeze %dma_start3A_130 : memref<1x128xi32, #tpu.memory_space<hbm>> -> memref<128xi32, #tpu.memory_space<hbm>>
    tpu.enqueue_dma source(%dma_start3A_131 : memref<128xi32, #tpu.memory_space<hbm>>) target(%dma_start3A_129 : memref<128xi32, #tpu.memory_space<vmem>>) target_semaphore(%arg13 : memref<!tpu.dma_semaphore, #tpu.memory_space<semaphore_mem>>)
    %mul3A_132 = arith.constant 128 : i32
    %mul3A_133 = arith.muli %add3A, %mul3A_132 : i32
    %dma_start3A_134 = arith.constant 5 : i32
    %dma_start3A_135 = arith.constant 1 : i32
    %dma_start3A_136 = arith.constant 128 : i32
    %dma_start3A_137 = tpu.memref_slice %arg6[%dma_start3A_135, %dma_start3A_136] : memref<2x512xi32, #tpu.memory_space<vmem>> -> memref<1x128xi32, #tpu.memory_space<vmem>>
    %dma_start3A_138 = tpu.memref_squeeze %dma_start3A_137 : memref<1x128xi32, #tpu.memory_space<vmem>> -> memref<128xi32, #tpu.memory_space<vmem>>
    %dma_start3A_139 = tpu.memref_slice %arg2[%dma_start3A_134, %mul3A_133] : memref<200x4096xi32, #tpu.memory_space<hbm>> -> memref<1x128xi32, #tpu.memory_space<hbm>>
    %dma_start3A_140 = tpu.memref_squeeze %dma_start3A_139 : memref<1x128xi32, #tpu.memory_space<hbm>> -> memref<128xi32, #tpu.memory_space<hbm>>
    %dma_start3A_141 = arith.constant 128 : i32
    %dma_start3A_142 = tpu.memref_slice %arg6[%dma_start3A_135, %dma_start3A_141] : memref<2x512xi32, #tpu.memory_space<vmem>> -> memref<1x128xi32, #tpu.memory_space<vmem>>
    %dma_start3A_143 = tpu.memref_squeeze %dma_start3A_142 : memref<1x128xi32, #tpu.memory_space<vmem>> -> memref<128xi32, #tpu.memory_space<vmem>>
    %dma_start3A_144 = tpu.memref_slice %arg2[%dma_start3A_134, %mul3A_133] : memref<200x4096xi32, #tpu.memory_space<hbm>> -> memref<1x128xi32, #tpu.memory_space<hbm>>
    %dma_start3A_145 = tpu.memref_squeeze %dma_start3A_144 : memref<1x128xi32, #tpu.memory_space<hbm>> -> memref<128xi32, #tpu.memory_space<hbm>>
    tpu.enqueue_dma source(%dma_start3A_145 : memref<128xi32, #tpu.memory_space<hbm>>) target(%dma_start3A_143 : memref<128xi32, #tpu.memory_space<vmem>>) target_semaphore(%arg13 : memref<!tpu.dma_semaphore, #tpu.memory_space<semaphore_mem>>)
    %mul3A_146 = arith.constant 128 : i32
    %mul3A_147 = arith.muli %add3A, %mul3A_146 : i32
    %dma_start3A_148 = arith.constant 6 : i32
    %dma_start3A_149 = arith.constant 1 : i32
    %dma_start3A_150 = arith.constant 256 : i32
    %dma_start3A_151 = tpu.memref_slice %arg6[%dma_start3A_149, %dma_start3A_150] : memref<2x512xi32, #tpu.memory_space<vmem>> -> memref<1x128xi32, #tpu.memory_space<vmem>>
    %dma_start3A_152 = tpu.memref_squeeze %dma_start3A_151 : memref<1x128xi32, #tpu.memory_space<vmem>> -> memref<128xi32, #tpu.memory_space<vmem>>
    %dma_start3A_153 = tpu.memref_slice %arg2[%dma_start3A_148, %mul3A_147] : memref<200x4096xi32, #tpu.memory_space<hbm>> -> memref<1x128xi32, #tpu.memory_space<hbm>>
    %dma_start3A_154 = tpu.memref_squeeze %dma_start3A_153 : memref<1x128xi32, #tpu.memory_space<hbm>> -> memref<128xi32, #tpu.memory_space<hbm>>
    %dma_start3A_155 = arith.constant 256 : i32
    %dma_start3A_156 = tpu.memref_slice %arg6[%dma_start3A_149, %dma_start3A_155] : memref<2x512xi32, #tpu.memory_space<vmem>> -> memref<1x128xi32, #tpu.memory_space<vmem>>
    %dma_start3A_157 = tpu.memref_squeeze %dma_start3A_156 : memref<1x128xi32, #tpu.memory_space<vmem>> -> memref<128xi32, #tpu.memory_space<vmem>>
    %dma_start3A_158 = tpu.memref_slice %arg2[%dma_start3A_148, %mul3A_147] : memref<200x4096xi32, #tpu.memory_space<hbm>> -> memref<1x128xi32, #tpu.memory_space<hbm>>
    %dma_start3A_159 = tpu.memref_squeeze %dma_start3A_158 : memref<1x128xi32, #tpu.memory_space<hbm>> -> memref<128xi32, #tpu.memory_space<hbm>>
    tpu.enqueue_dma source(%dma_start3A_159 : memref<128xi32, #tpu.memory_space<hbm>>) target(%dma_start3A_157 : memref<128xi32, #tpu.memory_space<vmem>>) target_semaphore(%arg13 : memref<!tpu.dma_semaphore, #tpu.memory_space<semaphore_mem>>)
    %mul3A_160 = arith.constant 128 : i32
    %mul3A_161 = arith.muli %add3A, %mul3A_160 : i32
    %dma_start3A_162 = arith.constant 7 : i32
    %dma_start3A_163 = arith.constant 1 : i32
    %dma_start3A_164 = arith.constant 384 : i32
    %dma_start3A_165 = tpu.memref_slice %arg6[%dma_start3A_163, %dma_start3A_164] : memref<2x512xi32, #tpu.memory_space<vmem>> -> memref<1x128xi32, #tpu.memory_space<vmem>>
    %dma_start3A_166 = tpu.memref_squeeze %dma_start3A_165 : memref<1x128xi32, #tpu.memory_space<vmem>> -> memref<128xi32, #tpu.memory_space<vmem>>
    %dma_start3A_167 = tpu.memref_slice %arg2[%dma_start3A_162, %mul3A_161] : memref<200x4096xi32, #tpu.memory_space<hbm>> -> memref<1x128xi32, #tpu.memory_space<hbm>>
    %dma_start3A_168 = tpu.memref_squeeze %dma_start3A_167 : memref<1x128xi32, #tpu.memory_space<hbm>> -> memref<128xi32, #tpu.memory_space<hbm>>
    %dma_start3A_169 = arith.constant 384 : i32
    %dma_start3A_170 = tpu.memref_slice %arg6[%dma_start3A_163, %dma_start3A_169] : memref<2x512xi32, #tpu.memory_space<vmem>> -> memref<1x128xi32, #tpu.memory_space<vmem>>
    %dma_start3A_171 = tpu.memref_squeeze %dma_start3A_170 : memref<1x128xi32, #tpu.memory_space<vmem>> -> memref<128xi32, #tpu.memory_space<vmem>>
    %dma_start3A_172 = tpu.memref_slice %arg2[%dma_start3A_162, %mul3A_161] : memref<200x4096xi32, #tpu.memory_space<hbm>> -> memref<1x128xi32, #tpu.memory_space<hbm>>
    %dma_start3A_173 = tpu.memref_squeeze %dma_start3A_172 : memref<1x128xi32, #tpu.memory_space<hbm>> -> memref<128xi32, #tpu.memory_space<hbm>>
    tpu.enqueue_dma source(%dma_start3A_173 : memref<128xi32, #tpu.memory_space<hbm>>) target(%dma_start3A_171 : memref<128xi32, #tpu.memory_space<vmem>>) target_semaphore(%arg13 : memref<!tpu.dma_semaphore, #tpu.memory_space<semaphore_mem>>)
    %iota3A = tpu.iota {dimensions = array<i32: 0>} : vector<16xi32>
    %mul3A_174 = arith.constant 0 : i32
    %mul3A_175 = vector.broadcast %mul3A_174 : i32 to vector<16xi32>
    %mul3A_176 = arith.muli %iota3A, %mul3A_175 : vector<16xi32>
    %scan3A = arith.constant 0 : i32
    %scan3A_177 = arith.constant 0 : i32
    %scan3A_178 = arith.constant 25 : i32
    %scan3A_179 = arith.addi %scan3A_177, %scan3A_178 : i32
    %scan3A_180 = arith.constant 1 : i32
    scf.for %scan3A_204 = %scan3A_177 to %scan3A_179 step %scan3A_180  : i32 {
      %mul3A_205 = arith.constant 2 : i32
      %mul3A_206 = arith.muli %scan3A_204, %mul3A_205 : i32
      %add3A_207 = arith.constant 0 : i32
      %add3A_208 = arith.addi %mul3A_206, %add3A_207 : i32
      %add3A_209 = arith.constant 1 : i32
      %add3A_210 = arith.addi %add3A_208, %add3A_209 : i32
      %lt3A = arith.constant 50 : i32
      %lt3A_211 = arith.cmpi slt, %add3A_210, %lt3A : i32
      %convert_element_type3A = arith.extui %lt3A_211 : i1 to i32
      %cond3A = arith.constant 0 : i32
      %cond3A_212 = arith.cmpi ne, %convert_element_type3A, %cond3A : i32
      scf.if %cond3A_212 {
        %add3A_315 = arith.constant 1 : i32
        %add3A_316 = arith.addi %add3A_208, %add3A_315 : i32
        %mul3A_317 = arith.constant 4 : i32
        %mul3A_318 = arith.muli %add3A_316, %mul3A_317 : i32
        %add3A_319 = arith.constant 0 : i32
        %add3A_320 = arith.addi %mul3A_318, %add3A_319 : i32
        %mul3A_321 = arith.constant 128 : i32
        %mul3A_322 = arith.muli %add3A, %mul3A_321 : i32
        %dma_wait3A_323 = arith.constant 1 : i32
        %dma_wait3A_324 = arith.constant 0 : i32
        %dma_wait3A_325 = tpu.memref_slice %arg6[%dma_wait3A_323, %dma_wait3A_324] : memref<2x512xi32, #tpu.memory_space<vmem>> -> memref<1x128xi32, #tpu.memory_space<vmem>>
        %dma_wait3A_326 = tpu.memref_squeeze %dma_wait3A_325 : memref<1x128xi32, #tpu.memory_space<vmem>> -> memref<128xi32, #tpu.memory_space<vmem>>
        %dma_wait3A_327 = tpu.memref_slice %arg2[%add3A_320, %mul3A_322] : memref<200x4096xi32, #tpu.memory_space<hbm>> -> memref<1x128xi32, #tpu.memory_space<hbm>>
        %dma_wait3A_328 = tpu.memref_squeeze %dma_wait3A_327 : memref<1x128xi32, #tpu.memory_space<hbm>> -> memref<128xi32, #tpu.memory_space<hbm>>
        %dma_wait3A_329 = arith.constant 0 : i32
        %dma_wait3A_330 = tpu.memref_slice %arg6[%dma_wait3A_323, %dma_wait3A_329] : memref<2x512xi32, #tpu.memory_space<vmem>> -> memref<1x128xi32, #tpu.memory_space<vmem>>
        %dma_wait3A_331 = tpu.memref_squeeze %dma_wait3A_330 : memref<1x128xi32, #tpu.memory_space<vmem>> -> memref<128xi32, #tpu.memory_space<vmem>>
        %dma_wait3A_332 = tpu.memref_slice %arg2[%add3A_320, %mul3A_322] : memref<200x4096xi32, #tpu.memory_space<hbm>> -> memref<1x128xi32, #tpu.memory_space<hbm>>
        %dma_wait3A_333 = tpu.memref_squeeze %dma_wait3A_332 : memref<1x128xi32, #tpu.memory_space<hbm>> -> memref<128xi32, #tpu.memory_space<hbm>>
        tpu.wait_dma2 semaphore(%arg13 : memref<!tpu.dma_semaphore, #tpu.memory_space<semaphore_mem>>) src(%dma_wait3A_333 : memref<128xi32, #tpu.memory_space<hbm>>) dst(%dma_wait3A_331 : memref<128xi32, #tpu.memory_space<vmem>>)
        %mul3A_334 = arith.constant 4 : i32
        %mul3A_335 = arith.muli %add3A_316, %mul3A_334 : i32
        %add3A_336 = arith.constant 1 : i32
        %add3A_337 = arith.addi %mul3A_335, %add3A_336 : i32
        %mul3A_338 = arith.constant 128 : i32
        %mul3A_339 = arith.muli %add3A, %mul3A_338 : i32
        %dma_wait3A_340 = arith.constant 1 : i32
        %dma_wait3A_341 = arith.constant 128 : i32
        %dma_wait3A_342 = tpu.memref_slice %arg6[%dma_wait3A_340, %dma_wait3A_341] : memref<2x512xi32, #tpu.memory_space<vmem>> -> memref<1x128xi32, #tpu.memory_space<vmem>>
        %dma_wait3A_343 = tpu.memref_squeeze %dma_wait3A_342 : memref<1x128xi32, #tpu.memory_space<vmem>> -> memref<128xi32, #tpu.memory_space<vmem>>
        %dma_wait3A_344 = tpu.memref_slice %arg2[%add3A_337, %mul3A_339] : memref<200x4096xi32, #tpu.memory_space<hbm>> -> memref<1x128xi32, #tpu.memory_space<hbm>>
        %dma_wait3A_345 = tpu.memref_squeeze %dma_wait3A_344 : memref<1x128xi32, #tpu.memory_space<hbm>> -> memref<128xi32, #tpu.memory_space<hbm>>
        %dma_wait3A_346 = arith.constant 128 : i32
        %dma_wait3A_347 = tpu.memref_slice %arg6[%dma_wait3A_340, %dma_wait3A_346] : memref<2x512xi32, #tpu.memory_space<vmem>> -> memref<1x128xi32, #tpu.memory_space<vmem>>
        %dma_wait3A_348 = tpu.memref_squeeze %dma_wait3A_347 : memref<1x128xi32, #tpu.memory_space<vmem>> -> memref<128xi32, #tpu.memory_space<vmem>>
        %dma_wait3A_349 = tpu.memref_slice %arg2[%add3A_337, %mul3A_339] : memref<200x4096xi32, #tpu.memory_space<hbm>> -> memref<1x128xi32, #tpu.memory_space<hbm>>
        %dma_wait3A_350 = tpu.memref_squeeze %dma_wait3A_349 : memref<1x128xi32, #tpu.memory_space<hbm>> -> memref<128xi32, #tpu.memory_space<hbm>>
        tpu.wait_dma2 semaphore(%arg13 : memref<!tpu.dma_semaphore, #tpu.memory_space<semaphore_mem>>) src(%dma_wait3A_350 : memref<128xi32, #tpu.memory_space<hbm>>) dst(%dma_wait3A_348 : memref<128xi32, #tpu.memory_space<vmem>>)
        %mul3A_351 = arith.constant 4 : i32
        %mul3A_352 = arith.muli %add3A_316, %mul3A_351 : i32
        %add3A_353 = arith.constant 2 : i32
        %add3A_354 = arith.addi %mul3A_352, %add3A_353 : i32
        %mul3A_355 = arith.constant 128 : i32
        %mul3A_356 = arith.muli %add3A, %mul3A_355 : i32
        %dma_wait3A_357 = arith.constant 1 : i32
        %dma_wait3A_358 = arith.constant 256 : i32
        %dma_wait3A_359 = tpu.memref_slice %arg6[%dma_wait3A_357, %dma_wait3A_358] : memref<2x512xi32, #tpu.memory_space<vmem>> -> memref<1x128xi32, #tpu.memory_space<vmem>>
        %dma_wait3A_360 = tpu.memref_squeeze %dma_wait3A_359 : memref<1x128xi32, #tpu.memory_space<vmem>> -> memref<128xi32, #tpu.memory_space<vmem>>
        %dma_wait3A_361 = tpu.memref_slice %arg2[%add3A_354, %mul3A_356] : memref<200x4096xi32, #tpu.memory_space<hbm>> -> memref<1x128xi32, #tpu.memory_space<hbm>>
        %dma_wait3A_362 = tpu.memref_squeeze %dma_wait3A_361 : memref<1x128xi32, #tpu.memory_space<hbm>> -> memref<128xi32, #tpu.memory_space<hbm>>
        %dma_wait3A_363 = arith.constant 256 : i32
        %dma_wait3A_364 = tpu.memref_slice %arg6[%dma_wait3A_357, %dma_wait3A_363] : memref<2x512xi32, #tpu.memory_space<vmem>> -> memref<1x128xi32, #tpu.memory_space<vmem>>
        %dma_wait3A_365 = tpu.memref_squeeze %dma_wait3A_364 : memref<1x128xi32, #tpu.memory_space<vmem>> -> memref<128xi32, #tpu.memory_space<vmem>>
        %dma_wait3A_366 = tpu.memref_slice %arg2[%add3A_354, %mul3A_356] : memref<200x4096xi32, #tpu.memory_space<hbm>> -> memref<1x128xi32, #tpu.memory_space<hbm>>
        %dma_wait3A_367 = tpu.memref_squeeze %dma_wait3A_366 : memref<1x128xi32, #tpu.memory_space<hbm>> -> memref<128xi32, #tpu.memory_space<hbm>>
        tpu.wait_dma2 semaphore(%arg13 : memref<!tpu.dma_semaphore, #tpu.memory_space<semaphore_mem>>) src(%dma_wait3A_367 : memref<128xi32, #tpu.memory_space<hbm>>) dst(%dma_wait3A_365 : memref<128xi32, #tpu.memory_space<vmem>>)
        %mul3A_368 = arith.constant 4 : i32
        %mul3A_369 = arith.muli %add3A_316, %mul3A_368 : i32
        %add3A_370 = arith.constant 3 : i32
        %add3A_371 = arith.addi %mul3A_369, %add3A_370 : i32
        %mul3A_372 = arith.constant 128 : i32
        %mul3A_373 = arith.muli %add3A, %mul3A_372 : i32
        %dma_wait3A_374 = arith.constant 1 : i32
        %dma_wait3A_375 = arith.constant 384 : i32
        %dma_wait3A_376 = tpu.memref_slice %arg6[%dma_wait3A_374, %dma_wait3A_375] : memref<2x512xi32, #tpu.memory_space<vmem>> -> memref<1x128xi32, #tpu.memory_space<vmem>>
        %dma_wait3A_377 = tpu.memref_squeeze %dma_wait3A_376 : memref<1x128xi32, #tpu.memory_space<vmem>> -> memref<128xi32, #tpu.memory_space<vmem>>
        %dma_wait3A_378 = tpu.memref_slice %arg2[%add3A_371, %mul3A_373] : memref<200x4096xi32, #tpu.memory_space<hbm>> -> memref<1x128xi32, #tpu.memory_space<hbm>>
        %dma_wait3A_379 = tpu.memref_squeeze %dma_wait3A_378 : memref<1x128xi32, #tpu.memory_space<hbm>> -> memref<128xi32, #tpu.memory_space<hbm>>
        %dma_wait3A_380 = arith.constant 384 : i32
        %dma_wait3A_381 = tpu.memref_slice %arg6[%dma_wait3A_374, %dma_wait3A_380] : memref<2x512xi32, #tpu.memory_space<vmem>> -> memref<1x128xi32, #tpu.memory_space<vmem>>
        %dma_wait3A_382 = tpu.memref_squeeze %dma_wait3A_381 : memref<1x128xi32, #tpu.memory_space<vmem>> -> memref<128xi32, #tpu.memory_space<vmem>>
        %dma_wait3A_383 = tpu.memref_slice %arg2[%add3A_371, %mul3A_373] : memref<200x4096xi32, #tpu.memory_space<hbm>> -> memref<1x128xi32, #tpu.memory_space<hbm>>
        %dma_wait3A_384 = tpu.memref_squeeze %dma_wait3A_383 : memref<1x128xi32, #tpu.memory_space<hbm>> -> memref<128xi32, #tpu.memory_space<hbm>>
        tpu.wait_dma2 semaphore(%arg13 : memref<!tpu.dma_semaphore, #tpu.memory_space<semaphore_mem>>) src(%dma_wait3A_384 : memref<128xi32, #tpu.memory_space<hbm>>) dst(%dma_wait3A_382 : memref<128xi32, #tpu.memory_space<vmem>>)
        %add3A_385 = arith.constant 1 : i32
        %add3A_386 = arith.addi %add3A_208, %add3A_385 : i32
        %dma_start3A_387 = arith.constant 1 : i32
        %dma_start3A_388 = arith.constant 0 : i32
        %dma_start3A_389 = tpu.memref_slice %arg6[%dma_start3A_387, %dma_start3A_388] : memref<2x512xi32, #tpu.memory_space<vmem>> -> memref<1x512xi32, #tpu.memory_space<vmem>>
        %dma_start3A_390 = tpu.memref_squeeze %dma_start3A_389 : memref<1x512xi32, #tpu.memory_space<vmem>> -> memref<512xi32, #tpu.memory_space<vmem>>
        %dma_start3A_391 = arith.constant 0 : i32
        %dma_start3A_392 = arith.constant 0 : i32
        %dma_start3A_393 = tpu.memref_slice %arg3[%dma_start3A_391, %dma_start3A_392] : memref<1000000x64xf32, #tpu.memory_space<hbm>> -> memref<1000000x64xf32, #tpu.memory_space<hbm>>
        tpu.enqueue_indirect_dma source(%dma_start3A_393 : memref<1000000x64xf32, #tpu.memory_space<hbm>>) target(%arg8 : memref<512x64xf32, #tpu.memory_space<vmem>>) offsets(%dma_start3A_390 : memref<512xi32, #tpu.memory_space<vmem>>) semaphore(%arg12 : memref<!tpu.dma_semaphore, #tpu.memory_space<semaphore_mem>>)
      } else {
      }
      %dma_wait3A_213 = arith.constant 0 : i32
      %dma_wait3A_214 = arith.constant 0 : i32
      %dma_wait3A_215 = tpu.memref_slice %arg6[%dma_wait3A_213, %dma_wait3A_214] : memref<2x512xi32, #tpu.memory_space<vmem>> -> memref<1x512xi32, #tpu.memory_space<vmem>>
      %dma_wait3A_216 = tpu.memref_squeeze %dma_wait3A_215 : memref<1x512xi32, #tpu.memory_space<vmem>> -> memref<512xi32, #tpu.memory_space<vmem>>
      %dma_wait3A_217 = arith.constant 0 : i32
      %dma_wait3A_218 = arith.constant 0 : i32
      %dma_wait3A_219 = tpu.memref_slice %arg3[%dma_wait3A_217, %dma_wait3A_218] : memref<1000000x64xf32, #tpu.memory_space<hbm>> -> memref<1000000x64xf32, #tpu.memory_space<hbm>>
      tpu.wait_indirect_dma semaphore(%arg11 : memref<!tpu.dma_semaphore, #tpu.memory_space<semaphore_mem>>) src(%dma_wait3A_219 : memref<1000000x64xf32, #tpu.memory_space<hbm>>) dst(%arg7 : memref<512x64xf32, #tpu.memory_space<vmem>>)
      %add3A_220 = arith.constant 2 : i32
      %add3A_221 = arith.addi %add3A_208, %add3A_220 : i32
      %lt3A_222 = arith.constant 50 : i32
      %lt3A_223 = arith.cmpi slt, %add3A_221, %lt3A_222 : i32
      %convert_element_type3A_224 = arith.extui %lt3A_223 : i1 to i32
      %cond3A_225 = arith.constant 0 : i32
      %cond3A_226 = arith.cmpi ne, %convert_element_type3A_224, %cond3A_225 : i32
      scf.if %cond3A_226 {
        %add3A_315 = arith.constant 2 : i32
        %add3A_316 = arith.addi %add3A_208, %add3A_315 : i32
        %mul3A_317 = arith.constant 4 : i32
        %mul3A_318 = arith.muli %add3A_316, %mul3A_317 : i32
        %add3A_319 = arith.constant 0 : i32
        %add3A_320 = arith.addi %mul3A_318, %add3A_319 : i32
        %mul3A_321 = arith.constant 128 : i32
        %mul3A_322 = arith.muli %add3A, %mul3A_321 : i32
        %dma_start3A_323 = arith.constant 0 : i32
        %dma_start3A_324 = arith.constant 0 : i32
        %dma_start3A_325 = tpu.memref_slice %arg6[%dma_start3A_323, %dma_start3A_324] : memref<2x512xi32, #tpu.memory_space<vmem>> -> memref<1x128xi32, #tpu.memory_space<vmem>>
        %dma_start3A_326 = tpu.memref_squeeze %dma_start3A_325 : memref<1x128xi32, #tpu.memory_space<vmem>> -> memref<128xi32, #tpu.memory_space<vmem>>
        %dma_start3A_327 = tpu.memref_slice %arg2[%add3A_320, %mul3A_322] : memref<200x4096xi32, #tpu.memory_space<hbm>> -> memref<1x128xi32, #tpu.memory_space<hbm>>
        %dma_start3A_328 = tpu.memref_squeeze %dma_start3A_327 : memref<1x128xi32, #tpu.memory_space<hbm>> -> memref<128xi32, #tpu.memory_space<hbm>>
        %dma_start3A_329 = arith.constant 0 : i32
        %dma_start3A_330 = tpu.memref_slice %arg6[%dma_start3A_323, %dma_start3A_329] : memref<2x512xi32, #tpu.memory_space<vmem>> -> memref<1x128xi32, #tpu.memory_space<vmem>>
        %dma_start3A_331 = tpu.memref_squeeze %dma_start3A_330 : memref<1x128xi32, #tpu.memory_space<vmem>> -> memref<128xi32, #tpu.memory_space<vmem>>
        %dma_start3A_332 = tpu.memref_slice %arg2[%add3A_320, %mul3A_322] : memref<200x4096xi32, #tpu.memory_space<hbm>> -> memref<1x128xi32, #tpu.memory_space<hbm>>
        %dma_start3A_333 = tpu.memref_squeeze %dma_start3A_332 : memref<1x128xi32, #tpu.memory_space<hbm>> -> memref<128xi32, #tpu.memory_space<hbm>>
        tpu.enqueue_dma source(%dma_start3A_333 : memref<128xi32, #tpu.memory_space<hbm>>) target(%dma_start3A_331 : memref<128xi32, #tpu.memory_space<vmem>>) target_semaphore(%arg13 : memref<!tpu.dma_semaphore, #tpu.memory_space<semaphore_mem>>)
        %mul3A_334 = arith.constant 4 : i32
        %mul3A_335 = arith.muli %add3A_316, %mul3A_334 : i32
        %add3A_336 = arith.constant 1 : i32
        %add3A_337 = arith.addi %mul3A_335, %add3A_336 : i32
        %mul3A_338 = arith.constant 128 : i32
        %mul3A_339 = arith.muli %add3A, %mul3A_338 : i32
        %dma_start3A_340 = arith.constant 0 : i32
        %dma_start3A_341 = arith.constant 128 : i32
        %dma_start3A_342 = tpu.memref_slice %arg6[%dma_start3A_340, %dma_start3A_341] : memref<2x512xi32, #tpu.memory_space<vmem>> -> memref<1x128xi32, #tpu.memory_space<vmem>>
        %dma_start3A_343 = tpu.memref_squeeze %dma_start3A_342 : memref<1x128xi32, #tpu.memory_space<vmem>> -> memref<128xi32, #tpu.memory_space<vmem>>
        %dma_start3A_344 = tpu.memref_slice %arg2[%add3A_337, %mul3A_339] : memref<200x4096xi32, #tpu.memory_space<hbm>> -> memref<1x128xi32, #tpu.memory_space<hbm>>
        %dma_start3A_345 = tpu.memref_squeeze %dma_start3A_344 : memref<1x128xi32, #tpu.memory_space<hbm>> -> memref<128xi32, #tpu.memory_space<hbm>>
        %dma_start3A_346 = arith.constant 128 : i32
        %dma_start3A_347 = tpu.memref_slice %arg6[%dma_start3A_340, %dma_start3A_346] : memref<2x512xi32, #tpu.memory_space<vmem>> -> memref<1x128xi32, #tpu.memory_space<vmem>>
        %dma_start3A_348 = tpu.memref_squeeze %dma_start3A_347 : memref<1x128xi32, #tpu.memory_space<vmem>> -> memref<128xi32, #tpu.memory_space<vmem>>
        %dma_start3A_349 = tpu.memref_slice %arg2[%add3A_337, %mul3A_339] : memref<200x4096xi32, #tpu.memory_space<hbm>> -> memref<1x128xi32, #tpu.memory_space<hbm>>
        %dma_start3A_350 = tpu.memref_squeeze %dma_start3A_349 : memref<1x128xi32, #tpu.memory_space<hbm>> -> memref<128xi32, #tpu.memory_space<hbm>>
        tpu.enqueue_dma source(%dma_start3A_350 : memref<128xi32, #tpu.memory_space<hbm>>) target(%dma_start3A_348 : memref<128xi32, #tpu.memory_space<vmem>>) target_semaphore(%arg13 : memref<!tpu.dma_semaphore, #tpu.memory_space<semaphore_mem>>)
        %mul3A_351 = arith.constant 4 : i32
        %mul3A_352 = arith.muli %add3A_316, %mul3A_351 : i32
        %add3A_353 = arith.constant 2 : i32
        %add3A_354 = arith.addi %mul3A_352, %add3A_353 : i32
        %mul3A_355 = arith.constant 128 : i32
        %mul3A_356 = arith.muli %add3A, %mul3A_355 : i32
        %dma_start3A_357 = arith.constant 0 : i32
        %dma_start3A_358 = arith.constant 256 : i32
        %dma_start3A_359 = tpu.memref_slice %arg6[%dma_start3A_357, %dma_start3A_358] : memref<2x512xi32, #tpu.memory_space<vmem>> -> memref<1x128xi32, #tpu.memory_space<vmem>>
        %dma_start3A_360 = tpu.memref_squeeze %dma_start3A_359 : memref<1x128xi32, #tpu.memory_space<vmem>> -> memref<128xi32, #tpu.memory_space<vmem>>
        %dma_start3A_361 = tpu.memref_slice %arg2[%add3A_354, %mul3A_356] : memref<200x4096xi32, #tpu.memory_space<hbm>> -> memref<1x128xi32, #tpu.memory_space<hbm>>
        %dma_start3A_362 = tpu.memref_squeeze %dma_start3A_361 : memref<1x128xi32, #tpu.memory_space<hbm>> -> memref<128xi32, #tpu.memory_space<hbm>>
        %dma_start3A_363 = arith.constant 256 : i32
        %dma_start3A_364 = tpu.memref_slice %arg6[%dma_start3A_357, %dma_start3A_363] : memref<2x512xi32, #tpu.memory_space<vmem>> -> memref<1x128xi32, #tpu.memory_space<vmem>>
        %dma_start3A_365 = tpu.memref_squeeze %dma_start3A_364 : memref<1x128xi32, #tpu.memory_space<vmem>> -> memref<128xi32, #tpu.memory_space<vmem>>
        %dma_start3A_366 = tpu.memref_slice %arg2[%add3A_354, %mul3A_356] : memref<200x4096xi32, #tpu.memory_space<hbm>> -> memref<1x128xi32, #tpu.memory_space<hbm>>
        %dma_start3A_367 = tpu.memref_squeeze %dma_start3A_366 : memref<1x128xi32, #tpu.memory_space<hbm>> -> memref<128xi32, #tpu.memory_space<hbm>>
        tpu.enqueue_dma source(%dma_start3A_367 : memref<128xi32, #tpu.memory_space<hbm>>) target(%dma_start3A_365 : memref<128xi32, #tpu.memory_space<vmem>>) target_semaphore(%arg13 : memref<!tpu.dma_semaphore, #tpu.memory_space<semaphore_mem>>)
        %mul3A_368 = arith.constant 4 : i32
        %mul3A_369 = arith.muli %add3A_316, %mul3A_368 : i32
        %add3A_370 = arith.constant 3 : i32
        %add3A_371 = arith.addi %mul3A_369, %add3A_370 : i32
        %mul3A_372 = arith.constant 128 : i32
        %mul3A_373 = arith.muli %add3A, %mul3A_372 : i32
        %dma_start3A_374 = arith.constant 0 : i32
        %dma_start3A_375 = arith.constant 384 : i32
        %dma_start3A_376 = tpu.memref_slice %arg6[%dma_start3A_374, %dma_start3A_375] : memref<2x512xi32, #tpu.memory_space<vmem>> -> memref<1x128xi32, #tpu.memory_space<vmem>>
        %dma_start3A_377 = tpu.memref_squeeze %dma_start3A_376 : memref<1x128xi32, #tpu.memory_space<vmem>> -> memref<128xi32, #tpu.memory_space<vmem>>
        %dma_start3A_378 = tpu.memref_slice %arg2[%add3A_371, %mul3A_373] : memref<200x4096xi32, #tpu.memory_space<hbm>> -> memref<1x128xi32, #tpu.memory_space<hbm>>
        %dma_start3A_379 = tpu.memref_squeeze %dma_start3A_378 : memref<1x128xi32, #tpu.memory_space<hbm>> -> memref<128xi32, #tpu.memory_space<hbm>>
        %dma_start3A_380 = arith.constant 384 : i32
        %dma_start3A_381 = tpu.memref_slice %arg6[%dma_start3A_374, %dma_start3A_380] : memref<2x512xi32, #tpu.memory_space<vmem>> -> memref<1x128xi32, #tpu.memory_space<vmem>>
        %dma_start3A_382 = tpu.memref_squeeze %dma_start3A_381 : memref<1x128xi32, #tpu.memory_space<vmem>> -> memref<128xi32, #tpu.memory_space<vmem>>
        %dma_start3A_383 = tpu.memref_slice %arg2[%add3A_371, %mul3A_373] : memref<200x4096xi32, #tpu.memory_space<hbm>> -> memref<1x128xi32, #tpu.memory_space<hbm>>
        %dma_start3A_384 = tpu.memref_squeeze %dma_start3A_383 : memref<1x128xi32, #tpu.memory_space<hbm>> -> memref<128xi32, #tpu.memory_space<hbm>>
        tpu.enqueue_dma source(%dma_start3A_384 : memref<128xi32, #tpu.memory_space<hbm>>) target(%dma_start3A_382 : memref<128xi32, #tpu.memory_space<vmem>>) target_semaphore(%arg13 : memref<!tpu.dma_semaphore, #tpu.memory_space<semaphore_mem>>)
      } else {
      }
      %gt3A = arith.constant 0 : i32
      %gt3A_227 = arith.cmpi sgt, %add3A_208, %gt3A : i32
      %convert_element_type3A_228 = arith.extui %gt3A_227 : i1 to i32
      %cond3A_229 = arith.constant 0 : i32
      %cond3A_230 = arith.cmpi ne, %convert_element_type3A_228, %cond3A_229 : i32
      scf.if %cond3A_230 {
        %sub3A = arith.constant 1 : i32
        %sub3A_315 = arith.subi %add3A_208, %sub3A : i32
        %mul3A_316 = arith.constant 4 : i32
        %mul3A_317 = arith.muli %sub3A_315, %mul3A_316 : i32
        %dma_wait3A_318 = arith.constant 0 : i32
        %dma_wait3A_319 = arith.constant 0 : i32
        %dma_wait3A_320 = arith.constant 0 : i32
        %dma_wait3A_321 = arith.constant 0 : i32
        %dma_wait3A_322 = tpu.memref_slice %arg9[%dma_wait3A_318, %dma_wait3A_319, %dma_wait3A_320, %dma_wait3A_321] : memref<4x8x8x129xf32, #tpu.memory_space<vmem>> -> memref<4x8x8x128xf32, #tpu.memory_space<vmem>>
        %dma_wait3A_323 = arith.constant 0 : i32
        %dma_wait3A_324 = arith.constant 0 : i32
        %dma_wait3A_325 = arith.constant 0 : i32
        %dma_wait3A_326 = tpu.memref_slice %arg5[%mul3A_317, %dma_wait3A_323, %add3A, %dma_wait3A_324, %dma_wait3A_325] : memref<200x8x32x8x128xf32, #tpu.memory_space<hbm>> -> memref<4x8x1x8x128xf32, #tpu.memory_space<hbm>>
        %dma_wait3A_327 = tpu.memref_squeeze %dma_wait3A_326 : memref<4x8x1x8x128xf32, #tpu.memory_space<hbm>> -> memref<4x8x8x128xf32, #tpu.memory_space<hbm>>
        %dma_wait3A_328 = arith.constant 0 : i32
        %dma_wait3A_329 = arith.constant 0 : i32
        %dma_wait3A_330 = arith.constant 0 : i32
        %dma_wait3A_331 = tpu.memref_slice %arg5[%mul3A_317, %dma_wait3A_328, %add3A, %dma_wait3A_329, %dma_wait3A_330] : memref<200x8x32x8x128xf32, #tpu.memory_space<hbm>> -> memref<4x8x1x8x128xf32, #tpu.memory_space<hbm>>
        %dma_wait3A_332 = tpu.memref_squeeze %dma_wait3A_331 : memref<4x8x1x8x128xf32, #tpu.memory_space<hbm>> -> memref<4x8x8x128xf32, #tpu.memory_space<hbm>>
        %dma_wait3A_333 = arith.constant 0 : i32
        %dma_wait3A_334 = arith.constant 0 : i32
        %dma_wait3A_335 = arith.constant 0 : i32
        %dma_wait3A_336 = arith.constant 0 : i32
        %dma_wait3A_337 = tpu.memref_slice %arg9[%dma_wait3A_333, %dma_wait3A_334, %dma_wait3A_335, %dma_wait3A_336] : memref<4x8x8x129xf32, #tpu.memory_space<vmem>> -> memref<4x8x8x128xf32, #tpu.memory_space<vmem>>
        tpu.wait_dma2 semaphore(%arg14 : memref<!tpu.dma_semaphore, #tpu.memory_space<semaphore_mem>>) src(%dma_wait3A_337 : memref<4x8x8x128xf32, #tpu.memory_space<vmem>>) dst(%dma_wait3A_332 : memref<4x8x8x128xf32, #tpu.memory_space<hbm>>)
      } else {
      }
      %scan3A_231 = arith.constant 0 : i32
      %scan3A_232 = arith.constant 0 : i32
      %scan3A_233 = arith.constant 64 : i32
      %scan3A_234 = arith.addi %scan3A_232, %scan3A_233 : i32
      %scan3A_235 = arith.constant 1 : i32
      scf.for %scan3A_315 = %scan3A_232 to %scan3A_234 step %scan3A_235  : i32 {
        %jit3A = arith.constant 16 : i32
        %div3A = arith.divsi %scan3A_315, %jit3A : i32
        %sign3A = arith.constant 0 : i32
        %sign3A_316 = arith.cmpi sgt, %scan3A_315, %sign3A : i32
        %sign3A_317 = arith.extui %sign3A_316 : i1 to i32
        %sign3A_318 = arith.constant 0 : i32
        %sign3A_319 = arith.cmpi slt, %scan3A_315, %sign3A_318 : i32
        %sign3A_320 = arith.extui %sign3A_319 : i1 to i32
        %sign3A_321 = arith.subi %sign3A_317, %sign3A_320 : i32
        %sign3A_322 = arith.constant 0 : i32
        %sign3A_323 = arith.cmpi sgt, %jit3A, %sign3A_322 : i32
        %sign3A_324 = arith.extui %sign3A_323 : i1 to i32
        %sign3A_325 = arith.constant 0 : i32
        %sign3A_326 = arith.cmpi slt, %jit3A, %sign3A_325 : i32
        %sign3A_327 = arith.extui %sign3A_326 : i1 to i32
        %sign3A_328 = arith.subi %sign3A_324, %sign3A_327 : i32
        %ne3A = arith.cmpi ne, %sign3A_321, %sign3A_328 : i32
        %rem3A = arith.remsi %scan3A_315, %jit3A : i32
        %ne3A_329 = arith.constant 0 : i32
        %ne3A_330 = arith.cmpi ne, %rem3A, %ne3A_329 : i32
        %and3A = arith.andi %ne3A, %ne3A_330 : i1
        %sub3A = arith.constant 1 : i32
        %sub3A_331 = arith.subi %div3A, %sub3A : i32
        %select_n3A = arith.select %and3A, %sub3A_331, %div3A : i32
        %jit3A_332 = arith.constant 16 : i32
        %eq3A = arith.constant 0 : i32
        %eq3A_333 = arith.cmpi eq, %jit3A_332, %eq3A : i32
        %jit3A_334 = arith.constant 1 : i32
        %select_n3A_335 = arith.select %eq3A_333, %jit3A_334, %jit3A_332 : i32
        %rem3A_336 = arith.remsi %scan3A_315, %select_n3A_335 : i32
        %ne3A_337 = arith.constant 0 : i32
        %ne3A_338 = arith.cmpi ne, %rem3A_336, %ne3A_337 : i32
        %lt3A_339 = arith.constant 0 : i32
        %lt3A_340 = arith.cmpi slt, %rem3A_336, %lt3A_339 : i32
        %lt3A_341 = arith.constant 0 : i32
        %lt3A_342 = arith.cmpi slt, %select_n3A_335, %lt3A_341 : i32
        %ne3A_343 = arith.xori %lt3A_340, %lt3A_342 : i1
        %and3A_344 = arith.andi %ne3A_343, %ne3A_338 : i1
        %add3A_345 = arith.addi %rem3A_336, %select_n3A_335 : i32
        %select_n3A_346 = arith.select %and3A_344, %add3A_345, %rem3A_336 : i32
        %mul3A_347 = arith.constant 64 : i32
        %mul3A_348 = arith.muli %select_n3A, %mul3A_347 : i32
        %add3A_349 = arith.constant 0 : i32
        %add3A_350 = arith.addi %mul3A_348, %add3A_349 : i32
        %add3A_351 = vector.broadcast %add3A_350 : i32 to vector<16xi32>
        %add3A_352 = arith.addi %add3A_351, %iota3A : vector<16xi32>
        %mul3A_353 = arith.constant 64 : i32
        %mul3A_354 = arith.muli %select_n3A, %mul3A_353 : i32
        %add3A_355 = arith.constant 16 : i32
        %add3A_356 = arith.addi %mul3A_354, %add3A_355 : i32
        %add3A_357 = vector.broadcast %add3A_356 : i32 to vector<16xi32>
        %add3A_358 = arith.addi %add3A_357, %iota3A : vector<16xi32>
        %mul3A_359 = arith.constant 64 : i32
        %mul3A_360 = arith.muli %select_n3A, %mul3A_359 : i32
        %add3A_361 = arith.constant 32 : i32
        %add3A_362 = arith.addi %mul3A_360, %add3A_361 : i32
        %add3A_363 = vector.broadcast %add3A_362 : i32 to vector<16xi32>
        %add3A_364 = arith.addi %add3A_363, %iota3A : vector<16xi32>
        %mul3A_365 = arith.constant 64 : i32
        %mul3A_366 = arith.muli %select_n3A, %mul3A_365 : i32
        %add3A_367 = arith.constant 48 : i32
        %add3A_368 = arith.addi %mul3A_366, %add3A_367 : i32
        %add3A_369 = vector.broadcast %add3A_368 : i32 to vector<16xi32>
        %add3A_370 = arith.addi %add3A_369, %iota3A : vector<16xi32>
        %mul3A_371 = arith.constant 4 : i32
        %mul3A_372 = arith.muli %add3A_208, %mul3A_371 : i32
        %add3A_373 = arith.addi %mul3A_372, %select_n3A : i32
        %get3A = arith.index_cast %add3A_373 : i32 to index
        %get3A_374 = arith.constant 0 : index
        %get3A_375 = tpu.vector_load %arg10[%get3A, %get3A_374] {strides = array<i32>} : memref<200x64xf32, #tpu.memory_space<vmem>>, vector<16xf32>,
        %mul3A_376 = arith.constant 4 : i32
        %mul3A_377 = arith.muli %add3A_208, %mul3A_376 : i32
        %add3A_378 = arith.addi %mul3A_377, %select_n3A : i32
        %get3A_379 = arith.index_cast %add3A_378 : i32 to index
        %get3A_380 = arith.constant 16 : index
        %get3A_381 = tpu.vector_load %arg10[%get3A_379, %get3A_380] {strides = array<i32>} : memref<200x64xf32, #tpu.memory_space<vmem>>, vector<16xf32>,
        %mul3A_382 = arith.constant 4 : i32
        %mul3A_383 = arith.muli %add3A_208, %mul3A_382 : i32
        %add3A_384 = arith.addi %mul3A_383, %select_n3A : i32
        %get3A_385 = arith.index_cast %add3A_384 : i32 to index
        %get3A_386 = arith.constant 32 : index
        %get3A_387 = tpu.vector_load %arg10[%get3A_385, %get3A_386] {strides = array<i32>} : memref<200x64xf32, #tpu.memory_space<vmem>>, vector<16xf32>,
        %mul3A_388 = arith.constant 4 : i32
        %mul3A_389 = arith.muli %add3A_208, %mul3A_388 : i32
        %add3A_390 = arith.addi %mul3A_389, %select_n3A : i32
        %get3A_391 = arith.index_cast %add3A_390 : i32 to index
        %get3A_392 = arith.constant 48 : index
        %get3A_393 = tpu.vector_load %arg10[%get3A_391, %get3A_392] {strides = array<i32>} : memref<200x64xf32, #tpu.memory_space<vmem>>, vector<16xf32>,
        %mul3A_394 = arith.constant 8 : i32
        %mul3A_395 = arith.muli %select_n3A_346, %mul3A_394 : i32
        %add3A_396 = arith.constant 0 : i32
        %add3A_397 = arith.addi %mul3A_395, %add3A_396 : i32
        %broadcast_in_dim3A = vector.broadcast %add3A_397 : i32 to vector<16xi32>
        %mul3A_398 = arith.constant 128 : i32
        %mul3A_399 = arith.muli %select_n3A, %mul3A_398 : i32
        %add3A_400 = arith.addi %mul3A_399, %add3A_397 : i32
        %get3A_401 = arith.index_cast %add3A_400 : i32 to index
        %get3A_402 = arith.constant 0 : index
        %get3A_403 = tpu.vector_load %arg7[%get3A_401, %get3A_402] {strides = array<i32>} : memref<512x64xf32, #tpu.memory_space<vmem>>, vector<16xf32>,
        %add3A_404 = arith.addf %get3A_403, %get3A_375 : vector<16xf32>
        tpu.vector_store_idx %arg9[%mul3A_176, %mul3A_176, %add3A_352, %broadcast_in_dim3A], %add3A_404 : memref<4x8x8x129xf32, #tpu.memory_space<vmem>>[vector<16xi32>, vector<16xi32>, vector<16xi32>, vector<16xi32>], vector<16xf32>,
        %mul3A_405 = arith.constant 128 : i32
        %mul3A_406 = arith.muli %select_n3A, %mul3A_405 : i32
        %add3A_407 = arith.addi %mul3A_406, %add3A_397 : i32
        %get3A_408 = arith.index_cast %add3A_407 : i32 to index
        %get3A_409 = arith.constant 16 : index
        %get3A_410 = tpu.vector_load %arg7[%get3A_408, %get3A_409] {strides = array<i32>} : memref<512x64xf32, #tpu.memory_space<vmem>>, vector<16xf32>,
        %add3A_411 = arith.addf %get3A_410, %get3A_381 : vector<16xf32>
        tpu.vector_store_idx %arg9[%mul3A_176, %mul3A_176, %add3A_358, %broadcast_in_dim3A], %add3A_411 : memref<4x8x8x129xf32, #tpu.memory_space<vmem>>[vector<16xi32>, vector<16xi32>, vector<16xi32>, vector<16xi32>], vector<16xf32>,
        %mul3A_412 = arith.constant 128 : i32
        %mul3A_413 = arith.muli %select_n3A, %mul3A_412 : i32
        %add3A_414 = arith.addi %mul3A_413, %add3A_397 : i32
        %get3A_415 = arith.index_cast %add3A_414 : i32 to index
        %get3A_416 = arith.constant 32 : index
        %get3A_417 = tpu.vector_load %arg7[%get3A_415, %get3A_416] {strides = array<i32>} : memref<512x64xf32, #tpu.memory_space<vmem>>, vector<16xf32>,
        %add3A_418 = arith.addf %get3A_417, %get3A_387 : vector<16xf32>
        tpu.vector_store_idx %arg9[%mul3A_176, %mul3A_176, %add3A_364, %broadcast_in_dim3A], %add3A_418 : memref<4x8x8x129xf32, #tpu.memory_space<vmem>>[vector<16xi32>, vector<16xi32>, vector<16xi32>, vector<16xi32>], vector<16xf32>,
        %mul3A_419 = arith.constant 128 : i32
        %mul3A_420 = arith.muli %select_n3A, %mul3A_419 : i32
        %add3A_421 = arith.addi %mul3A_420, %add3A_397 : i32
        %get3A_422 = arith.index_cast %add3A_421 : i32 to index
        %get3A_423 = arith.constant 48 : index
        %get3A_424 = tpu.vector_load %arg7[%get3A_422, %get3A_423] {strides = array<i32>} : memref<512x64xf32, #tpu.memory_space<vmem>>, vector<16xf32>,
        %add3A_425 = arith.addf %get3A_424, %get3A_393 : vector<16xf32>
        tpu.vector_store_idx %arg9[%mul3A_176, %mul3A_176, %add3A_370, %broadcast_in_dim3A], %add3A_425 : memref<4x8x8x129xf32, #tpu.memory_space<vmem>>[vector<16xi32>, vector<16xi32>, vector<16xi32>, vector<16xi32>], vector<16xf32>,
        %mul3A_426 = arith.constant 8 : i32
        %mul3A_427 = arith.muli %select_n3A_346, %mul3A_426 : i32
        %add3A_428 = arith.constant 1 : i32
        %add3A_429 = arith.addi %mul3A_427, %add3A_428 : i32
        %broadcast_in_dim3A_430 = vector.broadcast %add3A_429 : i32 to vector<16xi32>
        %mul3A_431 = arith.constant 128 : i32
        %mul3A_432 = arith.muli %select_n3A, %mul3A_431 : i32
        %add3A_433 = arith.addi %mul3A_432, %add3A_429 : i32
        %get3A_434 = arith.index_cast %add3A_433 : i32 to index
        %get3A_435 = arith.constant 0 : index
        %get3A_436 = tpu.vector_load %arg7[%get3A_434, %get3A_435] {strides = array<i32>} : memref<512x64xf32, #tpu.memory_space<vmem>>, vector<16xf32>,
        %add3A_437 = arith.addf %get3A_436, %get3A_375 : vector<16xf32>
        tpu.vector_store_idx %arg9[%mul3A_176, %mul3A_176, %add3A_352, %broadcast_in_dim3A_430], %add3A_437 : memref<4x8x8x129xf32, #tpu.memory_space<vmem>>[vector<16xi32>, vector<16xi32>, vector<16xi32>, vector<16xi32>], vector<16xf32>,
        %mul3A_438 = arith.constant 128 : i32
        %mul3A_439 = arith.muli %select_n3A, %mul3A_438 : i32
        %add3A_440 = arith.addi %mul3A_439, %add3A_429 : i32
        %get3A_441 = arith.index_cast %add3A_440 : i32 to index
        %get3A_442 = arith.constant 16 : index
        %get3A_443 = tpu.vector_load %arg7[%get3A_441, %get3A_442] {strides = array<i32>} : memref<512x64xf32, #tpu.memory_space<vmem>>, vector<16xf32>,
        %add3A_444 = arith.addf %get3A_443, %get3A_381 : vector<16xf32>
        tpu.vector_store_idx %arg9[%mul3A_176, %mul3A_176, %add3A_358, %broadcast_in_dim3A_430], %add3A_444 : memref<4x8x8x129xf32, #tpu.memory_space<vmem>>[vector<16xi32>, vector<16xi32>, vector<16xi32>, vector<16xi32>], vector<16xf32>,
        %mul3A_445 = arith.constant 128 : i32
        %mul3A_446 = arith.muli %select_n3A, %mul3A_445 : i32
        %add3A_447 = arith.addi %mul3A_446, %add3A_429 : i32
        %get3A_448 = arith.index_cast %add3A_447 : i32 to index
        %get3A_449 = arith.constant 32 : index
        %get3A_450 = tpu.vector_load %arg7[%get3A_448, %get3A_449] {strides = array<i32>} : memref<512x64xf32, #tpu.memory_space<vmem>>, vector<16xf32>,
        %add3A_451 = arith.addf %get3A_450, %get3A_387 : vector<16xf32>
        tpu.vector_store_idx %arg9[%mul3A_176, %mul3A_176, %add3A_364, %broadcast_in_dim3A_430], %add3A_451 : memref<4x8x8x129xf32, #tpu.memory_space<vmem>>[vector<16xi32>, vector<16xi32>, vector<16xi32>, vector<16xi32>], vector<16xf32>,
        %mul3A_452 = arith.constant 128 : i32
        %mul3A_453 = arith.muli %select_n3A, %mul3A_452 : i32
        %add3A_454 = arith.addi %mul3A_453, %add3A_429 : i32
        %get3A_455 = arith.index_cast %add3A_454 : i32 to index
        %get3A_456 = arith.constant 48 : index
        %get3A_457 = tpu.vector_load %arg7[%get3A_455, %get3A_456] {strides = array<i32>} : memref<512x64xf32, #tpu.memory_space<vmem>>, vector<16xf32>,
        %add3A_458 = arith.addf %get3A_457, %get3A_393 : vector<16xf32>
        tpu.vector_store_idx %arg9[%mul3A_176, %mul3A_176, %add3A_370, %broadcast_in_dim3A_430], %add3A_458 : memref<4x8x8x129xf32, #tpu.memory_space<vmem>>[vector<16xi32>, vector<16xi32>, vector<16xi32>, vector<16xi32>], vector<16xf32>,
        %mul3A_459 = arith.constant 8 : i32
        %mul3A_460 = arith.muli %select_n3A_346, %mul3A_459 : i32
        %add3A_461 = arith.constant 2 : i32
        %add3A_462 = arith.addi %mul3A_460, %add3A_461 : i32
        %broadcast_in_dim3A_463 = vector.broadcast %add3A_462 : i32 to vector<16xi32>
        %mul3A_464 = arith.constant 128 : i32
        %mul3A_465 = arith.muli %select_n3A, %mul3A_464 : i32
        %add3A_466 = arith.addi %mul3A_465, %add3A_462 : i32
        %get3A_467 = arith.index_cast %add3A_466 : i32 to index
        %get3A_468 = arith.constant 0 : index
        %get3A_469 = tpu.vector_load %arg7[%get3A_467, %get3A_468] {strides = array<i32>} : memref<512x64xf32, #tpu.memory_space<vmem>>, vector<16xf32>,
        %add3A_470 = arith.addf %get3A_469, %get3A_375 : vector<16xf32>
        tpu.vector_store_idx %arg9[%mul3A_176, %mul3A_176, %add3A_352, %broadcast_in_dim3A_463], %add3A_470 : memref<4x8x8x129xf32, #tpu.memory_space<vmem>>[vector<16xi32>, vector<16xi32>, vector<16xi32>, vector<16xi32>], vector<16xf32>,
        %mul3A_471 = arith.constant 128 : i32
        %mul3A_472 = arith.muli %select_n3A, %mul3A_471 : i32
        %add3A_473 = arith.addi %mul3A_472, %add3A_462 : i32
        %get3A_474 = arith.index_cast %add3A_473 : i32 to index
        %get3A_475 = arith.constant 16 : index
        %get3A_476 = tpu.vector_load %arg7[%get3A_474, %get3A_475] {strides = array<i32>} : memref<512x64xf32, #tpu.memory_space<vmem>>, vector<16xf32>,
        %add3A_477 = arith.addf %get3A_476, %get3A_381 : vector<16xf32>
        tpu.vector_store_idx %arg9[%mul3A_176, %mul3A_176, %add3A_358, %broadcast_in_dim3A_463], %add3A_477 : memref<4x8x8x129xf32, #tpu.memory_space<vmem>>[vector<16xi32>, vector<16xi32>, vector<16xi32>, vector<16xi32>], vector<16xf32>,
        %mul3A_478 = arith.constant 128 : i32
        %mul3A_479 = arith.muli %select_n3A, %mul3A_478 : i32
        %add3A_480 = arith.addi %mul3A_479, %add3A_462 : i32
        %get3A_481 = arith.index_cast %add3A_480 : i32 to index
        %get3A_482 = arith.constant 32 : index
        %get3A_483 = tpu.vector_load %arg7[%get3A_481, %get3A_482] {strides = array<i32>} : memref<512x64xf32, #tpu.memory_space<vmem>>, vector<16xf32>,
        %add3A_484 = arith.addf %get3A_483, %get3A_387 : vector<16xf32>
        tpu.vector_store_idx %arg9[%mul3A_176, %mul3A_176, %add3A_364, %broadcast_in_dim3A_463], %add3A_484 : memref<4x8x8x129xf32, #tpu.memory_space<vmem>>[vector<16xi32>, vector<16xi32>, vector<16xi32>, vector<16xi32>], vector<16xf32>,
        %mul3A_485 = arith.constant 128 : i32
        %mul3A_486 = arith.muli %select_n3A, %mul3A_485 : i32
        %add3A_487 = arith.addi %mul3A_486, %add3A_462 : i32
        %get3A_488 = arith.index_cast %add3A_487 : i32 to index
        %get3A_489 = arith.constant 48 : index
        %get3A_490 = tpu.vector_load %arg7[%get3A_488, %get3A_489] {strides = array<i32>} : memref<512x64xf32, #tpu.memory_space<vmem>>, vector<16xf32>,
        %add3A_491 = arith.addf %get3A_490, %get3A_393 : vector<16xf32>
        tpu.vector_store_idx %arg9[%mul3A_176, %mul3A_176, %add3A_370, %broadcast_in_dim3A_463], %add3A_491 : memref<4x8x8x129xf32, #tpu.memory_space<vmem>>[vector<16xi32>, vector<16xi32>, vector<16xi32>, vector<16xi32>], vector<16xf32>,
        %mul3A_492 = arith.constant 8 : i32
        %mul3A_493 = arith.muli %select_n3A_346, %mul3A_492 : i32
        %add3A_494 = arith.constant 3 : i32
        %add3A_495 = arith.addi %mul3A_493, %add3A_494 : i32
        %broadcast_in_dim3A_496 = vector.broadcast %add3A_495 : i32 to vector<16xi32>
        %mul3A_497 = arith.constant 128 : i32
        %mul3A_498 = arith.muli %select_n3A, %mul3A_497 : i32
        %add3A_499 = arith.addi %mul3A_498, %add3A_495 : i32
        %get3A_500 = arith.index_cast %add3A_499 : i32 to index
        %get3A_501 = arith.constant 0 : index
        %get3A_502 = tpu.vector_load %arg7[%get3A_500, %get3A_501] {strides = array<i32>} : memref<512x64xf32, #tpu.memory_space<vmem>>, vector<16xf32>,
        %add3A_503 = arith.addf %get3A_502, %get3A_375 : vector<16xf32>
        tpu.vector_store_idx %arg9[%mul3A_176, %mul3A_176, %add3A_352, %broadcast_in_dim3A_496], %add3A_503 : memref<4x8x8x129xf32, #tpu.memory_space<vmem>>[vector<16xi32>, vector<16xi32>, vector<16xi32>, vector<16xi32>], vector<16xf32>,
        %mul3A_504 = arith.constant 128 : i32
        %mul3A_505 = arith.muli %select_n3A, %mul3A_504 : i32
        %add3A_506 = arith.addi %mul3A_505, %add3A_495 : i32
        %get3A_507 = arith.index_cast %add3A_506 : i32 to index
        %get3A_508 = arith.constant 16 : index
        %get3A_509 = tpu.vector_load %arg7[%get3A_507, %get3A_508] {strides = array<i32>} : memref<512x64xf32, #tpu.memory_space<vmem>>, vector<16xf32>,
        %add3A_510 = arith.addf %get3A_509, %get3A_381 : vector<16xf32>
        tpu.vector_store_idx %arg9[%mul3A_176, %mul3A_176, %add3A_358, %broadcast_in_dim3A_496], %add3A_510 : memref<4x8x8x129xf32, #tpu.memory_space<vmem>>[vector<16xi32>, vector<16xi32>, vector<16xi32>, vector<16xi32>], vector<16xf32>,
        %mul3A_511 = arith.constant 128 : i32
        %mul3A_512 = arith.muli %select_n3A, %mul3A_511 : i32
        %add3A_513 = arith.addi %mul3A_512, %add3A_495 : i32
        %get3A_514 = arith.index_cast %add3A_513 : i32 to index
        %get3A_515 = arith.constant 32 : index
        %get3A_516 = tpu.vector_load %arg7[%get3A_514, %get3A_515] {strides = array<i32>} : memref<512x64xf32, #tpu.memory_space<vmem>>, vector<16xf32>,
        %add3A_517 = arith.addf %get3A_516, %get3A_387 : vector<16xf32>
        tpu.vector_store_idx %arg9[%mul3A_176, %mul3A_176, %add3A_364, %broadcast_in_dim3A_496], %add3A_517 : memref<4x8x8x129xf32, #tpu.memory_space<vmem>>[vector<16xi32>, vector<16xi32>, vector<16xi32>, vector<16xi32>], vector<16xf32>,
        %mul3A_518 = arith.constant 128 : i32
        %mul3A_519 = arith.muli %select_n3A, %mul3A_518 : i32
        %add3A_520 = arith.addi %mul3A_519, %add3A_495 : i32
        %get3A_521 = arith.index_cast %add3A_520 : i32 to index
        %get3A_522 = arith.constant 48 : index
        %get3A_523 = tpu.vector_load %arg7[%get3A_521, %get3A_522] {strides = array<i32>} : memref<512x64xf32, #tpu.memory_space<vmem>>, vector<16xf32>,
        %add3A_524 = arith.addf %get3A_523, %get3A_393 : vector<16xf32>
        tpu.vector_store_idx %arg9[%mul3A_176, %mul3A_176, %add3A_370, %broadcast_in_dim3A_496], %add3A_524 : memref<4x8x8x129xf32, #tpu.memory_space<vmem>>[vector<16xi32>, vector<16xi32>, vector<16xi32>, vector<16xi32>], vector<16xf32>,
        %mul3A_525 = arith.constant 8 : i32
        %mul3A_526 = arith.muli %select_n3A_346, %mul3A_525 : i32
        %add3A_527 = arith.constant 4 : i32
        %add3A_528 = arith.addi %mul3A_526, %add3A_527 : i32
        %broadcast_in_dim3A_529 = vector.broadcast %add3A_528 : i32 to vector<16xi32>
        %mul3A_530 = arith.constant 128 : i32
        %mul3A_531 = arith.muli %select_n3A, %mul3A_530 : i32
        %add3A_532 = arith.addi %mul3A_531, %add3A_528 : i32
        %get3A_533 = arith.index_cast %add3A_532 : i32 to index
        %get3A_534 = arith.constant 0 : index
        %get3A_535 = tpu.vector_load %arg7[%get3A_533, %get3A_534] {strides = array<i32>} : memref<512x64xf32, #tpu.memory_space<vmem>>, vector<16xf32>,
        %add3A_536 = arith.addf %get3A_535, %get3A_375 : vector<16xf32>
        tpu.vector_store_idx %arg9[%mul3A_176, %mul3A_176, %add3A_352, %broadcast_in_dim3A_529], %add3A_536 : memref<4x8x8x129xf32, #tpu.memory_space<vmem>>[vector<16xi32>, vector<16xi32>, vector<16xi32>, vector<16xi32>], vector<16xf32>,
        %mul3A_537 = arith.constant 128 : i32
        %mul3A_538 = arith.muli %select_n3A, %mul3A_537 : i32
        %add3A_539 = arith.addi %mul3A_538, %add3A_528 : i32
        %get3A_540 = arith.index_cast %add3A_539 : i32 to index
        %get3A_541 = arith.constant 16 : index
        %get3A_542 = tpu.vector_load %arg7[%get3A_540, %get3A_541] {strides = array<i32>} : memref<512x64xf32, #tpu.memory_space<vmem>>, vector<16xf32>,
        %add3A_543 = arith.addf %get3A_542, %get3A_381 : vector<16xf32>
        tpu.vector_store_idx %arg9[%mul3A_176, %mul3A_176, %add3A_358, %broadcast_in_dim3A_529], %add3A_543 : memref<4x8x8x129xf32, #tpu.memory_space<vmem>>[vector<16xi32>, vector<16xi32>, vector<16xi32>, vector<16xi32>], vector<16xf32>,
        %mul3A_544 = arith.constant 128 : i32
        %mul3A_545 = arith.muli %select_n3A, %mul3A_544 : i32
        %add3A_546 = arith.addi %mul3A_545, %add3A_528 : i32
        %get3A_547 = arith.index_cast %add3A_546 : i32 to index
        %get3A_548 = arith.constant 32 : index
        %get3A_549 = tpu.vector_load %arg7[%get3A_547, %get3A_548] {strides = array<i32>} : memref<512x64xf32, #tpu.memory_space<vmem>>, vector<16xf32>,
        %add3A_550 = arith.addf %get3A_549, %get3A_387 : vector<16xf32>
        tpu.vector_store_idx %arg9[%mul3A_176, %mul3A_176, %add3A_364, %broadcast_in_dim3A_529], %add3A_550 : memref<4x8x8x129xf32, #tpu.memory_space<vmem>>[vector<16xi32>, vector<16xi32>, vector<16xi32>, vector<16xi32>], vector<16xf32>,
        %mul3A_551 = arith.constant 128 : i32
        %mul3A_552 = arith.muli %select_n3A, %mul3A_551 : i32
        %add3A_553 = arith.addi %mul3A_552, %add3A_528 : i32
        %get3A_554 = arith.index_cast %add3A_553 : i32 to index
        %get3A_555 = arith.constant 48 : index
        %get3A_556 = tpu.vector_load %arg7[%get3A_554, %get3A_555] {strides = array<i32>} : memref<512x64xf32, #tpu.memory_space<vmem>>, vector<16xf32>,
        %add3A_557 = arith.addf %get3A_556, %get3A_393 : vector<16xf32>
        tpu.vector_store_idx %arg9[%mul3A_176, %mul3A_176, %add3A_370, %broadcast_in_dim3A_529], %add3A_557 : memref<4x8x8x129xf32, #tpu.memory_space<vmem>>[vector<16xi32>, vector<16xi32>, vector<16xi32>, vector<16xi32>], vector<16xf32>,
        %mul3A_558 = arith.constant 8 : i32
        %mul3A_559 = arith.muli %select_n3A_346, %mul3A_558 : i32
        %add3A_560 = arith.constant 5 : i32
        %add3A_561 = arith.addi %mul3A_559, %add3A_560 : i32
        %broadcast_in_dim3A_562 = vector.broadcast %add3A_561 : i32 to vector<16xi32>
        %mul3A_563 = arith.constant 128 : i32
        %mul3A_564 = arith.muli %select_n3A, %mul3A_563 : i32
        %add3A_565 = arith.addi %mul3A_564, %add3A_561 : i32
        %get3A_566 = arith.index_cast %add3A_565 : i32 to index
        %get3A_567 = arith.constant 0 : index
        %get3A_568 = tpu.vector_load %arg7[%get3A_566, %get3A_567] {strides = array<i32>} : memref<512x64xf32, #tpu.memory_space<vmem>>, vector<16xf32>,
        %add3A_569 = arith.addf %get3A_568, %get3A_375 : vector<16xf32>
        tpu.vector_store_idx %arg9[%mul3A_176, %mul3A_176, %add3A_352, %broadcast_in_dim3A_562], %add3A_569 : memref<4x8x8x129xf32, #tpu.memory_space<vmem>>[vector<16xi32>, vector<16xi32>, vector<16xi32>, vector<16xi32>], vector<16xf32>,
        %mul3A_570 = arith.constant 128 : i32
        %mul3A_571 = arith.muli %select_n3A, %mul3A_570 : i32
        %add3A_572 = arith.addi %mul3A_571, %add3A_561 : i32
        %get3A_573 = arith.index_cast %add3A_572 : i32 to index
        %get3A_574 = arith.constant 16 : index
        %get3A_575 = tpu.vector_load %arg7[%get3A_573, %get3A_574] {strides = array<i32>} : memref<512x64xf32, #tpu.memory_space<vmem>>, vector<16xf32>,
        %add3A_576 = arith.addf %get3A_575, %get3A_381 : vector<16xf32>
        tpu.vector_store_idx %arg9[%mul3A_176, %mul3A_176, %add3A_358, %broadcast_in_dim3A_562], %add3A_576 : memref<4x8x8x129xf32, #tpu.memory_space<vmem>>[vector<16xi32>, vector<16xi32>, vector<16xi32>, vector<16xi32>], vector<16xf32>,
        %mul3A_577 = arith.constant 128 : i32
        %mul3A_578 = arith.muli %select_n3A, %mul3A_577 : i32
        %add3A_579 = arith.addi %mul3A_578, %add3A_561 : i32
        %get3A_580 = arith.index_cast %add3A_579 : i32 to index
        %get3A_581 = arith.constant 32 : index
        %get3A_582 = tpu.vector_load %arg7[%get3A_580, %get3A_581] {strides = array<i32>} : memref<512x64xf32, #tpu.memory_space<vmem>>, vector<16xf32>,
        %add3A_583 = arith.addf %get3A_582, %get3A_387 : vector<16xf32>
        tpu.vector_store_idx %arg9[%mul3A_176, %mul3A_176, %add3A_364, %broadcast_in_dim3A_562], %add3A_583 : memref<4x8x8x129xf32, #tpu.memory_space<vmem>>[vector<16xi32>, vector<16xi32>, vector<16xi32>, vector<16xi32>], vector<16xf32>,
        %mul3A_584 = arith.constant 128 : i32
        %mul3A_585 = arith.muli %select_n3A, %mul3A_584 : i32
        %add3A_586 = arith.addi %mul3A_585, %add3A_561 : i32
        %get3A_587 = arith.index_cast %add3A_586 : i32 to index
        %get3A_588 = arith.constant 48 : index
        %get3A_589 = tpu.vector_load %arg7[%get3A_587, %get3A_588] {strides = array<i32>} : memref<512x64xf32, #tpu.memory_space<vmem>>, vector<16xf32>,
        %add3A_590 = arith.addf %get3A_589, %get3A_393 : vector<16xf32>
        tpu.vector_store_idx %arg9[%mul3A_176, %mul3A_176, %add3A_370, %broadcast_in_dim3A_562], %add3A_590 : memref<4x8x8x129xf32, #tpu.memory_space<vmem>>[vector<16xi32>, vector<16xi32>, vector<16xi32>, vector<16xi32>], vector<16xf32>,
        %mul3A_591 = arith.constant 8 : i32
        %mul3A_592 = arith.muli %select_n3A_346, %mul3A_591 : i32
        %add3A_593 = arith.constant 6 : i32
        %add3A_594 = arith.addi %mul3A_592, %add3A_593 : i32
        %broadcast_in_dim3A_595 = vector.broadcast %add3A_594 : i32 to vector<16xi32>
        %mul3A_596 = arith.constant 128 : i32
        %mul3A_597 = arith.muli %select_n3A, %mul3A_596 : i32
        %add3A_598 = arith.addi %mul3A_597, %add3A_594 : i32
        %get3A_599 = arith.index_cast %add3A_598 : i32 to index
        %get3A_600 = arith.constant 0 : index
        %get3A_601 = tpu.vector_load %arg7[%get3A_599, %get3A_600] {strides = array<i32>} : memref<512x64xf32, #tpu.memory_space<vmem>>, vector<16xf32>,
        %add3A_602 = arith.addf %get3A_601, %get3A_375 : vector<16xf32>
        tpu.vector_store_idx %arg9[%mul3A_176, %mul3A_176, %add3A_352, %broadcast_in_dim3A_595], %add3A_602 : memref<4x8x8x129xf32, #tpu.memory_space<vmem>>[vector<16xi32>, vector<16xi32>, vector<16xi32>, vector<16xi32>], vector<16xf32>,
        %mul3A_603 = arith.constant 128 : i32
        %mul3A_604 = arith.muli %select_n3A, %mul3A_603 : i32
        %add3A_605 = arith.addi %mul3A_604, %add3A_594 : i32
        %get3A_606 = arith.index_cast %add3A_605 : i32 to index
        %get3A_607 = arith.constant 16 : index
        %get3A_608 = tpu.vector_load %arg7[%get3A_606, %get3A_607] {strides = array<i32>} : memref<512x64xf32, #tpu.memory_space<vmem>>, vector<16xf32>,
        %add3A_609 = arith.addf %get3A_608, %get3A_381 : vector<16xf32>
        tpu.vector_store_idx %arg9[%mul3A_176, %mul3A_176, %add3A_358, %broadcast_in_dim3A_595], %add3A_609 : memref<4x8x8x129xf32, #tpu.memory_space<vmem>>[vector<16xi32>, vector<16xi32>, vector<16xi32>, vector<16xi32>], vector<16xf32>,
        %mul3A_610 = arith.constant 128 : i32
        %mul3A_611 = arith.muli %select_n3A, %mul3A_610 : i32
        %add3A_612 = arith.addi %mul3A_611, %add3A_594 : i32
        %get3A_613 = arith.index_cast %add3A_612 : i32 to index
        %get3A_614 = arith.constant 32 : index
        %get3A_615 = tpu.vector_load %arg7[%get3A_613, %get3A_614] {strides = array<i32>} : memref<512x64xf32, #tpu.memory_space<vmem>>, vector<16xf32>,
        %add3A_616 = arith.addf %get3A_615, %get3A_387 : vector<16xf32>
        tpu.vector_store_idx %arg9[%mul3A_176, %mul3A_176, %add3A_364, %broadcast_in_dim3A_595], %add3A_616 : memref<4x8x8x129xf32, #tpu.memory_space<vmem>>[vector<16xi32>, vector<16xi32>, vector<16xi32>, vector<16xi32>], vector<16xf32>,
        %mul3A_617 = arith.constant 128 : i32
        %mul3A_618 = arith.muli %select_n3A, %mul3A_617 : i32
        %add3A_619 = arith.addi %mul3A_618, %add3A_594 : i32
        %get3A_620 = arith.index_cast %add3A_619 : i32 to index
        %get3A_621 = arith.constant 48 : index
        %get3A_622 = tpu.vector_load %arg7[%get3A_620, %get3A_621] {strides = array<i32>} : memref<512x64xf32, #tpu.memory_space<vmem>>, vector<16xf32>,
        %add3A_623 = arith.addf %get3A_622, %get3A_393 : vector<16xf32>
        tpu.vector_store_idx %arg9[%mul3A_176, %mul3A_176, %add3A_370, %broadcast_in_dim3A_595], %add3A_623 : memref<4x8x8x129xf32, #tpu.memory_space<vmem>>[vector<16xi32>, vector<16xi32>, vector<16xi32>, vector<16xi32>], vector<16xf32>,
        %mul3A_624 = arith.constant 8 : i32
        %mul3A_625 = arith.muli %select_n3A_346, %mul3A_624 : i32
        %add3A_626 = arith.constant 7 : i32
        %add3A_627 = arith.addi %mul3A_625, %add3A_626 : i32
        %broadcast_in_dim3A_628 = vector.broadcast %add3A_627 : i32 to vector<16xi32>
        %mul3A_629 = arith.constant 128 : i32
        %mul3A_630 = arith.muli %select_n3A, %mul3A_629 : i32
        %add3A_631 = arith.addi %mul3A_630, %add3A_627 : i32
        %get3A_632 = arith.index_cast %add3A_631 : i32 to index
        %get3A_633 = arith.constant 0 : index
        %get3A_634 = tpu.vector_load %arg7[%get3A_632, %get3A_633] {strides = array<i32>} : memref<512x64xf32, #tpu.memory_space<vmem>>, vector<16xf32>,
        %add3A_635 = arith.addf %get3A_634, %get3A_375 : vector<16xf32>
        tpu.vector_store_idx %arg9[%mul3A_176, %mul3A_176, %add3A_352, %broadcast_in_dim3A_628], %add3A_635 : memref<4x8x8x129xf32, #tpu.memory_space<vmem>>[vector<16xi32>, vector<16xi32>, vector<16xi32>, vector<16xi32>], vector<16xf32>,
        %mul3A_636 = arith.constant 128 : i32
        %mul3A_637 = arith.muli %select_n3A, %mul3A_636 : i32
        %add3A_638 = arith.addi %mul3A_637, %add3A_627 : i32
        %get3A_639 = arith.index_cast %add3A_638 : i32 to index
        %get3A_640 = arith.constant 16 : index
        %get3A_641 = tpu.vector_load %arg7[%get3A_639, %get3A_640] {strides = array<i32>} : memref<512x64xf32, #tpu.memory_space<vmem>>, vector<16xf32>,
        %add3A_642 = arith.addf %get3A_641, %get3A_381 : vector<16xf32>
        tpu.vector_store_idx %arg9[%mul3A_176, %mul3A_176, %add3A_358, %broadcast_in_dim3A_628], %add3A_642 : memref<4x8x8x129xf32, #tpu.memory_space<vmem>>[vector<16xi32>, vector<16xi32>, vector<16xi32>, vector<16xi32>], vector<16xf32>,
        %mul3A_643 = arith.constant 128 : i32
        %mul3A_644 = arith.muli %select_n3A, %mul3A_643 : i32
        %add3A_645 = arith.addi %mul3A_644, %add3A_627 : i32
        %get3A_646 = arith.index_cast %add3A_645 : i32 to index
        %get3A_647 = arith.constant 32 : index
        %get3A_648 = tpu.vector_load %arg7[%get3A_646, %get3A_647] {strides = array<i32>} : memref<512x64xf32, #tpu.memory_space<vmem>>, vector<16xf32>,
        %add3A_649 = arith.addf %get3A_648, %get3A_387 : vector<16xf32>
        tpu.vector_store_idx %arg9[%mul3A_176, %mul3A_176, %add3A_364, %broadcast_in_dim3A_628], %add3A_649 : memref<4x8x8x129xf32, #tpu.memory_space<vmem>>[vector<16xi32>, vector<16xi32>, vector<16xi32>, vector<16xi32>], vector<16xf32>,
        %mul3A_650 = arith.constant 128 : i32
        %mul3A_651 = arith.muli %select_n3A, %mul3A_650 : i32
        %add3A_652 = arith.addi %mul3A_651, %add3A_627 : i32
        %get3A_653 = arith.index_cast %add3A_652 : i32 to index
        %get3A_654 = arith.constant 48 : index
        %get3A_655 = tpu.vector_load %arg7[%get3A_653, %get3A_654] {strides = array<i32>} : memref<512x64xf32, #tpu.memory_space<vmem>>, vector<16xf32>,
        %add3A_656 = arith.addf %get3A_655, %get3A_393 : vector<16xf32>
        tpu.vector_store_idx %arg9[%mul3A_176, %mul3A_176, %add3A_370, %broadcast_in_dim3A_628], %add3A_656 : memref<4x8x8x129xf32, #tpu.memory_space<vmem>>[vector<16xi32>, vector<16xi32>, vector<16xi32>, vector<16xi32>], vector<16xf32>,
      }
      %scan3A_236 = arith.constant 64 : i32
      %mul3A_237 = arith.constant 4 : i32
      %mul3A_238 = arith.muli %add3A_208, %mul3A_237 : i32
      %dma_start3A_239 = arith.constant 0 : i32
      %dma_start3A_240 = arith.constant 0 : i32
      %dma_start3A_241 = arith.constant 0 : i32
      %dma_start3A_242 = arith.constant 0 : i32
      %dma_start3A_243 = tpu.memref_slice %arg9[%dma_start3A_239, %dma_start3A_240, %dma_start3A_241, %dma_start3A_242] : memref<4x8x8x129xf32, #tpu.memory_space<vmem>> -> memref<4x8x8x128xf32, #tpu.memory_space<vmem>>
      %dma_start3A_244 = arith.constant 0 : i32
      %dma_start3A_245 = arith.constant 0 : i32
      %dma_start3A_246 = arith.constant 0 : i32
      %dma_start3A_247 = tpu.memref_slice %arg5[%mul3A_238, %dma_start3A_244, %add3A, %dma_start3A_245, %dma_start3A_246] : memref<200x8x32x8x128xf32, #tpu.memory_space<hbm>> -> memref<4x8x1x8x128xf32, #tpu.memory_space<hbm>>
      %dma_start3A_248 = tpu.memref_squeeze %dma_start3A_247 : memref<4x8x1x8x128xf32, #tpu.memory_space<hbm>> -> memref<4x8x8x128xf32, #tpu.memory_space<hbm>>
      %dma_start3A_249 = arith.constant 0 : i32
      %dma_start3A_250 = arith.constant 0 : i32
      %dma_start3A_251 = arith.constant 0 : i32
      %dma_start3A_252 = tpu.memref_slice %arg5[%mul3A_238, %dma_start3A_249, %add3A, %dma_start3A_250, %dma_start3A_251] : memref<200x8x32x8x128xf32, #tpu.memory_space<hbm>> -> memref<4x8x1x8x128xf32, #tpu.memory_space<hbm>>
      %dma_start3A_253 = tpu.memref_squeeze %dma_start3A_252 : memref<4x8x1x8x128xf32, #tpu.memory_space<hbm>> -> memref<4x8x8x128xf32, #tpu.memory_space<hbm>>
      %dma_start3A_254 = arith.constant 0 : i32
      %dma_start3A_255 = arith.constant 0 : i32
      %dma_start3A_256 = arith.constant 0 : i32
      %dma_start3A_257 = arith.constant 0 : i32
      %dma_start3A_258 = tpu.memref_slice %arg9[%dma_start3A_254, %dma_start3A_255, %dma_start3A_256, %dma_start3A_257] : memref<4x8x8x129xf32, #tpu.memory_space<vmem>> -> memref<4x8x8x128xf32, #tpu.memory_space<vmem>>
      tpu.enqueue_dma source(%dma_start3A_258 : memref<4x8x8x128xf32, #tpu.memory_space<vmem>>) target(%dma_start3A_253 : memref<4x8x8x128xf32, #tpu.memory_space<hbm>>) target_semaphore(%arg14 : memref<!tpu.dma_semaphore, #tpu.memory_space<semaphore_mem>>)
      %add3A_259 = arith.constant 1 : i32
      %add3A_260 = arith.addi %mul3A_206, %add3A_259 : i32
      %add3A_261 = arith.constant 1 : i32
      %add3A_262 = arith.addi %add3A_260, %add3A_261 : i32
      %lt3A_263 = arith.constant 50 : i32
      %lt3A_264 = arith.cmpi slt, %add3A_262, %lt3A_263 : i32
      %convert_element_type3A_265 = arith.extui %lt3A_264 : i1 to i32
      %cond3A_266 = arith.constant 0 : i32
      %cond3A_267 = arith.cmpi ne, %convert_element_type3A_265, %cond3A_266 : i32
      scf.if %cond3A_267 {
        %add3A_315 = arith.constant 1 : i32
        %add3A_316 = arith.addi %add3A_260, %add3A_315 : i32
        %mul3A_317 = arith.constant 4 : i32
        %mul3A_318 = arith.muli %add3A_316, %mul3A_317 : i32
        %add3A_319 = arith.constant 0 : i32
        %add3A_320 = arith.addi %mul3A_318, %add3A_319 : i32
        %mul3A_321 = arith.constant 128 : i32
        %mul3A_322 = arith.muli %add3A, %mul3A_321 : i32
        %dma_wait3A_323 = arith.constant 0 : i32
        %dma_wait3A_324 = arith.constant 0 : i32
        %dma_wait3A_325 = tpu.memref_slice %arg6[%dma_wait3A_323, %dma_wait3A_324] : memref<2x512xi32, #tpu.memory_space<vmem>> -> memref<1x128xi32, #tpu.memory_space<vmem>>
        %dma_wait3A_326 = tpu.memref_squeeze %dma_wait3A_325 : memref<1x128xi32, #tpu.memory_space<vmem>> -> memref<128xi32, #tpu.memory_space<vmem>>
        %dma_wait3A_327 = tpu.memref_slice %arg2[%add3A_320, %mul3A_322] : memref<200x4096xi32, #tpu.memory_space<hbm>> -> memref<1x128xi32, #tpu.memory_space<hbm>>
        %dma_wait3A_328 = tpu.memref_squeeze %dma_wait3A_327 : memref<1x128xi32, #tpu.memory_space<hbm>> -> memref<128xi32, #tpu.memory_space<hbm>>
        %dma_wait3A_329 = arith.constant 0 : i32
        %dma_wait3A_330 = tpu.memref_slice %arg6[%dma_wait3A_323, %dma_wait3A_329] : memref<2x512xi32, #tpu.memory_space<vmem>> -> memref<1x128xi32, #tpu.memory_space<vmem>>
        %dma_wait3A_331 = tpu.memref_squeeze %dma_wait3A_330 : memref<1x128xi32, #tpu.memory_space<vmem>> -> memref<128xi32, #tpu.memory_space<vmem>>
        %dma_wait3A_332 = tpu.memref_slice %arg2[%add3A_320, %mul3A_322] : memref<200x4096xi32, #tpu.memory_space<hbm>> -> memref<1x128xi32, #tpu.memory_space<hbm>>
        %dma_wait3A_333 = tpu.memref_squeeze %dma_wait3A_332 : memref<1x128xi32, #tpu.memory_space<hbm>> -> memref<128xi32, #tpu.memory_space<hbm>>
        tpu.wait_dma2 semaphore(%arg13 : memref<!tpu.dma_semaphore, #tpu.memory_space<semaphore_mem>>) src(%dma_wait3A_333 : memref<128xi32, #tpu.memory_space<hbm>>) dst(%dma_wait3A_331 : memref<128xi32, #tpu.memory_space<vmem>>)
        %mul3A_334 = arith.constant 4 : i32
        %mul3A_335 = arith.muli %add3A_316, %mul3A_334 : i32
        %add3A_336 = arith.constant 1 : i32
        %add3A_337 = arith.addi %mul3A_335, %add3A_336 : i32
        %mul3A_338 = arith.constant 128 : i32
        %mul3A_339 = arith.muli %add3A, %mul3A_338 : i32
        %dma_wait3A_340 = arith.constant 0 : i32
        %dma_wait3A_341 = arith.constant 128 : i32
        %dma_wait3A_342 = tpu.memref_slice %arg6[%dma_wait3A_340, %dma_wait3A_341] : memref<2x512xi32, #tpu.memory_space<vmem>> -> memref<1x128xi32, #tpu.memory_space<vmem>>
        %dma_wait3A_343 = tpu.memref_squeeze %dma_wait3A_342 : memref<1x128xi32, #tpu.memory_space<vmem>> -> memref<128xi32, #tpu.memory_space<vmem>>
        %dma_wait3A_344 = tpu.memref_slice %arg2[%add3A_337, %mul3A_339] : memref<200x4096xi32, #tpu.memory_space<hbm>> -> memref<1x128xi32, #tpu.memory_space<hbm>>
        %dma_wait3A_345 = tpu.memref_squeeze %dma_wait3A_344 : memref<1x128xi32, #tpu.memory_space<hbm>> -> memref<128xi32, #tpu.memory_space<hbm>>
        %dma_wait3A_346 = arith.constant 128 : i32
        %dma_wait3A_347 = tpu.memref_slice %arg6[%dma_wait3A_340, %dma_wait3A_346] : memref<2x512xi32, #tpu.memory_space<vmem>> -> memref<1x128xi32, #tpu.memory_space<vmem>>
        %dma_wait3A_348 = tpu.memref_squeeze %dma_wait3A_347 : memref<1x128xi32, #tpu.memory_space<vmem>> -> memref<128xi32, #tpu.memory_space<vmem>>
        %dma_wait3A_349 = tpu.memref_slice %arg2[%add3A_337, %mul3A_339] : memref<200x4096xi32, #tpu.memory_space<hbm>> -> memref<1x128xi32, #tpu.memory_space<hbm>>
        %dma_wait3A_350 = tpu.memref_squeeze %dma_wait3A_349 : memref<1x128xi32, #tpu.memory_space<hbm>> -> memref<128xi32, #tpu.memory_space<hbm>>
        tpu.wait_dma2 semaphore(%arg13 : memref<!tpu.dma_semaphore, #tpu.memory_space<semaphore_mem>>) src(%dma_wait3A_350 : memref<128xi32, #tpu.memory_space<hbm>>) dst(%dma_wait3A_348 : memref<128xi32, #tpu.memory_space<vmem>>)
        %mul3A_351 = arith.constant 4 : i32
        %mul3A_352 = arith.muli %add3A_316, %mul3A_351 : i32
        %add3A_353 = arith.constant 2 : i32
        %add3A_354 = arith.addi %mul3A_352, %add3A_353 : i32
        %mul3A_355 = arith.constant 128 : i32
        %mul3A_356 = arith.muli %add3A, %mul3A_355 : i32
        %dma_wait3A_357 = arith.constant 0 : i32
        %dma_wait3A_358 = arith.constant 256 : i32
        %dma_wait3A_359 = tpu.memref_slice %arg6[%dma_wait3A_357, %dma_wait3A_358] : memref<2x512xi32, #tpu.memory_space<vmem>> -> memref<1x128xi32, #tpu.memory_space<vmem>>
        %dma_wait3A_360 = tpu.memref_squeeze %dma_wait3A_359 : memref<1x128xi32, #tpu.memory_space<vmem>> -> memref<128xi32, #tpu.memory_space<vmem>>
        %dma_wait3A_361 = tpu.memref_slice %arg2[%add3A_354, %mul3A_356] : memref<200x4096xi32, #tpu.memory_space<hbm>> -> memref<1x128xi32, #tpu.memory_space<hbm>>
        %dma_wait3A_362 = tpu.memref_squeeze %dma_wait3A_361 : memref<1x128xi32, #tpu.memory_space<hbm>> -> memref<128xi32, #tpu.memory_space<hbm>>
        %dma_wait3A_363 = arith.constant 256 : i32
        %dma_wait3A_364 = tpu.memref_slice %arg6[%dma_wait3A_357, %dma_wait3A_363] : memref<2x512xi32, #tpu.memory_space<vmem>> -> memref<1x128xi32, #tpu.memory_space<vmem>>
        %dma_wait3A_365 = tpu.memref_squeeze %dma_wait3A_364 : memref<1x128xi32, #tpu.memory_space<vmem>> -> memref<128xi32, #tpu.memory_space<vmem>>
        %dma_wait3A_366 = tpu.memref_slice %arg2[%add3A_354, %mul3A_356] : memref<200x4096xi32, #tpu.memory_space<hbm>> -> memref<1x128xi32, #tpu.memory_space<hbm>>
        %dma_wait3A_367 = tpu.memref_squeeze %dma_wait3A_366 : memref<1x128xi32, #tpu.memory_space<hbm>> -> memref<128xi32, #tpu.memory_space<hbm>>
        tpu.wait_dma2 semaphore(%arg13 : memref<!tpu.dma_semaphore, #tpu.memory_space<semaphore_mem>>) src(%dma_wait3A_367 : memref<128xi32, #tpu.memory_space<hbm>>) dst(%dma_wait3A_365 : memref<128xi32, #tpu.memory_space<vmem>>)
        %mul3A_368 = arith.constant 4 : i32
        %mul3A_369 = arith.muli %add3A_316, %mul3A_368 : i32
        %add3A_370 = arith.constant 3 : i32
        %add3A_371 = arith.addi %mul3A_369, %add3A_370 : i32
        %mul3A_372 = arith.constant 128 : i32
        %mul3A_373 = arith.muli %add3A, %mul3A_372 : i32
        %dma_wait3A_374 = arith.constant 0 : i32
        %dma_wait3A_375 = arith.constant 384 : i32
        %dma_wait3A_376 = tpu.memref_slice %arg6[%dma_wait3A_374, %dma_wait3A_375] : memref<2x512xi32, #tpu.memory_space<vmem>> -> memref<1x128xi32, #tpu.memory_space<vmem>>
        %dma_wait3A_377 = tpu.memref_squeeze %dma_wait3A_376 : memref<1x128xi32, #tpu.memory_space<vmem>> -> memref<128xi32, #tpu.memory_space<vmem>>
        %dma_wait3A_378 = tpu.memref_slice %arg2[%add3A_371, %mul3A_373] : memref<200x4096xi32, #tpu.memory_space<hbm>> -> memref<1x128xi32, #tpu.memory_space<hbm>>
        %dma_wait3A_379 = tpu.memref_squeeze %dma_wait3A_378 : memref<1x128xi32, #tpu.memory_space<hbm>> -> memref<128xi32, #tpu.memory_space<hbm>>
        %dma_wait3A_380 = arith.constant 384 : i32
        %dma_wait3A_381 = tpu.memref_slice %arg6[%dma_wait3A_374, %dma_wait3A_380] : memref<2x512xi32, #tpu.memory_space<vmem>> -> memref<1x128xi32, #tpu.memory_space<vmem>>
        %dma_wait3A_382 = tpu.memref_squeeze %dma_wait3A_381 : memref<1x128xi32, #tpu.memory_space<vmem>> -> memref<128xi32, #tpu.memory_space<vmem>>
        %dma_wait3A_383 = tpu.memref_slice %arg2[%add3A_371, %mul3A_373] : memref<200x4096xi32, #tpu.memory_space<hbm>> -> memref<1x128xi32, #tpu.memory_space<hbm>>
        %dma_wait3A_384 = tpu.memref_squeeze %dma_wait3A_383 : memref<1x128xi32, #tpu.memory_space<hbm>> -> memref<128xi32, #tpu.memory_space<hbm>>
        tpu.wait_dma2 semaphore(%arg13 : memref<!tpu.dma_semaphore, #tpu.memory_space<semaphore_mem>>) src(%dma_wait3A_384 : memref<128xi32, #tpu.memory_space<hbm>>) dst(%dma_wait3A_382 : memref<128xi32, #tpu.memory_space<vmem>>)
        %add3A_385 = arith.constant 1 : i32
        %add3A_386 = arith.addi %add3A_260, %add3A_385 : i32
        %dma_start3A_387 = arith.constant 0 : i32
        %dma_start3A_388 = arith.constant 0 : i32
        %dma_start3A_389 = tpu.memref_slice %arg6[%dma_start3A_387, %dma_start3A_388] : memref<2x512xi32, #tpu.memory_space<vmem>> -> memref<1x512xi32, #tpu.memory_space<vmem>>
        %dma_start3A_390 = tpu.memref_squeeze %dma_start3A_389 : memref<1x512xi32, #tpu.memory_space<vmem>> -> memref<512xi32, #tpu.memory_space<vmem>>
        %dma_start3A_391 = arith.constant 0 : i32
        %dma_start3A_392 = arith.constant 0 : i32
        %dma_start3A_393 = tpu.memref_slice %arg3[%dma_start3A_391, %dma_start3A_392] : memref<1000000x64xf32, #tpu.memory_space<hbm>> -> memref<1000000x64xf32, #tpu.memory_space<hbm>>
        tpu.enqueue_indirect_dma source(%dma_start3A_393 : memref<1000000x64xf32, #tpu.memory_space<hbm>>) target(%arg7 : memref<512x64xf32, #tpu.memory_space<vmem>>) offsets(%dma_start3A_390 : memref<512xi32, #tpu.memory_space<vmem>>) semaphore(%arg11 : memref<!tpu.dma_semaphore, #tpu.memory_space<semaphore_mem>>)
      } else {
      }
      %dma_wait3A_268 = arith.constant 1 : i32
      %dma_wait3A_269 = arith.constant 0 : i32
      %dma_wait3A_270 = tpu.memref_slice %arg6[%dma_wait3A_268, %dma_wait3A_269] : memref<2x512xi32, #tpu.memory_space<vmem>> -> memref<1x512xi32, #tpu.memory_space<vmem>>
      %dma_wait3A_271 = tpu.memref_squeeze %dma_wait3A_270 : memref<1x512xi32, #tpu.memory_space<vmem>> -> memref<512xi32, #tpu.memory_space<vmem>>
      %dma_wait3A_272 = arith.constant 0 : i32
      %dma_wait3A_273 = arith.constant 0 : i32
      %dma_wait3A_274 = tpu.memref_slice %arg3[%dma_wait3A_272, %dma_wait3A_273] : memref<1000000x64xf32, #tpu.memory_space<hbm>> -> memref<1000000x64xf32, #tpu.memory_space<hbm>>
      tpu.wait_indirect_dma semaphore(%arg12 : memref<!tpu.dma_semaphore, #tpu.memory_space<semaphore_mem>>) src(%dma_wait3A_274 : memref<1000000x64xf32, #tpu.memory_space<hbm>>) dst(%arg8 : memref<512x64xf32, #tpu.memory_space<vmem>>)
      %add3A_275 = arith.constant 2 : i32
      %add3A_276 = arith.addi %add3A_260, %add3A_275 : i32
      %lt3A_277 = arith.constant 50 : i32
      %lt3A_278 = arith.cmpi slt, %add3A_276, %lt3A_277 : i32
      %convert_element_type3A_279 = arith.extui %lt3A_278 : i1 to i32
      %cond3A_280 = arith.constant 0 : i32
      %cond3A_281 = arith.cmpi ne, %convert_element_type3A_279, %cond3A_280 : i32
      scf.if %cond3A_281 {
        %add3A_315 = arith.constant 2 : i32
        %add3A_316 = arith.addi %add3A_260, %add3A_315 : i32
        %mul3A_317 = arith.constant 4 : i32
        %mul3A_318 = arith.muli %add3A_316, %mul3A_317 : i32
        %add3A_319 = arith.constant 0 : i32
        %add3A_320 = arith.addi %mul3A_318, %add3A_319 : i32
        %mul3A_321 = arith.constant 128 : i32
        %mul3A_322 = arith.muli %add3A, %mul3A_321 : i32
        %dma_start3A_323 = arith.constant 1 : i32
        %dma_start3A_324 = arith.constant 0 : i32
        %dma_start3A_325 = tpu.memref_slice %arg6[%dma_start3A_323, %dma_start3A_324] : memref<2x512xi32, #tpu.memory_space<vmem>> -> memref<1x128xi32, #tpu.memory_space<vmem>>
        %dma_start3A_326 = tpu.memref_squeeze %dma_start3A_325 : memref<1x128xi32, #tpu.memory_space<vmem>> -> memref<128xi32, #tpu.memory_space<vmem>>
        %dma_start3A_327 = tpu.memref_slice %arg2[%add3A_320, %mul3A_322] : memref<200x4096xi32, #tpu.memory_space<hbm>> -> memref<1x128xi32, #tpu.memory_space<hbm>>
        %dma_start3A_328 = tpu.memref_squeeze %dma_start3A_327 : memref<1x128xi32, #tpu.memory_space<hbm>> -> memref<128xi32, #tpu.memory_space<hbm>>
        %dma_start3A_329 = arith.constant 0 : i32
        %dma_start3A_330 = tpu.memref_slice %arg6[%dma_start3A_323, %dma_start3A_329] : memref<2x512xi32, #tpu.memory_space<vmem>> -> memref<1x128xi32, #tpu.memory_space<vmem>>
        %dma_start3A_331 = tpu.memref_squeeze %dma_start3A_330 : memref<1x128xi32, #tpu.memory_space<vmem>> -> memref<128xi32, #tpu.memory_space<vmem>>
        %dma_start3A_332 = tpu.memref_slice %arg2[%add3A_320, %mul3A_322] : memref<200x4096xi32, #tpu.memory_space<hbm>> -> memref<1x128xi32, #tpu.memory_space<hbm>>
        %dma_start3A_333 = tpu.memref_squeeze %dma_start3A_332 : memref<1x128xi32, #tpu.memory_space<hbm>> -> memref<128xi32, #tpu.memory_space<hbm>>
        tpu.enqueue_dma source(%dma_start3A_333 : memref<128xi32, #tpu.memory_space<hbm>>) target(%dma_start3A_331 : memref<128xi32, #tpu.memory_space<vmem>>) target_semaphore(%arg13 : memref<!tpu.dma_semaphore, #tpu.memory_space<semaphore_mem>>)
        %mul3A_334 = arith.constant 4 : i32
        %mul3A_335 = arith.muli %add3A_316, %mul3A_334 : i32
        %add3A_336 = arith.constant 1 : i32
        %add3A_337 = arith.addi %mul3A_335, %add3A_336 : i32
        %mul3A_338 = arith.constant 128 : i32
        %mul3A_339 = arith.muli %add3A, %mul3A_338 : i32
        %dma_start3A_340 = arith.constant 1 : i32
        %dma_start3A_341 = arith.constant 128 : i32
        %dma_start3A_342 = tpu.memref_slice %arg6[%dma_start3A_340, %dma_start3A_341] : memref<2x512xi32, #tpu.memory_space<vmem>> -> memref<1x128xi32, #tpu.memory_space<vmem>>
        %dma_start3A_343 = tpu.memref_squeeze %dma_start3A_342 : memref<1x128xi32, #tpu.memory_space<vmem>> -> memref<128xi32, #tpu.memory_space<vmem>>
        %dma_start3A_344 = tpu.memref_slice %arg2[%add3A_337, %mul3A_339] : memref<200x4096xi32, #tpu.memory_space<hbm>> -> memref<1x128xi32, #tpu.memory_space<hbm>>
        %dma_start3A_345 = tpu.memref_squeeze %dma_start3A_344 : memref<1x128xi32, #tpu.memory_space<hbm>> -> memref<128xi32, #tpu.memory_space<hbm>>
        %dma_start3A_346 = arith.constant 128 : i32
        %dma_start3A_347 = tpu.memref_slice %arg6[%dma_start3A_340, %dma_start3A_346] : memref<2x512xi32, #tpu.memory_space<vmem>> -> memref<1x128xi32, #tpu.memory_space<vmem>>
        %dma_start3A_348 = tpu.memref_squeeze %dma_start3A_347 : memref<1x128xi32, #tpu.memory_space<vmem>> -> memref<128xi32, #tpu.memory_space<vmem>>
        %dma_start3A_349 = tpu.memref_slice %arg2[%add3A_337, %mul3A_339] : memref<200x4096xi32, #tpu.memory_space<hbm>> -> memref<1x128xi32, #tpu.memory_space<hbm>>
        %dma_start3A_350 = tpu.memref_squeeze %dma_start3A_349 : memref<1x128xi32, #tpu.memory_space<hbm>> -> memref<128xi32, #tpu.memory_space<hbm>>
        tpu.enqueue_dma source(%dma_start3A_350 : memref<128xi32, #tpu.memory_space<hbm>>) target(%dma_start3A_348 : memref<128xi32, #tpu.memory_space<vmem>>) target_semaphore(%arg13 : memref<!tpu.dma_semaphore, #tpu.memory_space<semaphore_mem>>)
        %mul3A_351 = arith.constant 4 : i32
        %mul3A_352 = arith.muli %add3A_316, %mul3A_351 : i32
        %add3A_353 = arith.constant 2 : i32
        %add3A_354 = arith.addi %mul3A_352, %add3A_353 : i32
        %mul3A_355 = arith.constant 128 : i32
        %mul3A_356 = arith.muli %add3A, %mul3A_355 : i32
        %dma_start3A_357 = arith.constant 1 : i32
        %dma_start3A_358 = arith.constant 256 : i32
        %dma_start3A_359 = tpu.memref_slice %arg6[%dma_start3A_357, %dma_start3A_358] : memref<2x512xi32, #tpu.memory_space<vmem>> -> memref<1x128xi32, #tpu.memory_space<vmem>>
        %dma_start3A_360 = tpu.memref_squeeze %dma_start3A_359 : memref<1x128xi32, #tpu.memory_space<vmem>> -> memref<128xi32, #tpu.memory_space<vmem>>
        %dma_start3A_361 = tpu.memref_slice %arg2[%add3A_354, %mul3A_356] : memref<200x4096xi32, #tpu.memory_space<hbm>> -> memref<1x128xi32, #tpu.memory_space<hbm>>
        %dma_start3A_362 = tpu.memref_squeeze %dma_start3A_361 : memref<1x128xi32, #tpu.memory_space<hbm>> -> memref<128xi32, #tpu.memory_space<hbm>>
        %dma_start3A_363 = arith.constant 256 : i32
        %dma_start3A_364 = tpu.memref_slice %arg6[%dma_start3A_357, %dma_start3A_363] : memref<2x512xi32, #tpu.memory_space<vmem>> -> memref<1x128xi32, #tpu.memory_space<vmem>>
        %dma_start3A_365 = tpu.memref_squeeze %dma_start3A_364 : memref<1x128xi32, #tpu.memory_space<vmem>> -> memref<128xi32, #tpu.memory_space<vmem>>
        %dma_start3A_366 = tpu.memref_slice %arg2[%add3A_354, %mul3A_356] : memref<200x4096xi32, #tpu.memory_space<hbm>> -> memref<1x128xi32, #tpu.memory_space<hbm>>
        %dma_start3A_367 = tpu.memref_squeeze %dma_start3A_366 : memref<1x128xi32, #tpu.memory_space<hbm>> -> memref<128xi32, #tpu.memory_space<hbm>>
        tpu.enqueue_dma source(%dma_start3A_367 : memref<128xi32, #tpu.memory_space<hbm>>) target(%dma_start3A_365 : memref<128xi32, #tpu.memory_space<vmem>>) target_semaphore(%arg13 : memref<!tpu.dma_semaphore, #tpu.memory_space<semaphore_mem>>)
        %mul3A_368 = arith.constant 4 : i32
        %mul3A_369 = arith.muli %add3A_316, %mul3A_368 : i32
        %add3A_370 = arith.constant 3 : i32
        %add3A_371 = arith.addi %mul3A_369, %add3A_370 : i32
        %mul3A_372 = arith.constant 128 : i32
        %mul3A_373 = arith.muli %add3A, %mul3A_372 : i32
        %dma_start3A_374 = arith.constant 1 : i32
        %dma_start3A_375 = arith.constant 384 : i32
        %dma_start3A_376 = tpu.memref_slice %arg6[%dma_start3A_374, %dma_start3A_375] : memref<2x512xi32, #tpu.memory_space<vmem>> -> memref<1x128xi32, #tpu.memory_space<vmem>>
        %dma_start3A_377 = tpu.memref_squeeze %dma_start3A_376 : memref<1x128xi32, #tpu.memory_space<vmem>> -> memref<128xi32, #tpu.memory_space<vmem>>
        %dma_start3A_378 = tpu.memref_slice %arg2[%add3A_371, %mul3A_373] : memref<200x4096xi32, #tpu.memory_space<hbm>> -> memref<1x128xi32, #tpu.memory_space<hbm>>
        %dma_start3A_379 = tpu.memref_squeeze %dma_start3A_378 : memref<1x128xi32, #tpu.memory_space<hbm>> -> memref<128xi32, #tpu.memory_space<hbm>>
        %dma_start3A_380 = arith.constant 384 : i32
        %dma_start3A_381 = tpu.memref_slice %arg6[%dma_start3A_374, %dma_start3A_380] : memref<2x512xi32, #tpu.memory_space<vmem>> -> memref<1x128xi32, #tpu.memory_space<vmem>>
        %dma_start3A_382 = tpu.memref_squeeze %dma_start3A_381 : memref<1x128xi32, #tpu.memory_space<vmem>> -> memref<128xi32, #tpu.memory_space<vmem>>
        %dma_start3A_383 = tpu.memref_slice %arg2[%add3A_371, %mul3A_373] : memref<200x4096xi32, #tpu.memory_space<hbm>> -> memref<1x128xi32, #tpu.memory_space<hbm>>
        %dma_start3A_384 = tpu.memref_squeeze %dma_start3A_383 : memref<1x128xi32, #tpu.memory_space<hbm>> -> memref<128xi32, #tpu.memory_space<hbm>>
        tpu.enqueue_dma source(%dma_start3A_384 : memref<128xi32, #tpu.memory_space<hbm>>) target(%dma_start3A_382 : memref<128xi32, #tpu.memory_space<vmem>>) target_semaphore(%arg13 : memref<!tpu.dma_semaphore, #tpu.memory_space<semaphore_mem>>)
      } else {
      }
      %gt3A_282 = arith.constant 0 : i32
      %gt3A_283 = arith.cmpi sgt, %add3A_260, %gt3A_282 : i32
      %convert_element_type3A_284 = arith.extui %gt3A_283 : i1 to i32
      %cond3A_285 = arith.constant 0 : i32
      %cond3A_286 = arith.cmpi ne, %convert_element_type3A_284, %cond3A_285 : i32
      scf.if %cond3A_286 {
        %sub3A = arith.constant 1 : i32
        %sub3A_315 = arith.subi %add3A_260, %sub3A : i32
        %mul3A_316 = arith.constant 4 : i32
        %mul3A_317 = arith.muli %sub3A_315, %mul3A_316 : i32
        %dma_wait3A_318 = arith.constant 0 : i32
        %dma_wait3A_319 = arith.constant 0 : i32
        %dma_wait3A_320 = arith.constant 0 : i32
        %dma_wait3A_321 = arith.constant 0 : i32
        %dma_wait3A_322 = tpu.memref_slice %arg9[%dma_wait3A_318, %dma_wait3A_319, %dma_wait3A_320, %dma_wait3A_321] : memref<4x8x8x129xf32, #tpu.memory_space<vmem>> -> memref<4x8x8x128xf32, #tpu.memory_space<vmem>>
        %dma_wait3A_323 = arith.constant 0 : i32
        %dma_wait3A_324 = arith.constant 0 : i32
        %dma_wait3A_325 = arith.constant 0 : i32
        %dma_wait3A_326 = tpu.memref_slice %arg5[%mul3A_317, %dma_wait3A_323, %add3A, %dma_wait3A_324, %dma_wait3A_325] : memref<200x8x32x8x128xf32, #tpu.memory_space<hbm>> -> memref<4x8x1x8x128xf32, #tpu.memory_space<hbm>>
        %dma_wait3A_327 = tpu.memref_squeeze %dma_wait3A_326 : memref<4x8x1x8x128xf32, #tpu.memory_space<hbm>> -> memref<4x8x8x128xf32, #tpu.memory_space<hbm>>
        %dma_wait3A_328 = arith.constant 0 : i32
        %dma_wait3A_329 = arith.constant 0 : i32
        %dma_wait3A_330 = arith.constant 0 : i32
        %dma_wait3A_331 = tpu.memref_slice %arg5[%mul3A_317, %dma_wait3A_328, %add3A, %dma_wait3A_329, %dma_wait3A_330] : memref<200x8x32x8x128xf32, #tpu.memory_space<hbm>> -> memref<4x8x1x8x128xf32, #tpu.memory_space<hbm>>
        %dma_wait3A_332 = tpu.memref_squeeze %dma_wait3A_331 : memref<4x8x1x8x128xf32, #tpu.memory_space<hbm>> -> memref<4x8x8x128xf32, #tpu.memory_space<hbm>>
        %dma_wait3A_333 = arith.constant 0 : i32
        %dma_wait3A_334 = arith.constant 0 : i32
        %dma_wait3A_335 = arith.constant 0 : i32
        %dma_wait3A_336 = arith.constant 0 : i32
        %dma_wait3A_337 = tpu.memref_slice %arg9[%dma_wait3A_333, %dma_wait3A_334, %dma_wait3A_335, %dma_wait3A_336] : memref<4x8x8x129xf32, #tpu.memory_space<vmem>> -> memref<4x8x8x128xf32, #tpu.memory_space<vmem>>
        tpu.wait_dma2 semaphore(%arg14 : memref<!tpu.dma_semaphore, #tpu.memory_space<semaphore_mem>>) src(%dma_wait3A_337 : memref<4x8x8x128xf32, #tpu.memory_space<vmem>>) dst(%dma_wait3A_332 : memref<4x8x8x128xf32, #tpu.memory_space<hbm>>)
      } else {
      }
      %scan3A_287 = arith.constant 0 : i32
      %scan3A_288 = arith.constant 0 : i32
      %scan3A_289 = arith.constant 64 : i32
      %scan3A_290 = arith.addi %scan3A_288, %scan3A_289 : i32
      %scan3A_291 = arith.constant 1 : i32
      scf.for %scan3A_315 = %scan3A_288 to %scan3A_290 step %scan3A_291  : i32 {
        %jit3A = arith.constant 16 : i32
        %div3A = arith.divsi %scan3A_315, %jit3A : i32
        %sign3A = arith.constant 0 : i32
        %sign3A_316 = arith.cmpi sgt, %scan3A_315, %sign3A : i32
        %sign3A_317 = arith.extui %sign3A_316 : i1 to i32
        %sign3A_318 = arith.constant 0 : i32
        %sign3A_319 = arith.cmpi slt, %scan3A_315, %sign3A_318 : i32
        %sign3A_320 = arith.extui %sign3A_319 : i1 to i32
        %sign3A_321 = arith.subi %sign3A_317, %sign3A_320 : i32
        %sign3A_322 = arith.constant 0 : i32
        %sign3A_323 = arith.cmpi sgt, %jit3A, %sign3A_322 : i32
        %sign3A_324 = arith.extui %sign3A_323 : i1 to i32
        %sign3A_325 = arith.constant 0 : i32
        %sign3A_326 = arith.cmpi slt, %jit3A, %sign3A_325 : i32
        %sign3A_327 = arith.extui %sign3A_326 : i1 to i32
        %sign3A_328 = arith.subi %sign3A_324, %sign3A_327 : i32
        %ne3A = arith.cmpi ne, %sign3A_321, %sign3A_328 : i32
        %rem3A = arith.remsi %scan3A_315, %jit3A : i32
        %ne3A_329 = arith.constant 0 : i32
        %ne3A_330 = arith.cmpi ne, %rem3A, %ne3A_329 : i32
        %and3A = arith.andi %ne3A, %ne3A_330 : i1
        %sub3A = arith.constant 1 : i32
        %sub3A_331 = arith.subi %div3A, %sub3A : i32
        %select_n3A = arith.select %and3A, %sub3A_331, %div3A : i32
        %jit3A_332 = arith.constant 16 : i32
        %eq3A = arith.constant 0 : i32
        %eq3A_333 = arith.cmpi eq, %jit3A_332, %eq3A : i32
        %jit3A_334 = arith.constant 1 : i32
        %select_n3A_335 = arith.select %eq3A_333, %jit3A_334, %jit3A_332 : i32
        %rem3A_336 = arith.remsi %scan3A_315, %select_n3A_335 : i32
        %ne3A_337 = arith.constant 0 : i32
        %ne3A_338 = arith.cmpi ne, %rem3A_336, %ne3A_337 : i32
        %lt3A_339 = arith.constant 0 : i32
        %lt3A_340 = arith.cmpi slt, %rem3A_336, %lt3A_339 : i32
        %lt3A_341 = arith.constant 0 : i32
        %lt3A_342 = arith.cmpi slt, %select_n3A_335, %lt3A_341 : i32
        %ne3A_343 = arith.xori %lt3A_340, %lt3A_342 : i1
        %and3A_344 = arith.andi %ne3A_343, %ne3A_338 : i1
        %add3A_345 = arith.addi %rem3A_336, %select_n3A_335 : i32
        %select_n3A_346 = arith.select %and3A_344, %add3A_345, %rem3A_336 : i32
        %mul3A_347 = arith.constant 64 : i32
        %mul3A_348 = arith.muli %select_n3A, %mul3A_347 : i32
        %add3A_349 = arith.constant 0 : i32
        %add3A_350 = arith.addi %mul3A_348, %add3A_349 : i32
        %add3A_351 = vector.broadcast %add3A_350 : i32 to vector<16xi32>
        %add3A_352 = arith.addi %add3A_351, %iota3A : vector<16xi32>
        %mul3A_353 = arith.constant 64 : i32
        %mul3A_354 = arith.muli %select_n3A, %mul3A_353 : i32
        %add3A_355 = arith.constant 16 : i32
        %add3A_356 = arith.addi %mul3A_354, %add3A_355 : i32
        %add3A_357 = vector.broadcast %add3A_356 : i32 to vector<16xi32>
        %add3A_358 = arith.addi %add3A_357, %iota3A : vector<16xi32>
        %mul3A_359 = arith.constant 64 : i32
        %mul3A_360 = arith.muli %select_n3A, %mul3A_359 : i32
        %add3A_361 = arith.constant 32 : i32
        %add3A_362 = arith.addi %mul3A_360, %add3A_361 : i32
        %add3A_363 = vector.broadcast %add3A_362 : i32 to vector<16xi32>
        %add3A_364 = arith.addi %add3A_363, %iota3A : vector<16xi32>
        %mul3A_365 = arith.constant 64 : i32
        %mul3A_366 = arith.muli %select_n3A, %mul3A_365 : i32
        %add3A_367 = arith.constant 48 : i32
        %add3A_368 = arith.addi %mul3A_366, %add3A_367 : i32
        %add3A_369 = vector.broadcast %add3A_368 : i32 to vector<16xi32>
        %add3A_370 = arith.addi %add3A_369, %iota3A : vector<16xi32>
        %mul3A_371 = arith.constant 4 : i32
        %mul3A_372 = arith.muli %add3A_260, %mul3A_371 : i32
        %add3A_373 = arith.addi %mul3A_372, %select_n3A : i32
        %get3A = arith.index_cast %add3A_373 : i32 to index
        %get3A_374 = arith.constant 0 : index
        %get3A_375 = tpu.vector_load %arg10[%get3A, %get3A_374] {strides = array<i32>} : memref<200x64xf32, #tpu.memory_space<vmem>>, vector<16xf32>,
        %mul3A_376 = arith.constant 4 : i32
        %mul3A_377 = arith.muli %add3A_260, %mul3A_376 : i32
        %add3A_378 = arith.addi %mul3A_377, %select_n3A : i32
        %get3A_379 = arith.index_cast %add3A_378 : i32 to index
        %get3A_380 = arith.constant 16 : index
        %get3A_381 = tpu.vector_load %arg10[%get3A_379, %get3A_380] {strides = array<i32>} : memref<200x64xf32, #tpu.memory_space<vmem>>, vector<16xf32>,
        %mul3A_382 = arith.constant 4 : i32
        %mul3A_383 = arith.muli %add3A_260, %mul3A_382 : i32
        %add3A_384 = arith.addi %mul3A_383, %select_n3A : i32
        %get3A_385 = arith.index_cast %add3A_384 : i32 to index
        %get3A_386 = arith.constant 32 : index
        %get3A_387 = tpu.vector_load %arg10[%get3A_385, %get3A_386] {strides = array<i32>} : memref<200x64xf32, #tpu.memory_space<vmem>>, vector<16xf32>,
        %mul3A_388 = arith.constant 4 : i32
        %mul3A_389 = arith.muli %add3A_260, %mul3A_388 : i32
        %add3A_390 = arith.addi %mul3A_389, %select_n3A : i32
        %get3A_391 = arith.index_cast %add3A_390 : i32 to index
        %get3A_392 = arith.constant 48 : index
        %get3A_393 = tpu.vector_load %arg10[%get3A_391, %get3A_392] {strides = array<i32>} : memref<200x64xf32, #tpu.memory_space<vmem>>, vector<16xf32>,
        %mul3A_394 = arith.constant 8 : i32
        %mul3A_395 = arith.muli %select_n3A_346, %mul3A_394 : i32
        %add3A_396 = arith.constant 0 : i32
        %add3A_397 = arith.addi %mul3A_395, %add3A_396 : i32
        %broadcast_in_dim3A = vector.broadcast %add3A_397 : i32 to vector<16xi32>
        %mul3A_398 = arith.constant 128 : i32
        %mul3A_399 = arith.muli %select_n3A, %mul3A_398 : i32
        %add3A_400 = arith.addi %mul3A_399, %add3A_397 : i32
        %get3A_401 = arith.index_cast %add3A_400 : i32 to index
        %get3A_402 = arith.constant 0 : index
        %get3A_403 = tpu.vector_load %arg8[%get3A_401, %get3A_402] {strides = array<i32>} : memref<512x64xf32, #tpu.memory_space<vmem>>, vector<16xf32>,
        %add3A_404 = arith.addf %get3A_403, %get3A_375 : vector<16xf32>
        tpu.vector_store_idx %arg9[%mul3A_176, %mul3A_176, %add3A_352, %broadcast_in_dim3A], %add3A_404 : memref<4x8x8x129xf32, #tpu.memory_space<vmem>>[vector<16xi32>, vector<16xi32>, vector<16xi32>, vector<16xi32>], vector<16xf32>,
        %mul3A_405 = arith.constant 128 : i32
        %mul3A_406 = arith.muli %select_n3A, %mul3A_405 : i32
        %add3A_407 = arith.addi %mul3A_406, %add3A_397 : i32
        %get3A_408 = arith.index_cast %add3A_407 : i32 to index
        %get3A_409 = arith.constant 16 : index
        %get3A_410 = tpu.vector_load %arg8[%get3A_408, %get3A_409] {strides = array<i32>} : memref<512x64xf32, #tpu.memory_space<vmem>>, vector<16xf32>,
        %add3A_411 = arith.addf %get3A_410, %get3A_381 : vector<16xf32>
        tpu.vector_store_idx %arg9[%mul3A_176, %mul3A_176, %add3A_358, %broadcast_in_dim3A], %add3A_411 : memref<4x8x8x129xf32, #tpu.memory_space<vmem>>[vector<16xi32>, vector<16xi32>, vector<16xi32>, vector<16xi32>], vector<16xf32>,
        %mul3A_412 = arith.constant 128 : i32
        %mul3A_413 = arith.muli %select_n3A, %mul3A_412 : i32
        %add3A_414 = arith.addi %mul3A_413, %add3A_397 : i32
        %get3A_415 = arith.index_cast %add3A_414 : i32 to index
        %get3A_416 = arith.constant 32 : index
        %get3A_417 = tpu.vector_load %arg8[%get3A_415, %get3A_416] {strides = array<i32>} : memref<512x64xf32, #tpu.memory_space<vmem>>, vector<16xf32>,
        %add3A_418 = arith.addf %get3A_417, %get3A_387 : vector<16xf32>
        tpu.vector_store_idx %arg9[%mul3A_176, %mul3A_176, %add3A_364, %broadcast_in_dim3A], %add3A_418 : memref<4x8x8x129xf32, #tpu.memory_space<vmem>>[vector<16xi32>, vector<16xi32>, vector<16xi32>, vector<16xi32>], vector<16xf32>,
        %mul3A_419 = arith.constant 128 : i32
        %mul3A_420 = arith.muli %select_n3A, %mul3A_419 : i32
        %add3A_421 = arith.addi %mul3A_420, %add3A_397 : i32
        %get3A_422 = arith.index_cast %add3A_421 : i32 to index
        %get3A_423 = arith.constant 48 : index
        %get3A_424 = tpu.vector_load %arg8[%get3A_422, %get3A_423] {strides = array<i32>} : memref<512x64xf32, #tpu.memory_space<vmem>>, vector<16xf32>,
        %add3A_425 = arith.addf %get3A_424, %get3A_393 : vector<16xf32>
        tpu.vector_store_idx %arg9[%mul3A_176, %mul3A_176, %add3A_370, %broadcast_in_dim3A], %add3A_425 : memref<4x8x8x129xf32, #tpu.memory_space<vmem>>[vector<16xi32>, vector<16xi32>, vector<16xi32>, vector<16xi32>], vector<16xf32>,
        %mul3A_426 = arith.constant 8 : i32
        %mul3A_427 = arith.muli %select_n3A_346, %mul3A_426 : i32
        %add3A_428 = arith.constant 1 : i32
        %add3A_429 = arith.addi %mul3A_427, %add3A_428 : i32
        %broadcast_in_dim3A_430 = vector.broadcast %add3A_429 : i32 to vector<16xi32>
        %mul3A_431 = arith.constant 128 : i32
        %mul3A_432 = arith.muli %select_n3A, %mul3A_431 : i32
        %add3A_433 = arith.addi %mul3A_432, %add3A_429 : i32
        %get3A_434 = arith.index_cast %add3A_433 : i32 to index
        %get3A_435 = arith.constant 0 : index
        %get3A_436 = tpu.vector_load %arg8[%get3A_434, %get3A_435] {strides = array<i32>} : memref<512x64xf32, #tpu.memory_space<vmem>>, vector<16xf32>,
        %add3A_437 = arith.addf %get3A_436, %get3A_375 : vector<16xf32>
        tpu.vector_store_idx %arg9[%mul3A_176, %mul3A_176, %add3A_352, %broadcast_in_dim3A_430], %add3A_437 : memref<4x8x8x129xf32, #tpu.memory_space<vmem>>[vector<16xi32>, vector<16xi32>, vector<16xi32>, vector<16xi32>], vector<16xf32>,
        %mul3A_438 = arith.constant 128 : i32
        %mul3A_439 = arith.muli %select_n3A, %mul3A_438 : i32
        %add3A_440 = arith.addi %mul3A_439, %add3A_429 : i32
        %get3A_441 = arith.index_cast %add3A_440 : i32 to index
        %get3A_442 = arith.constant 16 : index
        %get3A_443 = tpu.vector_load %arg8[%get3A_441, %get3A_442] {strides = array<i32>} : memref<512x64xf32, #tpu.memory_space<vmem>>, vector<16xf32>,
        %add3A_444 = arith.addf %get3A_443, %get3A_381 : vector<16xf32>
        tpu.vector_store_idx %arg9[%mul3A_176, %mul3A_176, %add3A_358, %broadcast_in_dim3A_430], %add3A_444 : memref<4x8x8x129xf32, #tpu.memory_space<vmem>>[vector<16xi32>, vector<16xi32>, vector<16xi32>, vector<16xi32>], vector<16xf32>,
        %mul3A_445 = arith.constant 128 : i32
        %mul3A_446 = arith.muli %select_n3A, %mul3A_445 : i32
        %add3A_447 = arith.addi %mul3A_446, %add3A_429 : i32
        %get3A_448 = arith.index_cast %add3A_447 : i32 to index
        %get3A_449 = arith.constant 32 : index
        %get3A_450 = tpu.vector_load %arg8[%get3A_448, %get3A_449] {strides = array<i32>} : memref<512x64xf32, #tpu.memory_space<vmem>>, vector<16xf32>,
        %add3A_451 = arith.addf %get3A_450, %get3A_387 : vector<16xf32>
        tpu.vector_store_idx %arg9[%mul3A_176, %mul3A_176, %add3A_364, %broadcast_in_dim3A_430], %add3A_451 : memref<4x8x8x129xf32, #tpu.memory_space<vmem>>[vector<16xi32>, vector<16xi32>, vector<16xi32>, vector<16xi32>], vector<16xf32>,
        %mul3A_452 = arith.constant 128 : i32
        %mul3A_453 = arith.muli %select_n3A, %mul3A_452 : i32
        %add3A_454 = arith.addi %mul3A_453, %add3A_429 : i32
        %get3A_455 = arith.index_cast %add3A_454 : i32 to index
        %get3A_456 = arith.constant 48 : index
        %get3A_457 = tpu.vector_load %arg8[%get3A_455, %get3A_456] {strides = array<i32>} : memref<512x64xf32, #tpu.memory_space<vmem>>, vector<16xf32>,
        %add3A_458 = arith.addf %get3A_457, %get3A_393 : vector<16xf32>
        tpu.vector_store_idx %arg9[%mul3A_176, %mul3A_176, %add3A_370, %broadcast_in_dim3A_430], %add3A_458 : memref<4x8x8x129xf32, #tpu.memory_space<vmem>>[vector<16xi32>, vector<16xi32>, vector<16xi32>, vector<16xi32>], vector<16xf32>,
        %mul3A_459 = arith.constant 8 : i32
        %mul3A_460 = arith.muli %select_n3A_346, %mul3A_459 : i32
        %add3A_461 = arith.constant 2 : i32
        %add3A_462 = arith.addi %mul3A_460, %add3A_461 : i32
        %broadcast_in_dim3A_463 = vector.broadcast %add3A_462 : i32 to vector<16xi32>
        %mul3A_464 = arith.constant 128 : i32
        %mul3A_465 = arith.muli %select_n3A, %mul3A_464 : i32
        %add3A_466 = arith.addi %mul3A_465, %add3A_462 : i32
        %get3A_467 = arith.index_cast %add3A_466 : i32 to index
        %get3A_468 = arith.constant 0 : index
        %get3A_469 = tpu.vector_load %arg8[%get3A_467, %get3A_468] {strides = array<i32>} : memref<512x64xf32, #tpu.memory_space<vmem>>, vector<16xf32>,
        %add3A_470 = arith.addf %get3A_469, %get3A_375 : vector<16xf32>
        tpu.vector_store_idx %arg9[%mul3A_176, %mul3A_176, %add3A_352, %broadcast_in_dim3A_463], %add3A_470 : memref<4x8x8x129xf32, #tpu.memory_space<vmem>>[vector<16xi32>, vector<16xi32>, vector<16xi32>, vector<16xi32>], vector<16xf32>,
        %mul3A_471 = arith.constant 128 : i32
        %mul3A_472 = arith.muli %select_n3A, %mul3A_471 : i32
        %add3A_473 = arith.addi %mul3A_472, %add3A_462 : i32
        %get3A_474 = arith.index_cast %add3A_473 : i32 to index
        %get3A_475 = arith.constant 16 : index
        %get3A_476 = tpu.vector_load %arg8[%get3A_474, %get3A_475] {strides = array<i32>} : memref<512x64xf32, #tpu.memory_space<vmem>>, vector<16xf32>,
        %add3A_477 = arith.addf %get3A_476, %get3A_381 : vector<16xf32>
        tpu.vector_store_idx %arg9[%mul3A_176, %mul3A_176, %add3A_358, %broadcast_in_dim3A_463], %add3A_477 : memref<4x8x8x129xf32, #tpu.memory_space<vmem>>[vector<16xi32>, vector<16xi32>, vector<16xi32>, vector<16xi32>], vector<16xf32>,
        %mul3A_478 = arith.constant 128 : i32
        %mul3A_479 = arith.muli %select_n3A, %mul3A_478 : i32
        %add3A_480 = arith.addi %mul3A_479, %add3A_462 : i32
        %get3A_481 = arith.index_cast %add3A_480 : i32 to index
        %get3A_482 = arith.constant 32 : index
        %get3A_483 = tpu.vector_load %arg8[%get3A_481, %get3A_482] {strides = array<i32>} : memref<512x64xf32, #tpu.memory_space<vmem>>, vector<16xf32>,
        %add3A_484 = arith.addf %get3A_483, %get3A_387 : vector<16xf32>
        tpu.vector_store_idx %arg9[%mul3A_176, %mul3A_176, %add3A_364, %broadcast_in_dim3A_463], %add3A_484 : memref<4x8x8x129xf32, #tpu.memory_space<vmem>>[vector<16xi32>, vector<16xi32>, vector<16xi32>, vector<16xi32>], vector<16xf32>,
        %mul3A_485 = arith.constant 128 : i32
        %mul3A_486 = arith.muli %select_n3A, %mul3A_485 : i32
        %add3A_487 = arith.addi %mul3A_486, %add3A_462 : i32
        %get3A_488 = arith.index_cast %add3A_487 : i32 to index
        %get3A_489 = arith.constant 48 : index
        %get3A_490 = tpu.vector_load %arg8[%get3A_488, %get3A_489] {strides = array<i32>} : memref<512x64xf32, #tpu.memory_space<vmem>>, vector<16xf32>,
        %add3A_491 = arith.addf %get3A_490, %get3A_393 : vector<16xf32>
        tpu.vector_store_idx %arg9[%mul3A_176, %mul3A_176, %add3A_370, %broadcast_in_dim3A_463], %add3A_491 : memref<4x8x8x129xf32, #tpu.memory_space<vmem>>[vector<16xi32>, vector<16xi32>, vector<16xi32>, vector<16xi32>], vector<16xf32>,
        %mul3A_492 = arith.constant 8 : i32
        %mul3A_493 = arith.muli %select_n3A_346, %mul3A_492 : i32
        %add3A_494 = arith.constant 3 : i32
        %add3A_495 = arith.addi %mul3A_493, %add3A_494 : i32
        %broadcast_in_dim3A_496 = vector.broadcast %add3A_495 : i32 to vector<16xi32>
        %mul3A_497 = arith.constant 128 : i32
        %mul3A_498 = arith.muli %select_n3A, %mul3A_497 : i32
        %add3A_499 = arith.addi %mul3A_498, %add3A_495 : i32
        %get3A_500 = arith.index_cast %add3A_499 : i32 to index
        %get3A_501 = arith.constant 0 : index
        %get3A_502 = tpu.vector_load %arg8[%get3A_500, %get3A_501] {strides = array<i32>} : memref<512x64xf32, #tpu.memory_space<vmem>>, vector<16xf32>,
        %add3A_503 = arith.addf %get3A_502, %get3A_375 : vector<16xf32>
        tpu.vector_store_idx %arg9[%mul3A_176, %mul3A_176, %add3A_352, %broadcast_in_dim3A_496], %add3A_503 : memref<4x8x8x129xf32, #tpu.memory_space<vmem>>[vector<16xi32>, vector<16xi32>, vector<16xi32>, vector<16xi32>], vector<16xf32>,
        %mul3A_504 = arith.constant 128 : i32
        %mul3A_505 = arith.muli %select_n3A, %mul3A_504 : i32
        %add3A_506 = arith.addi %mul3A_505, %add3A_495 : i32
        %get3A_507 = arith.index_cast %add3A_506 : i32 to index
        %get3A_508 = arith.constant 16 : index
        %get3A_509 = tpu.vector_load %arg8[%get3A_507, %get3A_508] {strides = array<i32>} : memref<512x64xf32, #tpu.memory_space<vmem>>, vector<16xf32>,
        %add3A_510 = arith.addf %get3A_509, %get3A_381 : vector<16xf32>
        tpu.vector_store_idx %arg9[%mul3A_176, %mul3A_176, %add3A_358, %broadcast_in_dim3A_496], %add3A_510 : memref<4x8x8x129xf32, #tpu.memory_space<vmem>>[vector<16xi32>, vector<16xi32>, vector<16xi32>, vector<16xi32>], vector<16xf32>,
        %mul3A_511 = arith.constant 128 : i32
        %mul3A_512 = arith.muli %select_n3A, %mul3A_511 : i32
        %add3A_513 = arith.addi %mul3A_512, %add3A_495 : i32
        %get3A_514 = arith.index_cast %add3A_513 : i32 to index
        %get3A_515 = arith.constant 32 : index
        %get3A_516 = tpu.vector_load %arg8[%get3A_514, %get3A_515] {strides = array<i32>} : memref<512x64xf32, #tpu.memory_space<vmem>>, vector<16xf32>,
        %add3A_517 = arith.addf %get3A_516, %get3A_387 : vector<16xf32>
        tpu.vector_store_idx %arg9[%mul3A_176, %mul3A_176, %add3A_364, %broadcast_in_dim3A_496], %add3A_517 : memref<4x8x8x129xf32, #tpu.memory_space<vmem>>[vector<16xi32>, vector<16xi32>, vector<16xi32>, vector<16xi32>], vector<16xf32>,
        %mul3A_518 = arith.constant 128 : i32
        %mul3A_519 = arith.muli %select_n3A, %mul3A_518 : i32
        %add3A_520 = arith.addi %mul3A_519, %add3A_495 : i32
        %get3A_521 = arith.index_cast %add3A_520 : i32 to index
        %get3A_522 = arith.constant 48 : index
        %get3A_523 = tpu.vector_load %arg8[%get3A_521, %get3A_522] {strides = array<i32>} : memref<512x64xf32, #tpu.memory_space<vmem>>, vector<16xf32>,
        %add3A_524 = arith.addf %get3A_523, %get3A_393 : vector<16xf32>
        tpu.vector_store_idx %arg9[%mul3A_176, %mul3A_176, %add3A_370, %broadcast_in_dim3A_496], %add3A_524 : memref<4x8x8x129xf32, #tpu.memory_space<vmem>>[vector<16xi32>, vector<16xi32>, vector<16xi32>, vector<16xi32>], vector<16xf32>,
        %mul3A_525 = arith.constant 8 : i32
        %mul3A_526 = arith.muli %select_n3A_346, %mul3A_525 : i32
        %add3A_527 = arith.constant 4 : i32
        %add3A_528 = arith.addi %mul3A_526, %add3A_527 : i32
        %broadcast_in_dim3A_529 = vector.broadcast %add3A_528 : i32 to vector<16xi32>
        %mul3A_530 = arith.constant 128 : i32
        %mul3A_531 = arith.muli %select_n3A, %mul3A_530 : i32
        %add3A_532 = arith.addi %mul3A_531, %add3A_528 : i32
        %get3A_533 = arith.index_cast %add3A_532 : i32 to index
        %get3A_534 = arith.constant 0 : index
        %get3A_535 = tpu.vector_load %arg8[%get3A_533, %get3A_534] {strides = array<i32>} : memref<512x64xf32, #tpu.memory_space<vmem>>, vector<16xf32>,
        %add3A_536 = arith.addf %get3A_535, %get3A_375 : vector<16xf32>
        tpu.vector_store_idx %arg9[%mul3A_176, %mul3A_176, %add3A_352, %broadcast_in_dim3A_529], %add3A_536 : memref<4x8x8x129xf32, #tpu.memory_space<vmem>>[vector<16xi32>, vector<16xi32>, vector<16xi32>, vector<16xi32>], vector<16xf32>,
        %mul3A_537 = arith.constant 128 : i32
        %mul3A_538 = arith.muli %select_n3A, %mul3A_537 : i32
        %add3A_539 = arith.addi %mul3A_538, %add3A_528 : i32
        %get3A_540 = arith.index_cast %add3A_539 : i32 to index
        %get3A_541 = arith.constant 16 : index
        %get3A_542 = tpu.vector_load %arg8[%get3A_540, %get3A_541] {strides = array<i32>} : memref<512x64xf32, #tpu.memory_space<vmem>>, vector<16xf32>,
        %add3A_543 = arith.addf %get3A_542, %get3A_381 : vector<16xf32>
        tpu.vector_store_idx %arg9[%mul3A_176, %mul3A_176, %add3A_358, %broadcast_in_dim3A_529], %add3A_543 : memref<4x8x8x129xf32, #tpu.memory_space<vmem>>[vector<16xi32>, vector<16xi32>, vector<16xi32>, vector<16xi32>], vector<16xf32>,
        %mul3A_544 = arith.constant 128 : i32
        %mul3A_545 = arith.muli %select_n3A, %mul3A_544 : i32
        %add3A_546 = arith.addi %mul3A_545, %add3A_528 : i32
        %get3A_547 = arith.index_cast %add3A_546 : i32 to index
        %get3A_548 = arith.constant 32 : index
        %get3A_549 = tpu.vector_load %arg8[%get3A_547, %get3A_548] {strides = array<i32>} : memref<512x64xf32, #tpu.memory_space<vmem>>, vector<16xf32>,
        %add3A_550 = arith.addf %get3A_549, %get3A_387 : vector<16xf32>
        tpu.vector_store_idx %arg9[%mul3A_176, %mul3A_176, %add3A_364, %broadcast_in_dim3A_529], %add3A_550 : memref<4x8x8x129xf32, #tpu.memory_space<vmem>>[vector<16xi32>, vector<16xi32>, vector<16xi32>, vector<16xi32>], vector<16xf32>,
        %mul3A_551 = arith.constant 128 : i32
        %mul3A_552 = arith.muli %select_n3A, %mul3A_551 : i32
        %add3A_553 = arith.addi %mul3A_552, %add3A_528 : i32
        %get3A_554 = arith.index_cast %add3A_553 : i32 to index
        %get3A_555 = arith.constant 48 : index
        %get3A_556 = tpu.vector_load %arg8[%get3A_554, %get3A_555] {strides = array<i32>} : memref<512x64xf32, #tpu.memory_space<vmem>>, vector<16xf32>,
        %add3A_557 = arith.addf %get3A_556, %get3A_393 : vector<16xf32>
        tpu.vector_store_idx %arg9[%mul3A_176, %mul3A_176, %add3A_370, %broadcast_in_dim3A_529], %add3A_557 : memref<4x8x8x129xf32, #tpu.memory_space<vmem>>[vector<16xi32>, vector<16xi32>, vector<16xi32>, vector<16xi32>], vector<16xf32>,
        %mul3A_558 = arith.constant 8 : i32
        %mul3A_559 = arith.muli %select_n3A_346, %mul3A_558 : i32
        %add3A_560 = arith.constant 5 : i32
        %add3A_561 = arith.addi %mul3A_559, %add3A_560 : i32
        %broadcast_in_dim3A_562 = vector.broadcast %add3A_561 : i32 to vector<16xi32>
        %mul3A_563 = arith.constant 128 : i32
        %mul3A_564 = arith.muli %select_n3A, %mul3A_563 : i32
        %add3A_565 = arith.addi %mul3A_564, %add3A_561 : i32
        %get3A_566 = arith.index_cast %add3A_565 : i32 to index
        %get3A_567 = arith.constant 0 : index
        %get3A_568 = tpu.vector_load %arg8[%get3A_566, %get3A_567] {strides = array<i32>} : memref<512x64xf32, #tpu.memory_space<vmem>>, vector<16xf32>,
        %add3A_569 = arith.addf %get3A_568, %get3A_375 : vector<16xf32>
        tpu.vector_store_idx %arg9[%mul3A_176, %mul3A_176, %add3A_352, %broadcast_in_dim3A_562], %add3A_569 : memref<4x8x8x129xf32, #tpu.memory_space<vmem>>[vector<16xi32>, vector<16xi32>, vector<16xi32>, vector<16xi32>], vector<16xf32>,
        %mul3A_570 = arith.constant 128 : i32
        %mul3A_571 = arith.muli %select_n3A, %mul3A_570 : i32
        %add3A_572 = arith.addi %mul3A_571, %add3A_561 : i32
        %get3A_573 = arith.index_cast %add3A_572 : i32 to index
        %get3A_574 = arith.constant 16 : index
        %get3A_575 = tpu.vector_load %arg8[%get3A_573, %get3A_574] {strides = array<i32>} : memref<512x64xf32, #tpu.memory_space<vmem>>, vector<16xf32>,
        %add3A_576 = arith.addf %get3A_575, %get3A_381 : vector<16xf32>
        tpu.vector_store_idx %arg9[%mul3A_176, %mul3A_176, %add3A_358, %broadcast_in_dim3A_562], %add3A_576 : memref<4x8x8x129xf32, #tpu.memory_space<vmem>>[vector<16xi32>, vector<16xi32>, vector<16xi32>, vector<16xi32>], vector<16xf32>,
        %mul3A_577 = arith.constant 128 : i32
        %mul3A_578 = arith.muli %select_n3A, %mul3A_577 : i32
        %add3A_579 = arith.addi %mul3A_578, %add3A_561 : i32
        %get3A_580 = arith.index_cast %add3A_579 : i32 to index
        %get3A_581 = arith.constant 32 : index
        %get3A_582 = tpu.vector_load %arg8[%get3A_580, %get3A_581] {strides = array<i32>} : memref<512x64xf32, #tpu.memory_space<vmem>>, vector<16xf32>,
        %add3A_583 = arith.addf %get3A_582, %get3A_387 : vector<16xf32>
        tpu.vector_store_idx %arg9[%mul3A_176, %mul3A_176, %add3A_364, %broadcast_in_dim3A_562], %add3A_583 : memref<4x8x8x129xf32, #tpu.memory_space<vmem>>[vector<16xi32>, vector<16xi32>, vector<16xi32>, vector<16xi32>], vector<16xf32>,
        %mul3A_584 = arith.constant 128 : i32
        %mul3A_585 = arith.muli %select_n3A, %mul3A_584 : i32
        %add3A_586 = arith.addi %mul3A_585, %add3A_561 : i32
        %get3A_587 = arith.index_cast %add3A_586 : i32 to index
        %get3A_588 = arith.constant 48 : index
        %get3A_589 = tpu.vector_load %arg8[%get3A_587, %get3A_588] {strides = array<i32>} : memref<512x64xf32, #tpu.memory_space<vmem>>, vector<16xf32>,
        %add3A_590 = arith.addf %get3A_589, %get3A_393 : vector<16xf32>
        tpu.vector_store_idx %arg9[%mul3A_176, %mul3A_176, %add3A_370, %broadcast_in_dim3A_562], %add3A_590 : memref<4x8x8x129xf32, #tpu.memory_space<vmem>>[vector<16xi32>, vector<16xi32>, vector<16xi32>, vector<16xi32>], vector<16xf32>,
        %mul3A_591 = arith.constant 8 : i32
        %mul3A_592 = arith.muli %select_n3A_346, %mul3A_591 : i32
        %add3A_593 = arith.constant 6 : i32
        %add3A_594 = arith.addi %mul3A_592, %add3A_593 : i32
        %broadcast_in_dim3A_595 = vector.broadcast %add3A_594 : i32 to vector<16xi32>
        %mul3A_596 = arith.constant 128 : i32
        %mul3A_597 = arith.muli %select_n3A, %mul3A_596 : i32
        %add3A_598 = arith.addi %mul3A_597, %add3A_594 : i32
        %get3A_599 = arith.index_cast %add3A_598 : i32 to index
        %get3A_600 = arith.constant 0 : index
        %get3A_601 = tpu.vector_load %arg8[%get3A_599, %get3A_600] {strides = array<i32>} : memref<512x64xf32, #tpu.memory_space<vmem>>, vector<16xf32>,
        %add3A_602 = arith.addf %get3A_601, %get3A_375 : vector<16xf32>
        tpu.vector_store_idx %arg9[%mul3A_176, %mul3A_176, %add3A_352, %broadcast_in_dim3A_595], %add3A_602 : memref<4x8x8x129xf32, #tpu.memory_space<vmem>>[vector<16xi32>, vector<16xi32>, vector<16xi32>, vector<16xi32>], vector<16xf32>,
        %mul3A_603 = arith.constant 128 : i32
        %mul3A_604 = arith.muli %select_n3A, %mul3A_603 : i32
        %add3A_605 = arith.addi %mul3A_604, %add3A_594 : i32
        %get3A_606 = arith.index_cast %add3A_605 : i32 to index
        %get3A_607 = arith.constant 16 : index
        %get3A_608 = tpu.vector_load %arg8[%get3A_606, %get3A_607] {strides = array<i32>} : memref<512x64xf32, #tpu.memory_space<vmem>>, vector<16xf32>,
        %add3A_609 = arith.addf %get3A_608, %get3A_381 : vector<16xf32>
        tpu.vector_store_idx %arg9[%mul3A_176, %mul3A_176, %add3A_358, %broadcast_in_dim3A_595], %add3A_609 : memref<4x8x8x129xf32, #tpu.memory_space<vmem>>[vector<16xi32>, vector<16xi32>, vector<16xi32>, vector<16xi32>], vector<16xf32>,
        %mul3A_610 = arith.constant 128 : i32
        %mul3A_611 = arith.muli %select_n3A, %mul3A_610 : i32
        %add3A_612 = arith.addi %mul3A_611, %add3A_594 : i32
        %get3A_613 = arith.index_cast %add3A_612 : i32 to index
        %get3A_614 = arith.constant 32 : index
        %get3A_615 = tpu.vector_load %arg8[%get3A_613, %get3A_614] {strides = array<i32>} : memref<512x64xf32, #tpu.memory_space<vmem>>, vector<16xf32>,
        %add3A_616 = arith.addf %get3A_615, %get3A_387 : vector<16xf32>
        tpu.vector_store_idx %arg9[%mul3A_176, %mul3A_176, %add3A_364, %broadcast_in_dim3A_595], %add3A_616 : memref<4x8x8x129xf32, #tpu.memory_space<vmem>>[vector<16xi32>, vector<16xi32>, vector<16xi32>, vector<16xi32>], vector<16xf32>,
        %mul3A_617 = arith.constant 128 : i32
        %mul3A_618 = arith.muli %select_n3A, %mul3A_617 : i32
        %add3A_619 = arith.addi %mul3A_618, %add3A_594 : i32
        %get3A_620 = arith.index_cast %add3A_619 : i32 to index
        %get3A_621 = arith.constant 48 : index
        %get3A_622 = tpu.vector_load %arg8[%get3A_620, %get3A_621] {strides = array<i32>} : memref<512x64xf32, #tpu.memory_space<vmem>>, vector<16xf32>,
        %add3A_623 = arith.addf %get3A_622, %get3A_393 : vector<16xf32>
        tpu.vector_store_idx %arg9[%mul3A_176, %mul3A_176, %add3A_370, %broadcast_in_dim3A_595], %add3A_623 : memref<4x8x8x129xf32, #tpu.memory_space<vmem>>[vector<16xi32>, vector<16xi32>, vector<16xi32>, vector<16xi32>], vector<16xf32>,
        %mul3A_624 = arith.constant 8 : i32
        %mul3A_625 = arith.muli %select_n3A_346, %mul3A_624 : i32
        %add3A_626 = arith.constant 7 : i32
        %add3A_627 = arith.addi %mul3A_625, %add3A_626 : i32
        %broadcast_in_dim3A_628 = vector.broadcast %add3A_627 : i32 to vector<16xi32>
        %mul3A_629 = arith.constant 128 : i32
        %mul3A_630 = arith.muli %select_n3A, %mul3A_629 : i32
        %add3A_631 = arith.addi %mul3A_630, %add3A_627 : i32
        %get3A_632 = arith.index_cast %add3A_631 : i32 to index
        %get3A_633 = arith.constant 0 : index
        %get3A_634 = tpu.vector_load %arg8[%get3A_632, %get3A_633] {strides = array<i32>} : memref<512x64xf32, #tpu.memory_space<vmem>>, vector<16xf32>,
        %add3A_635 = arith.addf %get3A_634, %get3A_375 : vector<16xf32>
        tpu.vector_store_idx %arg9[%mul3A_176, %mul3A_176, %add3A_352, %broadcast_in_dim3A_628], %add3A_635 : memref<4x8x8x129xf32, #tpu.memory_space<vmem>>[vector<16xi32>, vector<16xi32>, vector<16xi32>, vector<16xi32>], vector<16xf32>,
        %mul3A_636 = arith.constant 128 : i32
        %mul3A_637 = arith.muli %select_n3A, %mul3A_636 : i32
        %add3A_638 = arith.addi %mul3A_637, %add3A_627 : i32
        %get3A_639 = arith.index_cast %add3A_638 : i32 to index
        %get3A_640 = arith.constant 16 : index
        %get3A_641 = tpu.vector_load %arg8[%get3A_639, %get3A_640] {strides = array<i32>} : memref<512x64xf32, #tpu.memory_space<vmem>>, vector<16xf32>,
        %add3A_642 = arith.addf %get3A_641, %get3A_381 : vector<16xf32>
        tpu.vector_store_idx %arg9[%mul3A_176, %mul3A_176, %add3A_358, %broadcast_in_dim3A_628], %add3A_642 : memref<4x8x8x129xf32, #tpu.memory_space<vmem>>[vector<16xi32>, vector<16xi32>, vector<16xi32>, vector<16xi32>], vector<16xf32>,
        %mul3A_643 = arith.constant 128 : i32
        %mul3A_644 = arith.muli %select_n3A, %mul3A_643 : i32
        %add3A_645 = arith.addi %mul3A_644, %add3A_627 : i32
        %get3A_646 = arith.index_cast %add3A_645 : i32 to index
        %get3A_647 = arith.constant 32 : index
        %get3A_648 = tpu.vector_load %arg8[%get3A_646, %get3A_647] {strides = array<i32>} : memref<512x64xf32, #tpu.memory_space<vmem>>, vector<16xf32>,
        %add3A_649 = arith.addf %get3A_648, %get3A_387 : vector<16xf32>
        tpu.vector_store_idx %arg9[%mul3A_176, %mul3A_176, %add3A_364, %broadcast_in_dim3A_628], %add3A_649 : memref<4x8x8x129xf32, #tpu.memory_space<vmem>>[vector<16xi32>, vector<16xi32>, vector<16xi32>, vector<16xi32>], vector<16xf32>,
        %mul3A_650 = arith.constant 128 : i32
        %mul3A_651 = arith.muli %select_n3A, %mul3A_650 : i32
        %add3A_652 = arith.addi %mul3A_651, %add3A_627 : i32
        %get3A_653 = arith.index_cast %add3A_652 : i32 to index
        %get3A_654 = arith.constant 48 : index
        %get3A_655 = tpu.vector_load %arg8[%get3A_653, %get3A_654] {strides = array<i32>} : memref<512x64xf32, #tpu.memory_space<vmem>>, vector<16xf32>,
        %add3A_656 = arith.addf %get3A_655, %get3A_393 : vector<16xf32>
        tpu.vector_store_idx %arg9[%mul3A_176, %mul3A_176, %add3A_370, %broadcast_in_dim3A_628], %add3A_656 : memref<4x8x8x129xf32, #tpu.memory_space<vmem>>[vector<16xi32>, vector<16xi32>, vector<16xi32>, vector<16xi32>], vector<16xf32>,
      }
      %scan3A_292 = arith.constant 64 : i32
      %mul3A_293 = arith.constant 4 : i32
      %mul3A_294 = arith.muli %add3A_260, %mul3A_293 : i32
      %dma_start3A_295 = arith.constant 0 : i32
      %dma_start3A_296 = arith.constant 0 : i32
      %dma_start3A_297 = arith.constant 0 : i32
      %dma_start3A_298 = arith.constant 0 : i32
      %dma_start3A_299 = tpu.memref_slice %arg9[%dma_start3A_295, %dma_start3A_296, %dma_start3A_297, %dma_start3A_298] : memref<4x8x8x129xf32, #tpu.memory_space<vmem>> -> memref<4x8x8x128xf32, #tpu.memory_space<vmem>>
      %dma_start3A_300 = arith.constant 0 : i32
      %dma_start3A_301 = arith.constant 0 : i32
      %dma_start3A_302 = arith.constant 0 : i32
      %dma_start3A_303 = tpu.memref_slice %arg5[%mul3A_294, %dma_start3A_300, %add3A, %dma_start3A_301, %dma_start3A_302] : memref<200x8x32x8x128xf32, #tpu.memory_space<hbm>> -> memref<4x8x1x8x128xf32, #tpu.memory_space<hbm>>
      %dma_start3A_304 = tpu.memref_squeeze %dma_start3A_303 : memref<4x8x1x8x128xf32, #tpu.memory_space<hbm>> -> memref<4x8x8x128xf32, #tpu.memory_space<hbm>>
      %dma_start3A_305 = arith.constant 0 : i32
      %dma_start3A_306 = arith.constant 0 : i32
      %dma_start3A_307 = arith.constant 0 : i32
      %dma_start3A_308 = tpu.memref_slice %arg5[%mul3A_294, %dma_start3A_305, %add3A, %dma_start3A_306, %dma_start3A_307] : memref<200x8x32x8x128xf32, #tpu.memory_space<hbm>> -> memref<4x8x1x8x128xf32, #tpu.memory_space<hbm>>
      %dma_start3A_309 = tpu.memref_squeeze %dma_start3A_308 : memref<4x8x1x8x128xf32, #tpu.memory_space<hbm>> -> memref<4x8x8x128xf32, #tpu.memory_space<hbm>>
      %dma_start3A_310 = arith.constant 0 : i32
      %dma_start3A_311 = arith.constant 0 : i32
      %dma_start3A_312 = arith.constant 0 : i32
      %dma_start3A_313 = arith.constant 0 : i32
      %dma_start3A_314 = tpu.memref_slice %arg9[%dma_start3A_310, %dma_start3A_311, %dma_start3A_312, %dma_start3A_313] : memref<4x8x8x129xf32, #tpu.memory_space<vmem>> -> memref<4x8x8x128xf32, #tpu.memory_space<vmem>>
      tpu.enqueue_dma source(%dma_start3A_314 : memref<4x8x8x128xf32, #tpu.memory_space<vmem>>) target(%dma_start3A_309 : memref<4x8x8x128xf32, #tpu.memory_space<hbm>>) target_semaphore(%arg14 : memref<!tpu.dma_semaphore, #tpu.memory_space<semaphore_mem>>)
    }
    %scan3A_181 = arith.constant 25 : i32
    %dma_wait3A_182 = arith.constant 0 : i32
    %dma_wait3A_183 = arith.constant 0 : i32
    %dma_wait3A_184 = arith.constant 0 : i32
    %dma_wait3A_185 = arith.constant 0 : i32
    %dma_wait3A_186 = tpu.memref_slice %arg9[%dma_wait3A_182, %dma_wait3A_183, %dma_wait3A_184, %dma_wait3A_185] : memref<4x8x8x129xf32, #tpu.memory_space<vmem>> -> memref<4x8x8x128xf32, #tpu.memory_space<vmem>>
    %dma_wait3A_187 = arith.constant 196 : i32
    %dma_wait3A_188 = arith.constant 0 : i32
    %dma_wait3A_189 = arith.constant 0 : i32
    %dma_wait3A_190 = arith.constant 0 : i32
    %dma_wait3A_191 = tpu.memref_slice %arg5[%dma_wait3A_187, %dma_wait3A_188, %add3A, %dma_wait3A_189, %dma_wait3A_190] : memref<200x8x32x8x128xf32, #tpu.memory_space<hbm>> -> memref<4x8x1x8x128xf32, #tpu.memory_space<hbm>>
    %dma_wait3A_192 = tpu.memref_squeeze %dma_wait3A_191 : memref<4x8x1x8x128xf32, #tpu.memory_space<hbm>> -> memref<4x8x8x128xf32, #tpu.memory_space<hbm>>
    %dma_wait3A_193 = arith.constant 196 : i32
    %dma_wait3A_194 = arith.constant 0 : i32
    %dma_wait3A_195 = arith.constant 0 : i32
    %dma_wait3A_196 = arith.constant 0 : i32
    %dma_wait3A_197 = tpu.memref_slice %arg5[%dma_wait3A_193, %dma_wait3A_194, %add3A, %dma_wait3A_195, %dma_wait3A_196] : memref<200x8x32x8x128xf32, #tpu.memory_space<hbm>> -> memref<4x8x1x8x128xf32, #tpu.memory_space<hbm>>
    %dma_wait3A_198 = tpu.memref_squeeze %dma_wait3A_197 : memref<4x8x1x8x128xf32, #tpu.memory_space<hbm>> -> memref<4x8x8x128xf32, #tpu.memory_space<hbm>>
    %dma_wait3A_199 = arith.constant 0 : i32
    %dma_wait3A_200 = arith.constant 0 : i32
    %dma_wait3A_201 = arith.constant 0 : i32
    %dma_wait3A_202 = arith.constant 0 : i32
    %dma_wait3A_203 = tpu.memref_slice %arg9[%dma_wait3A_199, %dma_wait3A_200, %dma_wait3A_201, %dma_wait3A_202] : memref<4x8x8x129xf32, #tpu.memory_space<vmem>> -> memref<4x8x8x128xf32, #tpu.memory_space<vmem>>
    tpu.wait_dma2 semaphore(%arg14 : memref<!tpu.dma_semaphore, #tpu.memory_space<semaphore_mem>>) src(%dma_wait3A_203 : memref<4x8x8x128xf32, #tpu.memory_space<vmem>>) dst(%dma_wait3A_198 : memref<4x8x8x128xf32, #tpu.memory_space<hbm>>)
    return
  }
}

</mosaic_0001>

<sc_bundles>
// kernel: _run.3.cloned.1.call-start
scs
__scs_entry_jumppad:
0x0: {  	(pc) =	sbr.rel $0x88, $3  }
0x1: {  	(tag) =	ssettag $0x0;
	lr =	simm.s32 $0x1  }
0x2: {  	[smem:$0x3F9E] =	sst lr;
	_ =	strace $0xD0000000  }
0x3: {  	_ = 	snop  }
0x4: {  	_ = 	snop  }
0x5: {  	_ = 	snop  }
0x6: {  	_ = 	snop  }
0x7: {  	_ = 	snop  }
__scs_overlays_trampoline_lowered:
0x8: {  	[smem:$0x3FAD] =	sst s0  }
0x9: {  	[smem:$0x3FAE] =	sst s1  }
0xa: {  	[smem:$0x3FAF] =	sst s2  }
0xb: {  	[smem:$0x3FB0] =	sst s3  }
0xc: {  	[smem:$0x3FB1] =	sst s4  }
0xd: {  	[smem:$0x3FB2] =	sst s5  }
0xe: {  	[smem:$0x3FB3] =	sst s6  }
0xf: {  	[smem:$0x3FB4] =	sst s7  }
0x10: {  	[smem:$0x3FB5] =	sst s8  }
0x11: {  	[smem:$0x3FB6] =	sst s9;
	s0 =	simm.s32 @!p0 $0x0  }
0x12: {  	s1 =	sld [smem:$0x3F9C];
	s0 =	simm.s32 @p0 $0x1  }
0x13: {  	[smem:$0x3FB7] =	sst s0;
	s0 =	simm.s32 @!p1 $0x0  }
0x14: {  	s2 =	sld [smem:$0x3F9B];
	s0 =	simm.s32 @p1 $0x1  }
0x15: {  	[smem:$0x3FB8] =	sst s0;
	s0 =	simm.s32 @!p2 $0x0  }
0x16: {  	s3 =	sld [smem:$0x3FDB];
	s0 =	simm.s32 @p2 $0x1  }
0x17: {  	s4 =	simm.s32 $0x1BF5;
	[smem:$0x3FBA] =	sst s0  }
0x18: {  	s0 =	sld [smem:$0x3F9D];
	_ =	swait.ge [sflag:s4], $0x0  }
0x19: {  	s7 =	sld [smem:$0x3F9E]  }
0x1a: {  	s8 =	sadd.s32 $0xFFFFE003, lr  }
0x1b: {  	s9 =	sadd.s32 $0xFFFFFEF7, lr;
	s5 =	simm.s32 $0xFFFFFFFF;
	p2 =	slt.u32 s8, $0xFFFFF086  }
0x1c: {  	p1 =	slt.u32 s9, $0xF7A;
	s5 =	simm.s32 @!p2 $0x0  }
0x1d: {  	s5 =	simm.s32 @p1 $0x1;
	p0 =	seq.s32 s7, s2  }
0x1e: {  	s7 =	smul.u32 @!p0 $0xF7A, s2;
	p2 =	seq.s32 @!p0 s5, $0x0  }
0x1f: {  	s9 =	smul.u32 $0xF7A, s1;
	s8 =	simm.s32 @!p0 $0x1BF5;
	p2 =	por !p2, p0  }
0x20: {  	[sflag:s8] =	ssyncset.s32 @!p0 $0xFFFFF086;
	s6 =	sadd.s32 @!p0 s3, s7;
	s7 =	simm.s32 @!p0 $0x108  }
0x21: {  	s3 =	sadd.s32 s3, s9;
	s6 =	sadd.s32 @!p0 $0x88, s6;
	s7 =	simm.s32 @p2 $0x1082  }
0x22: {  	[simem:s7], [sflag:s8] =	dma.local @!p0 [hbm:s6], $0xF7A  }
0x23: {  	s9 =	sor.u32 $0xD0000000, s2;
	s6 =	simm.s32 $0x108;
	_ =	swait.ge @!p0 [sflag:s8], $0x0  }
0x24: {  	s3 =	sadd.s32 $0x88, s3;
	s6 =	simm.s32 @!p1 $0x1082;
	[sflag:s4] =	ssyncset.s32 $0xFFFFF086  }
0x25: {  	[simem:s6], [sflag:s4] =	dma.local [hbm:s3], $0xF7A  }
0x26: {  	[smem:$0x3F9E] =	sst s1;
	(tag) =	ssettag s2;
	_ =	strace s9  }
0x27: {  	s1 =	sld [smem:$0x3FAE]  }
0x28: {  	s2 =	sld [smem:$0x3FAF]  }
0x29: {  	s4 =	sld [smem:$0x3FB1]  }
0x2a: {  	p0 =	seq.s32 s5, $0x0;
	s5 =	sld [smem:$0x3FB2]  }
0x2b: {  	s6 =	sld [smem:$0x3FB3]  }
0x2c: {  	s7 =	sld [smem:$0x3FB4]  }
0x2d: {  	s3 =	simm.s32 $0x108;
	s8 =	sld [smem:$0x3FB5]  }
0x2e: {  	s3 =	simm.s32 @!p0 $0x1082;
	s9 =	sld [smem:$0x3FB6]  }
0x2f: {  	lr =	sadd.s32 s0, s3;
	s0 =	sld [smem:$0x3FAD]  }
0x30: {  	s3 =	sld [smem:$0x3FB0]  }
0x31: {  	[smem:$0x3FB9] =	sst s10  }
0x32: {  	s10 =	sld [smem:$0x3FB7];
	_ =	sdelay $0x3  }
0x33: {  	p0 =	seq.s32 s10, $0x1;
	s10 =	sld [smem:$0x3FB9];
	_ =	sdelay $0x3  }
0x34: {  	[smem:$0x3FB9] =	sst s10  }
0x35: {  	s10 =	sld [smem:$0x3FB8];
	_ =	sdelay $0x3  }
0x36: {  	p1 =	seq.s32 s10, $0x1;
	s10 =	sld [smem:$0x3FB9];
	_ =	sdelay $0x3  }
0x37: {  	[smem:$0x3FB9] =	sst s10  }
0x38: {  	s10 =	sld [smem:$0x3FBA]  }
0x39: {  	_ = 	snop;
	(pc) =	sbr.ind lr, $3  }
0x3a: {  	_ = 	snop  }
0x3b: {  	_ = 	snop  }
0x3c: {  	p2 =	seq.s32 s10, $0x1;
	s10 =	sld [smem:$0x3FB9]  }
0x3d: {  	_ =	shalt  }
0x3e: {  	_ =	shalt  }
0x3f: {  	_ =	shalt  }
0x40: {  	_ =	shalt  }
0x41: {  	_ =	shalt  }
0x42: {  	_ =	shalt  }
0x43: {  	_ =	shalt  }
0x44: {  	_ =	shalt  }
0x45: {  	_ =	shalt  }
0x46: {  	_ =	shalt  }
0x47: {  	_ =	shalt  }
0x48: {  	_ =	shalt  }
0x49: {  	_ =	shalt  }
0x4a: {  	_ =	shalt  }
0x4b: {  	_ =	shalt  }
0x4c: {  	_ =	shalt  }
0x4d: {  	_ =	shalt  }
0x4e: {  	_ =	shalt  }
0x4f: {  	_ =	shalt  }
0x50: {  	_ =	shalt  }
0x51: {  	_ =	shalt  }
0x52: {  	_ =	shalt  }
0x53: {  	_ =	shalt  }
0x54: {  	_ =	shalt  }
0x55: {  	_ =	shalt  }
0x56: {  	_ =	shalt  }
0x57: {  	_ =	shalt  }
0x58: {  	_ =	shalt  }
0x59: {  	_ =	shalt  }
0x5a: {  	_ =	shalt  }
0x5b: {  	_ =	shalt  }
0x5c: {  	_ =	shalt  }
0x5d: {  	_ =	shalt  }
0x5e: {  	_ =	shalt  }
0x5f: {  	_ =	shalt  }
0x60: {  	_ =	shalt  }
0x61: {  	_ =	shalt  }
0x62: {  	_ =	shalt  }
0x63: {  	_ =	shalt  }
0x64: {  	_ =	shalt  }
0x65: {  	_ =	shalt  }
0x66: {  	_ =	shalt  }
0x67: {  	_ =	shalt  }
0x68: {  	_ =	shalt  }
0x69: {  	_ =	shalt  }
0x6a: {  	_ =	shalt  }
0x6b: {  	_ =	shalt  }
0x6c: {  	_ =	shalt  }
0x6d: {  	_ =	shalt  }
0x6e: {  	_ =	shalt  }
0x6f: {  	_ =	shalt  }
0x70: {  	_ =	shalt  }
0x71: {  	_ =	shalt  }
0x72: {  	_ =	shalt  }
0x73: {  	_ =	shalt  }
0x74: {  	_ =	shalt  }
0x75: {  	_ =	shalt  }
0x76: {  	_ =	shalt  }
0x77: {  	_ =	shalt  }
0x78: {  	_ =	shalt  }
0x79: {  	_ =	shalt  }
0x7a: {  	_ =	shalt  }
0x7b: {  	_ =	shalt  }
0x7c: {  	_ =	shalt  }
0x7d: {  	_ =	shalt  }
0x7e: {  	_ =	shalt  }
0x7f: {  	_ =	shalt  }
0x80: {  	_ =	shalt  }
0x81: {  	_ =	shalt  }
0x82: {  	_ =	shalt  }
0x83: {  	_ =	shalt  }
0x84: {  	_ =	shalt  }
0x85: {  	_ =	shalt  }
0x86: {  	_ =	shalt  }
0x87: {  	_ =	shalt  }
.Lfunc_end0:
.L_simem_size_0:
called_computation_lowered:
.L_overlay_start_0:
0x88: {  	s2 =	sld [smem:$0x3FD9]  }
0x89: {  	s3 =	sld [smem:$0x3FFE];
	_ =	sdelay $0x1  }
0x8a: {  	s1 =	srdreg.scid  }
0x8b: {  	s0 =	sand.u32 $0x1, s1  }
0x8c: {  	s17 =	sshll.u32 s0, $0xA;
	s2 =	sadd.s32 s3, s2  }
0x8d: {  	s2 =	sadd.s32 s2, s17  }
0x8e: {  	[smem:$0x3FC5] =	sst s2  }
0x8f: {  	_ = 	snop  }
0x90: {  	s2 =	sld [smem:$0x3FD0];
	(tm) =	ssettm $0x1  }
0x91: {  	s18 =	sld [smem:$0x3FFB];
	_ =	sdelay $0x3  }
0x92: {  	_ =	strace s18  }
0x93: {  	s3 =	sld [smem:$0x3FFC];
	_ =	sdelay $0x3  }
0x94: {  	_ =	strace s3  }
0x95: {  	s3 =	sld [smem:$0x3FFD];
	_ =	sdelay $0x3  }
0x96: {  	_ =	strace s3  }
0x97: {  	_ =	strace $0x8FFFFFFF  }
0x98: {  	s19 =	sld [smem:$0x3FDB];
	_ =	sdelay $0x1  }
0x99: {  	s4 =	simm.s32 $_scs_section_size  }
0x9a: {  	s5 =	simm.s32 $_size__tile_overlayer_lowered;
	s6 =	simm.s32 $_tile_overlayer_lowered  }
0x9b: {  	s22 =	simm.s32 $0x1BFF;
	s21 =	sshll.u32 s6, $0x1;
	s3 =	sadd.s32 s4, s19  }
0x9c: {  	s7 =	simm.s32 $0x0;
	s20 =	sshll.u32 s5, $0x1;
	s5 =	sadd.s32 s21, s3  }
0x9d: {  	[timem:s7], [sflag:s22] =	dma.local [hbm:s5], s20  }
0x9e: {  	_ =	swait.ge [sflag:s22], s20  }
0x9f: {  	s4 =	ssub.s32 $0x0, s20;
	[sflag:s22] =	ssyncset.done $0x0  }
0xa0: {  	[sflag:s22] =	ssyncadd.s32 s4;
	_ =	sdelay $0x1  }
0xa1: {  	s23 =	simm.s32 $0x1B8B  }
0xa2: {  	_ =	swait.ge [sflag:s23], $0x1  }
0xa3: {  	[sflag:s23] =	ssyncset.done $0x0  }
0xa4: {  	s25 =	simm.s32 $0x1B8E;
	s24 =	sld [smem:$0x3FFE];
	[sflag:s23] =	ssyncadd.s32 $0xFFFFFFFF  }
0xa5: {  	s26 =	simm.s32 $execute0_lowered;
	[smem:$0x3FD2] =	sst s25  }
0xa6: {  	s5 =	sshll.u32 s26, $0x1;
	_ =	strace $0x80000046;
	[dreg:$0x1] =	wrdreg $0xFFFFFFFF  }
0xa7: {  	s28 =	simm.s32 $_size_execute0_lowered;
	s3 =	sadd.s32 s3, s5;
	[dreg:$0x0] =	wrdreg $0x0  }
0xa8: {  	s5 =	sshll.u32 s28, $0x1;
	[dreg:$0x2] =	wrdreg s3  }
0xa9: {  	[dreg:$0x3] =	wrdreg s5  }
0xaa: {  	[dreg:$0x4] =	wrdreg $0xC0  }
0xab: {  	_ =	task [dreg:s7], $0x5FFFF  }
0xac: {  	[dreg:$0x1] =	wrdreg $0xFFFFFFFF  }
0xad: {  	[dreg:$0x0] =	wrdreg $0x60  }
0xae: {  	[dreg:$0x2] =	wrdreg s24  }
0xaf: {  	[dreg:$0x3] =	wrdreg s2  }
0xb0: {  	[dreg:$0x4] =	wrdreg $0x9  }
0xb1: {  	_ =	task.clear_ibuf [dreg:s7], $0x5FFFF;
	_ =	strace $0x90000046  }
0xb2: {  	s29 =	simm.s32 $0x9;
	_ =	strace $0x80000048  }
0xb3: {  	_ =	swait.ge [sflag:s29], $0x1  }
0xb4: {  	[sflag:s29] =	ssyncadd.s32 $0xFFFFFFFF  }
0xb5: {  	_ =	strace $0x90000048  }
0xb6: {  	_ =	sfence  }
0xb7: {  	s30 =	sld [smem:$0x0];
	_ =	sdelay $0x2  }
0xb8: {  	s31 =	sshll.u32 s1, $0xD;
	s1 =	sshrl.u32 s1, $0x2  }
0xb9: {  	s3 =	sand.u32 $0x4000, s31;
	s1 =	sadd.s32 s1, s30  }
0xba: {  	s0 =	sor.u32 s3, s0;
	s1 =	sshll.u32 s1, $0x11  }
0xbb: {  	s0 =	sor.u32 s1, s0  }
0xbc: {  	s0 =	sadd.s32 $0x8F2B, s0  }
0xbd: {  	[sflag:s0] =	ssyncadd.remote.s32 $0x1  }
0xbe: {  	_ =	sfence.sel $0xFFFF  }
0xbf: {  	[dreg:$0x0] =	wrdreg $0xFFFFFFFF;
	(pc) =	sbr.abs _section_cstart, $3  }
0xc0: {  	[dreg:$0x1] =	wrdreg $0xFFFFFFFF  }
0xc1: {  	_ =	task.clear_ibuf [dreg:s7], $0x2FFFF;
	_ =	strace $0x9FFFFFFF  }
0xc2: {  	(tm) =	ssettm $0x7FFFFFFF  }
0xc3: {  	_ =	shalt  }
tec
execute0_lowered:
.L_overlay_start_1:
0x0: {  	(tag) =	ssettag $0x1  }
0x1: {  	s0 =	rddreg [dreg:$0x0]  }
0x2: {  	s3 =	simm.s32 $0x0;
	s2 =	srdreg.scid;
	s1 =	stileid.u32  }
0x3: {  	[smem:$0x7FF] =	sst s3;
	s2 =	sand.u32 $0x1, s2;
	s6 =	sshll.u32 s1, $0x1  }
0x4: {  	s16 =	sadd.s32 $0x19800, s0;
	s7 =	ssub.s32 $0x2, s2;
	s2 =	sor.u32 s2, s6  }
0x5: {  	s8 =	sadd.s32 $0xA00, s0;
	s9 =	sadd.s32 $0xC00, s0;
	s11 =	sshll.u32 s2, $0x4  }
0x6: {  	_ =	strace $0x80000047;
	[dreg:$0x3] =	wrdreg s16;
	s20 =	sadd.s32 s11, s8  }
0x7: {  	s10 =	sadd.s32 $0xE00, s0;
	s21 =	sadd.s32 s11, s9;
	[dreg:$0x5] =	wrdreg s20  }
0x8: {  	s4 =	sadd.s32 $0x800, s0;
	s22 =	sadd.s32 s11, s10;
	[dreg:$0x6] =	wrdreg s21  }
0x9: {  	s18 =	sshll.u32 s2, $0x7;
	s19 =	sadd.s32 s4, s11;
	[dreg:$0x7] =	wrdreg s22  }
0xa: {  	s29 =	sor.u32 $0x8000, s18;
	[dreg:$0x4] =	wrdreg s19  }
0xb: {  	s30 =	sor.u32 $0xC000, s18;
	[dreg:$0xc] =	wrdreg s29  }
0xc: {  	s23 =	sadd.s32 $0x800, s19;
	[dreg:$0xd] =	wrdreg s30  }
0xd: {  	s28 =	simm.s32 $0x3;
	s24 =	sadd.s32 $0xA00, s19;
	[dreg:$0x8] =	wrdreg s23  }
0xe: {  	s17 =	sshrl.u32 s7, $0x1;
	s25 =	sadd.s32 $0xC00, s19;
	[dreg:$0x9] =	wrdreg s24  }
0xf: {  	s6 =	ssub.s32 s7, s17;
	s26 =	sadd.s32 $0xE00, s19;
	[dreg:$0xa] =	wrdreg s25  }
0x10: {  	s5 =	sadd.s32 $0xF42C00, s0;
	s31 =	smax.u32 s6, $0x1;
	[dreg:$0xb] =	wrdreg s26  }
0x11: {  	v0 =	vlaneseq.u32;
	v1 =	vimm.s32 $0x0;
	vm0 =	vcmask $0x300;
	s1 =	simm.s32 $0x0;
	s20 =	sshll.u32 s2, $0xA;
	[dreg:$0xe] =	wrdreg s31  }
0x12: {  	v0 =	vmul.u32 $0x88, v0;
	v1 =	vsel vm0, $0x3, v1;
	s24 =	simm.s32 $0x1;
	s25 =	simm.s32 $0x10400;
	s26 =	simm.s32 $0x4  }
.LBB2_1:
0x13: {  	[dreg:$0xf] =	wrdreg s1  }
0x14: {  	s0 =	rddreg [dreg:$0x3];
	s30 =	simm.s32 $0x18C00;
	s2 =	simm.s32 $0x5  }
0x15: {  	[tilespmem:s30], [sflag:$0x5] =	stream.linear.gather [hbm4b:s0+s3], $0x3200, $0x38;
	[tilespmem:$0x1BE00] =	vst v63  }
0x16: {  	_ =	swait.ge [sflag:s2], $0x3200  }
0x17: {  	[sflag:s2] =	ssyncset.done $0x0  }
0x18: {  	s6 =	rddreg [dreg:$0x4];
	[sflag:s2] =	ssyncadd.s32 $0xFFFFCE00  }
0x19: {  	[tilespmem:s3], [sflag:$0x3] =	stream.linear.gather [hbm4b:s6+s3], $0x80, $0x38;
	[tilespmem:$0x1BE00] =	vst v63  }
0x1a: {  	s11 =	simm.s32 $0x80;
	s7 =	rddreg [dreg:$0x5]  }
0x1b: {  	[tilespmem:s11], [sflag:$0x3] =	stream.linear.gather [hbm4b:s7+s3], $0x80, $0x38;
	[tilespmem:$0x1BE00] =	vst v63  }
0x1c: {  	s13 =	simm.s32 $0x100;
	s12 =	rddreg [dreg:$0x6]  }
0x1d: {  	[tilespmem:s13], [sflag:$0x3] =	stream.linear.gather [hbm4b:s12+s3], $0x80, $0x38;
	[tilespmem:$0x1BE00] =	vst v63  }
0x1e: {  	s15 =	simm.s32 $0x180;
	s14 =	rddreg [dreg:$0x7]  }
0x1f: {  	[tilespmem:s15], [sflag:$0x3] =	stream.linear.gather [hbm4b:s14+s3], $0x80, $0x38;
	[tilespmem:$0x1BE00] =	vst v63  }
0x20: {  	_ =	swait.ge [sflag:s28], $0x80  }
0x21: {  	[sflag:s28] =	ssyncset.done $0x0  }
0x22: {  	[sflag:s28] =	ssyncadd.s32 $0xFFFFFF80  }
0x23: {  	_ =	swait.ge [sflag:s28], $0x80  }
0x24: {  	[sflag:s28] =	ssyncset.done $0x0  }
0x25: {  	[sflag:s28] =	ssyncadd.s32 $0xFFFFFF80  }
0x26: {  	_ =	swait.ge [sflag:s28], $0x80  }
0x27: {  	[sflag:s28] =	ssyncset.done $0x0  }
0x28: {  	[sflag:s28] =	ssyncadd.s32 $0xFFFFFF80  }
0x29: {  	_ =	swait.ge [sflag:s28], $0x80  }
0x2a: {  	[sflag:s28] =	ssyncset.done $0x0  }
0x2b: {  	s16 =	simm.s32 $0x200;
	s17 =	simm.s32 $0x400;
	[sflag:s28] =	ssyncadd.s32 $0xFFFFFF80  }
0x2c: {  	[tilespmem:s17], [sflag:$0x1] =	stream.indirect.gather [hbm4b:s5+s16], $0x40, s3, s16, $0xb8;
	[tilespmem:$0x1BE00] =	vst v63  }
0x2d: {  	s18 =	rddreg [dreg:$0x8]  }
0x2e: {  	[tilespmem:s16], [sflag:$0x3] =	stream.linear.gather [hbm4b:s18+s3], $0x80, $0x38;
	[tilespmem:$0x1BE00] =	vst v63  }
0x2f: {  	s21 =	simm.s32 $0x280;
	s19 =	rddreg [dreg:$0x9]  }
0x30: {  	[tilespmem:s21], [sflag:$0x3] =	stream.linear.gather [hbm4b:s19+s3], $0x80, $0x38;
	[tilespmem:$0x1BE00] =	vst v63  }
0x31: {  	s23 =	simm.s32 $0x300;
	s22 =	rddreg [dreg:$0xa]  }
0x32: {  	[tilespmem:s23], [sflag:$0x3] =	stream.linear.gather [hbm4b:s22+s3], $0x80, $0x38;
	[tilespmem:$0x1BE00] =	vst v63  }
0x33: {  	s31 =	simm.s32 $0x0;
	s30 =	simm.s32 $0x380;
	s29 =	rddreg [dreg:$0xb]  }
0x34: {  	[tilespmem:s30], [sflag:$0x3] =	stream.linear.gather [hbm4b:s29+s3], $0x80, $0x38;
	[tilespmem:$0x1BE00] =	vst v63  }
.LBB2_2:
0x35: {  	_ =	swait.ge [sflag:s28], $0x80  }
0x36: {  	[sflag:s28] =	ssyncset.done $0x0  }
0x37: {  	[sflag:s28] =	ssyncadd.s32 $0xFFFFFF80  }
0x38: {  	_ =	swait.ge [sflag:s28], $0x80  }
0x39: {  	[sflag:s28] =	ssyncset.done $0x0  }
0x3a: {  	[sflag:s28] =	ssyncadd.s32 $0xFFFFFF80  }
0x3b: {  	_ =	swait.ge [sflag:s28], $0x80  }
0x3c: {  	[sflag:s28] =	ssyncset.done $0x0  }
0x3d: {  	[sflag:s28] =	ssyncadd.s32 $0xFFFFFF80  }
0x3e: {  	_ =	swait.ge [sflag:s28], $0x80  }
0x3f: {  	[sflag:s28] =	ssyncset.done $0x0  }
0x40: {  	s0 =	simm.s32 $0x200;
	s1 =	simm.s32 $0x8400;
	[sflag:s28] =	ssyncadd.s32 $0xFFFFFF80  }
0x41: {  	[tilespmem:s1], [sflag:$0x2] =	stream.indirect.gather [hbm4b:s5+s0], $0x40, s0, s0, $0xb8;
	[tilespmem:$0x1BE00] =	vst v63  }
0x42: {  	p0 =	seq.s32 s31, $0x18;
	_ =	swait.ge [sflag:s24], $0x8000  }
0x43: {  	s2 =	sshll.u32 @!p0 s31, $0xF;
	s0 =	rddreg [dreg:$0xc]  }
0x44: {  	s0 =	sadd.s32 @!p0 s0, s2  }
0x45: {  	[sflag:s24] =	ssyncset.done $0x0;
	s0 =	sshrl.u32 @!p0 s0, $0x3  }
0x46: {  	s7 =	simm.s32 @!p0 $0x0;
	[sflag:s24] =	ssyncadd.s32 $0xFFFF8000;
	s6 =	sadd.s32 @!p0 s4, s0  }
0x47: {  	[tilespmem:s7], [sflag:$0x3] =	stream.linear.gather @!p0 [hbm4b:s6+s7], $0x80, $0x38;
	[tilespmem:$0x1BE00] =	vst v63  }
0x48: {  	s11 =	simm.s32 @!p0 $0x80;
	s6 =	sadd.s32 @!p0 s0, s8  }
0x49: {  	[tilespmem:s11], [sflag:$0x3] =	stream.linear.gather @!p0 [hbm4b:s6+s7], $0x80, $0x38;
	[tilespmem:$0x1BE00] =	vst v63  }
0x4a: {  	s6 =	sadd.s32 @!p0 s0, s9;
	s11 =	simm.s32 @!p0 $0x100  }
0x4b: {  	[tilespmem:s11], [sflag:$0x3] =	stream.linear.gather @!p0 [hbm4b:s6+s7], $0x80, $0x38;
	[tilespmem:$0x1BE00] =	vst v63  }
0x4c: {  	s30 =	sshll.u32 s31, $0x9;
	s0 =	sadd.s32 @!p0 s0, s10;
	s6 =	simm.s32 @!p0 $0x180  }
0x4d: {  	[tilespmem:s6], [sflag:$0x3] =	stream.linear.gather @!p0 [hbm4b:s0+s7], $0x80, $0x38;
	[tilespmem:$0x1BE00] =	vst v63  }
0x4e: {  	s14 =	simm.s32 $0x0;
	s0 =	sand.u32 $0x3FFFFE00, s30  }
0x4f: {  	p1 =	seq.s32 @!p0 s31, $0x0;
	s1 =	simm.s32 $0x0;
	s0 =	sadd.s32 $0x18C00, s0  }
0x50: {  	p1 =	por p0, !p1;
	s13 =	sand.u32 $0x78, s1;
	s6 =	simm.s32 $0x0;
	v2 =	vmov s0  }
0x51: {  	s15 =	sor.u32 s13, s14;
	_ =	swait.ge @p1 [sflag:s26], $0x8000;
	v3 =	vmov s6  }
0x52: {  	v4 =	vmov s13;
	s11 =	sshll.u32 s15, $0x6;
	[sflag:s26] =	ssyncset.done @p1 $0x0;
	v3 =	vmul.u32 $0x88, v3  }
0x53: {  	v4 =	vshrl.u32 v4, $0x3;
	s11 =	sand.u32 $0x3FFFFE00, s11;
	[sflag:s26] =	ssyncadd.s32 @p1 $0xFFFF8000  }
0x54: {  	v5 =	vshll.u32 v4, v1;
	v3 =	vbroadcast v3, $0x0;
	v7 =	vld [tilespmem:s11+$0x400]  }
0x55: {  	v11 =	vbroadcast v5, $0x0;
	v4 =	vld.idx.msk [tilespmem:v2+s6+$0x0 ss:$0x1], $0xffff  }
0x56: {  	v6 =	vadd.s32 v0, v3  }
0x57: {  	v8 =	vadd.s32 v11, v6  }
0x58: {  	s12 =	sor.u32 $0x10, s6  }
0x59: {  	v9 =	vmov s12  }
0x5a: {  	v9 =	vmul.u32 $0x88, v9;
	v3 =	vld.idx.msk [tilespmem:v2+s6+$0x30 ss:$0x1], $0xffff;
	v10 =	vadd.f32 v7, v4  }
0x5b: {  	v5 =	vld.idx.msk [tilespmem:v2+s6+$0x20 ss:$0x1], $0xffff  }
0x5c: {  	v7 =	vld.idx.msk [tilespmem:v2+s6+$0x10 ss:$0x1], $0xffff;
	[tilespmem:v8+s25+$0x0] =	vst.idx.msk $0xffff, v10;
	v8 =	vbroadcast v9, $0x0  }
0x5d: {  	v9 =	vld [tilespmem:s11+$0x410]  }
0x5e: {  	v8 =	vadd.s32 v0, v8  }
0x5f: {  	v10 =	vadd.s32 v11, v8  }
0x60: {  	s16 =	sor.u32 $0x20, s6  }
0x61: {  	v12 =	vmov s16  }
0x62: {  	v12 =	vmul.u32 $0x88, v12;
	v9 =	vadd.f32 v9, v7;
	_ =	sdelay $0x1  }
0x63: {  	v12 =	vbroadcast v12, $0x0;
	[tilespmem:v10+s25+$0x0] =	vst.idx.msk $0xffff, v9  }
0x64: {  	v10 =	vld [tilespmem:s11+$0x420]  }
0x65: {  	v9 =	vadd.s32 v0, v12  }
0x66: {  	v12 =	vadd.s32 v11, v9  }
0x67: {  	s7 =	sor.u32 $0x30, s6  }
0x68: {  	v13 =	vmov s7  }
0x69: {  	v13 =	vmul.u32 $0x88, v13;
	v10 =	vadd.f32 v10, v5;
	_ =	sdelay $0x1  }
0x6a: {  	[tilespmem:v12+s25+$0x0] =	vst.idx.msk $0xffff, v10;
	v10 =	vbroadcast v13, $0x0  }
0x6b: {  	v12 =	vld [tilespmem:s11+$0x430]  }
0x6c: {  	v10 =	vadd.s32 v0, v10  }
0x6d: {  	v11 =	vadd.s32 v11, v10  }
0x6e: {  	s17 =	sor.u32 $0x1, s13  }
0x6f: {  	v33 =	vmov s17  }
0x70: {  	s7 =	sor.u32 s14, s17;
	v13 =	vshrl.u32 v33, $0x3;
	v12 =	vadd.f32 v12, v3  }
0x71: {  	s7 =	sshll.u32 s7, $0x6;
	v13 =	vshll.u32 v13, v1  }
0x72: {  	s7 =	sand.u32 $0x3FFFFE40, s7;
	v13 =	vbroadcast v13, $0x0;
	[tilespmem:v11+s25+$0x0] =	vst.idx.msk $0xffff, v12  }
0x73: {  	v11 =	vld [tilespmem:s7+$0x400]  }
0x74: {  	v34 =	vadd.s32 v6, v13  }
0x75: {  	v12 =	vor.u32 $0x1, v34;
	_ =	sdelay $0x2  }
0x76: {  	v11 =	vadd.f32 v11, v4;
	_ =	sdelay $0x1  }
0x77: {  	[tilespmem:v12+s25+$0x0] =	vst.idx.msk $0xffff, v11  }
0x78: {  	v11 =	vld [tilespmem:s7+$0x410]  }
0x79: {  	v35 =	vadd.s32 v13, v8  }
0x7a: {  	v12 =	vor.u32 $0x1, v35;
	_ =	sdelay $0x2  }
0x7b: {  	v11 =	vadd.f32 v11, v7;
	_ =	sdelay $0x1  }
0x7c: {  	[tilespmem:v12+s25+$0x0] =	vst.idx.msk $0xffff, v11  }
0x7d: {  	v11 =	vld [tilespmem:s7+$0x420]  }
0x7e: {  	v36 =	vadd.s32 v13, v9  }
0x7f: {  	v12 =	vor.u32 $0x1, v36;
	_ =	sdelay $0x2  }
0x80: {  	v11 =	vadd.f32 v11, v5;
	_ =	sdelay $0x1  }
0x81: {  	[tilespmem:v12+s25+$0x0] =	vst.idx.msk $0xffff, v11  }
0x82: {  	v11 =	vld [tilespmem:s7+$0x430]  }
0x83: {  	v37 =	vadd.s32 v13, v10  }
0x84: {  	v12 =	vor.u32 $0x1, v37  }
0x85: {  	s18 =	sor.u32 $0x2, s13  }
0x86: {  	v38 =	vmov s18  }
0x87: {  	v13 =	vshrl.u32 v38, $0x3;
	s7 =	sor.u32 s14, s18;
	v11 =	vadd.f32 v11, v3  }
0x88: {  	v13 =	vshll.u32 v13, v1;
	s7 =	sshll.u32 s7, $0x6  }
0x89: {  	v13 =	vbroadcast v13, $0x0;
	s7 =	sand.u32 $0x3FFFFE80, s7;
	[tilespmem:v12+s25+$0x0] =	vst.idx.msk $0xffff, v11  }
0x8a: {  	v11 =	vld [tilespmem:s7+$0x400]  }
0x8b: {  	v39 =	vadd.s32 v6, v13  }
0x8c: {  	v12 =	vor.u32 $0x2, v39;
	_ =	sdelay $0x2  }
0x8d: {  	v11 =	vadd.f32 v11, v4;
	_ =	sdelay $0x1  }
0x8e: {  	[tilespmem:v12+s25+$0x0] =	vst.idx.msk $0xffff, v11  }
0x8f: {  	v11 =	vld [tilespmem:s7+$0x410]  }
0x90: {  	v40 =	vadd.s32 v13, v8  }
0x91: {  	v12 =	vor.u32 $0x2, v40;
	_ =	sdelay $0x2  }
0x92: {  	v11 =	vadd.f32 v11, v7;
	_ =	sdelay $0x1  }
0x93: {  	[tilespmem:v12+s25+$0x0] =	vst.idx.msk $0xffff, v11  }
0x94: {  	v11 =	vld [tilespmem:s7+$0x420]  }
0x95: {  	v41 =	vadd.s32 v13, v9  }
0x96: {  	v12 =	vor.u32 $0x2, v41;
	_ =	sdelay $0x2  }
0x97: {  	v11 =	vadd.f32 v11, v5;
	_ =	sdelay $0x1  }
0x98: {  	[tilespmem:v12+s25+$0x0] =	vst.idx.msk $0xffff, v11  }
0x99: {  	v11 =	vld [tilespmem:s7+$0x430]  }
0x9a: {  	v42 =	vadd.s32 v13, v10  }
0x9b: {  	v12 =	vor.u32 $0x2, v42  }
0x9c: {  	s19 =	sor.u32 $0x3, s13  }
0x9d: {  	v43 =	vmov s19  }
0x9e: {  	v13 =	vshrl.u32 v43, $0x3;
	s7 =	sor.u32 s14, s19;
	v11 =	vadd.f32 v11, v3  }
0x9f: {  	v13 =	vshll.u32 v13, v1;
	s7 =	sshll.u32 s7, $0x6  }
0xa0: {  	v13 =	vbroadcast v13, $0x0;
	s7 =	sand.u32 $0x3FFFFEC0, s7;
	[tilespmem:v12+s25+$0x0] =	vst.idx.msk $0xffff, v11  }
0xa1: {  	v11 =	vld [tilespmem:s7+$0x400]  }
0xa2: {  	v44 =	vadd.s32 v6, v13  }
0xa3: {  	v12 =	vor.u32 $0x3, v44;
	_ =	sdelay $0x2  }
0xa4: {  	v11 =	vadd.f32 v11, v4;
	_ =	sdelay $0x1  }
0xa5: {  	[tilespmem:v12+s25+$0x0] =	vst.idx.msk $0xffff, v11  }
0xa6: {  	v11 =	vld [tilespmem:s7+$0x410]  }
0xa7: {  	v45 =	vadd.s32 v13, v8  }
0xa8: {  	v12 =	vor.u32 $0x3, v45;
	_ =	sdelay $0x2  }
0xa9: {  	v11 =	vadd.f32 v11, v7;
	_ =	sdelay $0x1  }
0xaa: {  	[tilespmem:v12+s25+$0x0] =	vst.idx.msk $0xffff, v11  }
0xab: {  	v11 =	vld [tilespmem:s7+$0x420]  }
0xac: {  	v46 =	vadd.s32 v13, v9  }
0xad: {  	v12 =	vor.u32 $0x3, v46;
	_ =	sdelay $0x2  }
0xae: {  	v11 =	vadd.f32 v11, v5;
	_ =	sdelay $0x1  }
0xaf: {  	[tilespmem:v12+s25+$0x0] =	vst.idx.msk $0xffff, v11  }
0xb0: {  	v11 =	vld [tilespmem:s7+$0x430]  }
0xb1: {  	v47 =	vadd.s32 v13, v10  }
0xb2: {  	v12 =	vor.u32 $0x3, v47  }
0xb3: {  	s21 =	sor.u32 $0x4, s13  }
0xb4: {  	v48 =	vmov s21  }
0xb5: {  	v13 =	vshrl.u32 v48, $0x3;
	s7 =	sor.u32 s14, s21;
	v11 =	vadd.f32 v11, v3  }
0xb6: {  	v13 =	vshll.u32 v13, v1;
	s7 =	sshll.u32 s7, $0x6  }
0xb7: {  	v13 =	vbroadcast v13, $0x0;
	s7 =	sand.u32 $0x3FFFFF00, s7;
	[tilespmem:v12+s25+$0x0] =	vst.idx.msk $0xffff, v11  }
0xb8: {  	v11 =	vld [tilespmem:s7+$0x400]  }
0xb9: {  	v49 =	vadd.s32 v6, v13  }
0xba: {  	v12 =	vor.u32 $0x4, v49;
	_ =	sdelay $0x2  }
0xbb: {  	v11 =	vadd.f32 v11, v4;
	_ =	sdelay $0x1  }
0xbc: {  	[tilespmem:v12+s25+$0x0] =	vst.idx.msk $0xffff, v11  }
0xbd: {  	v11 =	vld [tilespmem:s7+$0x410]  }
0xbe: {  	v50 =	vadd.s32 v13, v8  }
0xbf: {  	v12 =	vor.u32 $0x4, v50;
	_ =	sdelay $0x2  }
0xc0: {  	v11 =	vadd.f32 v11, v7;
	_ =	sdelay $0x1  }
0xc1: {  	[tilespmem:v12+s25+$0x0] =	vst.idx.msk $0xffff, v11  }
0xc2: {  	v11 =	vld [tilespmem:s7+$0x420]  }
0xc3: {  	v51 =	vadd.s32 v13, v9  }
0xc4: {  	v12 =	vor.u32 $0x4, v51;
	_ =	sdelay $0x2  }
0xc5: {  	v11 =	vadd.f32 v11, v5;
	_ =	sdelay $0x1  }
0xc6: {  	[tilespmem:v12+s25+$0x0] =	vst.idx.msk $0xffff, v11  }
0xc7: {  	v11 =	vld [tilespmem:s7+$0x430]  }
0xc8: {  	v52 =	vadd.s32 v13, v10  }
0xc9: {  	v12 =	vor.u32 $0x4, v52  }
0xca: {  	s22 =	sor.u32 $0x5, s13  }
0xcb: {  	v53 =	vmov s22  }
0xcc: {  	v13 =	vshrl.u32 v53, $0x3;
	s7 =	sor.u32 s14, s22;
	v11 =	vadd.f32 v11, v3  }
0xcd: {  	v13 =	vshll.u32 v13, v1;
	s7 =	sshll.u32 s7, $0x6  }
0xce: {  	v13 =	vbroadcast v13, $0x0;
	s7 =	sand.u32 $0x3FFFFF40, s7;
	[tilespmem:v12+s25+$0x0] =	vst.idx.msk $0xffff, v11  }
0xcf: {  	v11 =	vld [tilespmem:s7+$0x400]  }
0xd0: {  	v54 =	vadd.s32 v6, v13  }
0xd1: {  	v12 =	vor.u32 $0x5, v54;
	_ =	sdelay $0x2  }
0xd2: {  	v11 =	vadd.f32 v11, v4;
	_ =	sdelay $0x1  }
0xd3: {  	[tilespmem:v12+s25+$0x0] =	vst.idx.msk $0xffff, v11  }
0xd4: {  	v11 =	vld [tilespmem:s7+$0x410]  }
0xd5: {  	v55 =	vadd.s32 v13, v8  }
0xd6: {  	v12 =	vor.u32 $0x5, v55;
	_ =	sdelay $0x2  }
0xd7: {  	v11 =	vadd.f32 v11, v7;
	_ =	sdelay $0x1  }
0xd8: {  	[tilespmem:v12+s25+$0x0] =	vst.idx.msk $0xffff, v11  }
0xd9: {  	v11 =	vld [tilespmem:s7+$0x420]  }
0xda: {  	v56 =	vadd.s32 v13, v9  }
0xdb: {  	v12 =	vor.u32 $0x5, v56;
	_ =	sdelay $0x2  }
0xdc: {  	v11 =	vadd.f32 v11, v5;
	_ =	sdelay $0x1  }
0xdd: {  	[tilespmem:v12+s25+$0x0] =	vst.idx.msk $0xffff, v11  }
0xde: {  	v11 =	vld [tilespmem:s7+$0x430]  }
0xdf: {  	v57 =	vadd.s32 v13, v10  }
0xe0: {  	v12 =	vor.u32 $0x5, v57  }
0xe1: {  	s23 =	sor.u32 $0x6, s13  }
0xe2: {  	v58 =	vmov s23  }
0xe3: {  	v13 =	vshrl.u32 v58, $0x3;
	s7 =	sor.u32 s14, s23;
	v11 =	vadd.f32 v11, v3  }
0xe4: {  	v13 =	vshll.u32 v13, v1;
	s7 =	sshll.u32 s7, $0x6  }
0xe5: {  	v13 =	vbroadcast v13, $0x0;
	s7 =	sand.u32 $0x3FFFFF80, s7;
	[tilespmem:v12+s25+$0x0] =	vst.idx.msk $0xffff, v11  }
0xe6: {  	v11 =	vld [tilespmem:s7+$0x400]  }
0xe7: {  	v59 =	vadd.s32 v6, v13  }
0xe8: {  	v12 =	vor.u32 $0x6, v59;
	_ =	sdelay $0x2  }
0xe9: {  	v11 =	vadd.f32 v11, v4;
	_ =	sdelay $0x1  }
0xea: {  	[tilespmem:v12+s25+$0x0] =	vst.idx.msk $0xffff, v11  }
0xeb: {  	v11 =	vld [tilespmem:s7+$0x410]  }
0xec: {  	v60 =	vadd.s32 v13, v8  }
0xed: {  	v12 =	vor.u32 $0x6, v60;
	_ =	sdelay $0x2  }
0xee: {  	v11 =	vadd.f32 v11, v7;
	_ =	sdelay $0x1  }
0xef: {  	[tilespmem:v12+s25+$0x0] =	vst.idx.msk $0xffff, v11  }
0xf0: {  	v11 =	vld [tilespmem:s7+$0x420]  }
0xf1: {  	v61 =	vadd.s32 v13, v9  }
0xf2: {  	v12 =	vor.u32 $0x6, v61;
	_ =	sdelay $0x2  }
0xf3: {  	v11 =	vadd.f32 v11, v5;
	_ =	sdelay $0x1  }
0xf4: {  	[tilespmem:v12+s25+$0x0] =	vst.idx.msk $0xffff, v11  }
0xf5: {  	v11 =	vld [tilespmem:s7+$0x430]  }
0xf6: {  	v62 =	vadd.s32 v13, v10  }
0xf7: {  	v12 =	vor.u32 $0x6, v62  }
0xf8: {  	s6 =	sor.u32 $0x7, s13  }
0xf9: {  	v63 =	vmov s6  }
0xfa: {  	s0 =	sor.u32 s14, s6;
	v13 =	vshrl.u32 v63, $0x3;
	v11 =	vadd.f32 v11, v3  }
0xfb: {  	s0 =	sshll.u32 s0, $0x6;
	v13 =	vshll.u32 v13, v1  }
0xfc: {  	s0 =	sand.u32 $0x3FFFFFC0, s0;
	v13 =	vbroadcast v13, $0x0;
	[tilespmem:v12+s25+$0x0] =	vst.idx.msk $0xffff, v11  }
0xfd: {  	v11 =	vld [tilespmem:s0+$0x400]  }
0xfe: {  	v6 =	vadd.s32 v6, v13  }
0xff: {  	v6 =	vor.u32 $0x7, v6;
	_ =	sdelay $0x2  }
0x100: {  	v4 =	vadd.f32 v11, v4;
	_ =	sdelay $0x1  }
0x101: {  	[tilespmem:v6+s25+$0x0] =	vst.idx.msk $0xffff, v4  }
0x102: {  	v4 =	vld [tilespmem:s0+$0x410]  }
0x103: {  	v6 =	vadd.s32 v13, v8  }
0x104: {  	v6 =	vor.u32 $0x7, v6;
	_ =	sdelay $0x2  }
0x105: {  	v4 =	vadd.f32 v4, v7;
	_ =	sdelay $0x1  }
0x106: {  	[tilespmem:v6+s25+$0x0] =	vst.idx.msk $0xffff, v4  }
0x107: {  	v4 =	vld [tilespmem:s0+$0x420]  }
0x108: {  	v6 =	vadd.s32 v13, v9  }
0x109: {  	v6 =	vor.u32 $0x7, v6;
	_ =	sdelay $0x2  }
0x10a: {  	v4 =	vadd.f32 v4, v5;
	_ =	sdelay $0x1  }
0x10b: {  	[tilespmem:v6+s25+$0x0] =	vst.idx.msk $0xffff, v4  }
0x10c: {  	v5 =	vld [tilespmem:s0+$0x430]  }
0x10d: {  	v4 =	vadd.s32 v13, v10  }
0x10e: {  	s16 =	simm.s32 $0x0;
	s11 =	simm.s32 $0x8;
	s22 =	simm.s32 $0x0;
	v4 =	vor.u32 $0x7, v4  }
0x10f: {  	s6 =	simm.s32 $0x2;
	s17 =	sand.u32 $0x78, s11;
	s29 =	sor.u32 $0x10, s22  }
0x110: {  	s30 =	sor.u32 s17, s16;
	s13 =	sor.u32 $0x7, s17;
	s21 =	sor.u32 $0x30, s22;
	v8 =	vmov s29;
	v7 =	vmov s17;
	v6 =	vmov s22  }
0x111: {  	s14 =	sor.u32 $0x5, s17;
	s7 =	sshll.u32 s30, $0x6;
	s0 =	sshllo.u32 s31, $0x1;
	v6 =	vmul.u32 $0x88, v6;
	v3 =	vadd.f32 v5, v3;
	v5 =	vshrl.u32 v7, $0x3  }
.LBB2_3:
0x112: {  	s15 =	sor.u32 $0x20, s22  }
0x113: {  	v5 =	vshll.u32 v5, v1;
	s1 =	sor.u32 $0x3, s17;
	s29 =	sor.u32 $0x4, s17;
	v7 =	vmov s14;
	v9 =	vmov s13;
	[tilespmem:v4+s25+$0x0] =	vst.idx.msk $0xffff, v3;
	s12 =	smov.u32 s6  }
0x114: {  	s30 =	sand.u32 $0x3FFFFE00, s7;
	s7 =	sor.u32 $0x1, s17;
	s23 =	sor.u32 $0x6, s17;
	v4 =	vld.idx.msk [tilespmem:v2+s22+$0x0 ss:$0x1], $0xffff;
	v3 =	vbroadcast v6, $0x0;
	v10 =	vbroadcast v5, $0x0;
	v5 =	vshrl.u32 v9, $0x3  }
0x115: {  	s19 =	sor.u32 s16, s14;
	s18 =	sor.u32 s16, s7;
	v9 =	vshrl.u32 v7, $0x3;
	v11 =	vmov s23;
	s14 =	sor.u32 s16, s23;
	v6 =	vld [tilespmem:s30+$0x400];
	v5 =	vshll.u32 v5, v1  }
0x116: {  	v7 =	vmov s15;
	s15 =	sshll.u32 s19, $0x6;
	s23 =	sshll.u32 s18, $0x6;
	v12 =	vadd.s32 v0, v3;
	v3 =	vmov s7;
	s7 =	sor.u32 s16, s13  }
0x117: {  	s17 =	sor.u32 $0x2, s17;
	v7 =	vmul.u32 $0x88, v7;
	s18 =	sor.u32 s16, s1;
	v29 =	vbroadcast v5, $0x0;
	v13 =	vadd.s32 v10, v12;
	s13 =	sshll.u32 s7, $0x6  }
0x118: {  	v14 =	vmov s17;
	v15 =	vmov s1;
	s1 =	sor.u32 s16, s29;
	v5 =	vshrl.u32 v3, $0x3;
	s7 =	sor.u32 s16, s17;
	s17 =	sshll.u32 s18, $0x6  }
0x119: {  	p1 =	sne.s32 s6, $0x3F;
	s6 =	sadd.s32 $0x1, s6;
	v16 =	vbroadcast v7, $0x0;
	s16 =	sshll.u32 s1, $0x6;
	v17 =	vshll.u32 v5, v1;
	v7 =	vadd.s32 v12, v29;
	v3 =	vld.idx.msk [tilespmem:v2+s22+$0x30 ss:$0x1], $0xffff  }
0x11a: {  	v8 =	vmul.u32 $0x88, v8;
	v17 =	vbroadcast v17, $0x0;
	v5 =	vld.idx.msk [tilespmem:v2+s22+$0x20 ss:$0x1], $0xffff;
	v18 =	vadd.f32 v6, v4  }
0x11b: {  	v14 =	vshrl.u32 v14, $0x3;
	v15 =	vshrl.u32 v15, $0x3;
	v21 =	vadd.s32 v0, v16;
	v6 =	vld.idx.msk [tilespmem:v2+s22+$0x10 ss:$0x1], $0xffff  }
0x11c: {  	v8 =	vbroadcast v8, $0x0;
	v30 =	vadd.s32 v12, v17;
	[tilespmem:v13+s25+$0x0] =	vst.idx.msk $0xffff, v18;
	v13 =	vadd.s32 v10, v21  }
0x11d: {  	v14 =	vshll.u32 v14, v1;
	v15 =	vshll.u32 v15, v1;
	v31 =	vadd.s32 v17, v21;
	v16 =	vld [tilespmem:s30+$0x410]  }
0x11e: {  	v26 =	vadd.s32 v0, v8;
	v32 =	vbroadcast v14, $0x0;
	v33 =	vbroadcast v15, $0x0  }
0x11f: {  	v15 =	vmov s29;
	v14 =	vadd.s32 v10, v26;
	v34 =	vadd.s32 v17, v26  }
0x120: {  	v35 =	vadd.s32 v12, v32;
	v28 =	vadd.s32 v32, v26;
	v27 =	vadd.s32 v32, v21  }
0x121: {  	v8 =	vadd.s32 v29, v26;
	v25 =	vadd.s32 v12, v33;
	v24 =	vadd.s32 v33, v26  }
0x122: {  	v15 =	vshrl.u32 v15, $0x3;
	v23 =	vadd.s32 v33, v21;
	v16 =	vadd.f32 v16, v6  }
0x123: {  	v9 =	vshll.u32 v9, v1;
	v11 =	vshrl.u32 v11, $0x3;
	v15 =	vshll.u32 v15, v1  }
0x124: {  	v37 =	vbroadcast v9, $0x0;
	v9 =	vshll.u32 v11, v1;
	v36 =	vbroadcast v15, $0x0;
	[tilespmem:v14+s25+$0x0] =	vst.idx.msk $0xffff, v16  }
0x125: {  	v39 =	vbroadcast v9, $0x0;
	v9 =	vadd.s32 v29, v21;
	v38 =	vld [tilespmem:s30+$0x420]  }
0x126: {  	v22 =	vadd.s32 v12, v36;
	v20 =	vadd.s32 v36, v26;
	v19 =	vadd.s32 v36, v21  }
0x127: {  	v15 =	vadd.s32 v37, v21;
	v18 =	vadd.s32 v12, v37;
	v16 =	vadd.s32 v37, v26  }
0x128: {  	v11 =	vadd.s32 v39, v21;
	v14 =	vadd.s32 v12, v39;
	v12 =	vadd.s32 v39, v26  }
0x129: {  	v21 =	vmov s21  }
0x12a: {  	v21 =	vmul.u32 $0x88, v21;
	v26 =	vadd.f32 v38, v5;
	_ =	sdelay $0x1  }
0x12b: {  	[tilespmem:v13+s25+$0x0] =	vst.idx.msk $0xffff, v26;
	v13 =	vbroadcast v21, $0x0  }
0x12c: {  	v38 =	vld [tilespmem:s30+$0x430]  }
0x12d: {  	v40 =	vadd.s32 v0, v13  }
0x12e: {  	v41 =	vadd.s32 v10, v40;
	v42 =	vadd.s32 v17, v40;
	v32 =	vadd.s32 v32, v40  }
0x12f: {  	v26 =	vadd.s32 v33, v40;
	v21 =	vadd.s32 v36, v40;
	v17 =	vadd.s32 v37, v40  }
0x130: {  	v13 =	vadd.s32 v39, v40;
	v10 =	vadd.s32 v29, v40  }
0x131: {  	v29 =	vadd.f32 v38, v3;
	_ =	sdelay $0x1  }
0x132: {  	s1 =	sand.u32 $0x3FFFFE40, s23;
	[tilespmem:v41+s25+$0x0] =	vst.idx.msk $0xffff, v29  }
0x133: {  	v29 =	vld [tilespmem:s1+$0x400];
	_ =	sdelay $0x1  }
0x134: {  	v30 =	vor.u32 $0x1, v30;
	_ =	sdelay $0x2  }
0x135: {  	v29 =	vadd.f32 v29, v4;
	_ =	sdelay $0x1  }
0x136: {  	[tilespmem:v30+s25+$0x0] =	vst.idx.msk $0xffff, v29  }
0x137: {  	v29 =	vld [tilespmem:s1+$0x410];
	_ =	sdelay $0x1  }
0x138: {  	v30 =	vor.u32 $0x1, v34;
	_ =	sdelay $0x2  }
0x139: {  	v29 =	vadd.f32 v29, v6;
	_ =	sdelay $0x1  }
0x13a: {  	[tilespmem:v30+s25+$0x0] =	vst.idx.msk $0xffff, v29  }
0x13b: {  	v29 =	vld [tilespmem:s1+$0x420];
	_ =	sdelay $0x1  }
0x13c: {  	v30 =	vor.u32 $0x1, v31;
	_ =	sdelay $0x2  }
0x13d: {  	v29 =	vadd.f32 v29, v5;
	_ =	sdelay $0x1  }
0x13e: {  	[tilespmem:v30+s25+$0x0] =	vst.idx.msk $0xffff, v29  }
0x13f: {  	v29 =	vld [tilespmem:s1+$0x430];
	_ =	sdelay $0x1  }
0x140: {  	v30 =	vor.u32 $0x1, v42;
	_ =	sdelay $0x2  }
0x141: {  	v29 =	vadd.f32 v29, v3  }
0x142: {  	s1 =	sshll.u32 s7, $0x6  }
0x143: {  	s1 =	sand.u32 $0x3FFFFE80, s1;
	[tilespmem:v30+s25+$0x0] =	vst.idx.msk $0xffff, v29  }
0x144: {  	v29 =	vld [tilespmem:s1+$0x400];
	_ =	sdelay $0x1  }
0x145: {  	v30 =	vor.u32 $0x2, v35;
	_ =	sdelay $0x2  }
0x146: {  	v29 =	vadd.f32 v29, v4;
	_ =	sdelay $0x1  }
0x147: {  	[tilespmem:v30+s25+$0x0] =	vst.idx.msk $0xffff, v29  }
0x148: {  	v29 =	vld [tilespmem:s1+$0x410];
	_ =	sdelay $0x1  }
0x149: {  	v28 =	vor.u32 $0x2, v28;
	_ =	sdelay $0x2  }
0x14a: {  	v29 =	vadd.f32 v29, v6;
	_ =	sdelay $0x1  }
0x14b: {  	[tilespmem:v28+s25+$0x0] =	vst.idx.msk $0xffff, v29  }
0x14c: {  	v28 =	vld [tilespmem:s1+$0x420];
	_ =	sdelay $0x1  }
0x14d: {  	v27 =	vor.u32 $0x2, v27;
	_ =	sdelay $0x2  }
0x14e: {  	v28 =	vadd.f32 v28, v5;
	_ =	sdelay $0x1  }
0x14f: {  	[tilespmem:v27+s25+$0x0] =	vst.idx.msk $0xffff, v28  }
0x150: {  	v27 =	vld [tilespmem:s1+$0x430];
	_ =	sdelay $0x1  }
0x151: {  	v28 =	vor.u32 $0x2, v32;
	_ =	sdelay $0x2  }
0x152: {  	v27 =	vadd.f32 v27, v3;
	_ =	sdelay $0x1  }
0x153: {  	s1 =	sand.u32 $0x3FFFFEC0, s17;
	[tilespmem:v28+s25+$0x0] =	vst.idx.msk $0xffff, v27  }
0x154: {  	v27 =	vld [tilespmem:s1+$0x400];
	_ =	sdelay $0x1  }
0x155: {  	v25 =	vor.u32 $0x3, v25;
	_ =	sdelay $0x2  }
0x156: {  	v27 =	vadd.f32 v27, v4;
	_ =	sdelay $0x1  }
0x157: {  	[tilespmem:v25+s25+$0x0] =	vst.idx.msk $0xffff, v27  }
0x158: {  	v25 =	vld [tilespmem:s1+$0x410];
	_ =	sdelay $0x1  }
0x159: {  	v24 =	vor.u32 $0x3, v24;
	_ =	sdelay $0x2  }
0x15a: {  	v25 =	vadd.f32 v25, v6;
	_ =	sdelay $0x1  }
0x15b: {  	[tilespmem:v24+s25+$0x0] =	vst.idx.msk $0xffff, v25  }
0x15c: {  	v24 =	vld [tilespmem:s1+$0x420];
	_ =	sdelay $0x1  }
0x15d: {  	v23 =	vor.u32 $0x3, v23;
	_ =	sdelay $0x2  }
0x15e: {  	v24 =	vadd.f32 v24, v5;
	_ =	sdelay $0x1  }
0x15f: {  	[tilespmem:v23+s25+$0x0] =	vst.idx.msk $0xffff, v24  }
0x160: {  	v23 =	vld [tilespmem:s1+$0x430];
	_ =	sdelay $0x1  }
0x161: {  	v24 =	vor.u32 $0x3, v26;
	_ =	sdelay $0x2  }
0x162: {  	v23 =	vadd.f32 v23, v3;
	_ =	sdelay $0x1  }
0x163: {  	s1 =	sand.u32 $0x3FFFFF00, s16;
	[tilespmem:v24+s25+$0x0] =	vst.idx.msk $0xffff, v23  }
0x164: {  	v23 =	vld [tilespmem:s1+$0x400];
	_ =	sdelay $0x1  }
0x165: {  	v22 =	vor.u32 $0x4, v22;
	_ =	sdelay $0x2  }
0x166: {  	v23 =	vadd.f32 v23, v4;
	_ =	sdelay $0x1  }
0x167: {  	[tilespmem:v22+s25+$0x0] =	vst.idx.msk $0xffff, v23  }
0x168: {  	v22 =	vld [tilespmem:s1+$0x410];
	_ =	sdelay $0x1  }
0x169: {  	v20 =	vor.u32 $0x4, v20;
	_ =	sdelay $0x2  }
0x16a: {  	v22 =	vadd.f32 v22, v6;
	_ =	sdelay $0x1  }
0x16b: {  	[tilespmem:v20+s25+$0x0] =	vst.idx.msk $0xffff, v22  }
0x16c: {  	v20 =	vld [tilespmem:s1+$0x420];
	_ =	sdelay $0x1  }
0x16d: {  	v19 =	vor.u32 $0x4, v19;
	_ =	sdelay $0x2  }
0x16e: {  	v20 =	vadd.f32 v20, v5;
	_ =	sdelay $0x1  }
0x16f: {  	[tilespmem:v19+s25+$0x0] =	vst.idx.msk $0xffff, v20  }
0x170: {  	v19 =	vld [tilespmem:s1+$0x430];
	_ =	sdelay $0x1  }
0x171: {  	v20 =	vor.u32 $0x4, v21;
	_ =	sdelay $0x2  }
0x172: {  	v19 =	vadd.f32 v19, v3;
	_ =	sdelay $0x1  }
0x173: {  	s1 =	sand.u32 $0x3FFFFF40, s15;
	[tilespmem:v20+s25+$0x0] =	vst.idx.msk $0xffff, v19  }
0x174: {  	v19 =	vld [tilespmem:s1+$0x400];
	_ =	sdelay $0x1  }
0x175: {  	v18 =	vor.u32 $0x5, v18;
	_ =	sdelay $0x2  }
0x176: {  	v19 =	vadd.f32 v19, v4;
	_ =	sdelay $0x1  }
0x177: {  	[tilespmem:v18+s25+$0x0] =	vst.idx.msk $0xffff, v19  }
0x178: {  	v18 =	vld [tilespmem:s1+$0x410];
	_ =	sdelay $0x1  }
0x179: {  	v16 =	vor.u32 $0x5, v16;
	_ =	sdelay $0x2  }
0x17a: {  	v18 =	vadd.f32 v18, v6;
	_ =	sdelay $0x1  }
0x17b: {  	[tilespmem:v16+s25+$0x0] =	vst.idx.msk $0xffff, v18  }
0x17c: {  	v16 =	vld [tilespmem:s1+$0x420];
	_ =	sdelay $0x1  }
0x17d: {  	v15 =	vor.u32 $0x5, v15;
	_ =	sdelay $0x2  }
0x17e: {  	v16 =	vadd.f32 v16, v5;
	_ =	sdelay $0x1  }
0x17f: {  	[tilespmem:v15+s25+$0x0] =	vst.idx.msk $0xffff, v16  }
0x180: {  	v15 =	vld [tilespmem:s1+$0x430];
	_ =	sdelay $0x1  }
0x181: {  	v16 =	vor.u32 $0x5, v17;
	_ =	sdelay $0x2  }
0x182: {  	v15 =	vadd.f32 v15, v3  }
0x183: {  	s1 =	sshll.u32 s14, $0x6  }
0x184: {  	s1 =	sand.u32 $0x3FFFFF80, s1;
	[tilespmem:v16+s25+$0x0] =	vst.idx.msk $0xffff, v15  }
0x185: {  	v15 =	vld [tilespmem:s1+$0x400];
	_ =	sdelay $0x1  }
0x186: {  	v14 =	vor.u32 $0x6, v14;
	_ =	sdelay $0x2  }
0x187: {  	v15 =	vadd.f32 v15, v4;
	_ =	sdelay $0x1  }
0x188: {  	[tilespmem:v14+s25+$0x0] =	vst.idx.msk $0xffff, v15  }
0x189: {  	v14 =	vld [tilespmem:s1+$0x410];
	_ =	sdelay $0x1  }
0x18a: {  	v12 =	vor.u32 $0x6, v12;
	_ =	sdelay $0x2  }
0x18b: {  	v14 =	vadd.f32 v14, v6;
	_ =	sdelay $0x1  }
0x18c: {  	[tilespmem:v12+s25+$0x0] =	vst.idx.msk $0xffff, v14  }
0x18d: {  	v12 =	vld [tilespmem:s1+$0x420];
	_ =	sdelay $0x1  }
0x18e: {  	v11 =	vor.u32 $0x6, v11;
	_ =	sdelay $0x2  }
0x18f: {  	v12 =	vadd.f32 v12, v5;
	_ =	sdelay $0x1  }
0x190: {  	[tilespmem:v11+s25+$0x0] =	vst.idx.msk $0xffff, v12  }
0x191: {  	v11 =	vld [tilespmem:s1+$0x430];
	_ =	sdelay $0x1  }
0x192: {  	v12 =	vor.u32 $0x6, v13;
	_ =	sdelay $0x2  }
0x193: {  	v11 =	vadd.f32 v11, v3;
	_ =	sdelay $0x1  }
0x194: {  	s1 =	sand.u32 $0x3FFFFFC0, s13;
	[tilespmem:v12+s25+$0x0] =	vst.idx.msk $0xffff, v11  }
0x195: {  	v11 =	vld [tilespmem:s1+$0x400];
	_ =	sdelay $0x1  }
0x196: {  	v7 =	vor.u32 $0x7, v7;
	_ =	sdelay $0x2  }
0x197: {  	v4 =	vadd.f32 v11, v4;
	_ =	sdelay $0x1  }
0x198: {  	[tilespmem:v7+s25+$0x0] =	vst.idx.msk $0xffff, v4  }
0x199: {  	v4 =	vld [tilespmem:s1+$0x410];
	_ =	sdelay $0x1  }
0x19a: {  	v7 =	vor.u32 $0x7, v8;
	_ =	sdelay $0x2  }
0x19b: {  	v4 =	vadd.f32 v4, v6;
	_ =	sdelay $0x1  }
0x19c: {  	[tilespmem:v7+s25+$0x0] =	vst.idx.msk $0xffff, v4  }
0x19d: {  	v4 =	vld [tilespmem:s1+$0x420];
	_ =	sdelay $0x1  }
0x19e: {  	v6 =	vor.u32 $0x7, v9;
	_ =	sdelay $0x2  }
0x19f: {  	v4 =	vadd.f32 v4, v5;
	_ =	sdelay $0x1  }
0x1a0: {  	[tilespmem:v6+s25+$0x0] =	vst.idx.msk $0xffff, v4  }
0x1a1: {  	v5 =	vld [tilespmem:s1+$0x430];
	_ =	sdelay $0x1  }
.Ltmp0:
0x1a2: {  	v4 =	vor.u32 $0x7, v10;
	(pc) =	sbr.rel @p1 .LBB2_3-.Ltmp0, $4  }
0x1a3: {  	s11 =	sadd.s32 $0x8, s11;
	s1 =	sshrl.u32 s12, $0x4  }
0x1a4: {  	s17 =	sand.u32 $0x78, s11;
	s22 =	sshll.u32 s1, $0x6;
	s16 =	sshll.u32 s1, $0x7  }
0x1a5: {  	s13 =	sor.u32 $0x7, s17;
	v7 =	vmov s17;
	v6 =	vmov s22;
	s1 =	sor.u32 $0x10, s22;
	s7 =	sor.u32 s17, s16;
	v3 =	vadd.f32 v5, v3  }
0x1a6: {  	s14 =	sor.u32 $0x5, s17;
	s21 =	sor.u32 $0x30, s22;
	v8 =	vmov s1;
	s7 =	sshll.u32 s7, $0x6;
	v6 =	vmul.u32 $0x88, v6;
	v5 =	vshrl.u32 v7, $0x3  }
0x1a7: {  	_ =	sdelay $0x3  }
0x1a8: {  	[tilespmem:v4+s25+$0x0] =	vst.idx.msk $0xffff, v3  }
0x1a9: {  	v3 =	vshll.u32 v5, v1;
	s1 =	sand.u32 $0x3FFFFE00, s7;
	v22 =	vld.idx.msk [tilespmem:v2+s22+$0x0 ss:$0x1], $0xffff;
	v23 =	vbroadcast v6, $0x0  }
0x1aa: {  	v10 =	vbroadcast v3, $0x0;
	v7 =	vld [tilespmem:s1+$0x400]  }
0x1ab: {  	v6 =	vadd.s32 v0, v23  }
0x1ac: {  	v9 =	vadd.s32 v10, v6;
	_ =	sdelay $0x2  }
0x1ad: {  	v8 =	vmul.u32 $0x88, v8;
	v3 =	vld.idx.msk [tilespmem:v2+s22+$0x30 ss:$0x1], $0xffff;
	v7 =	vadd.f32 v7, v22  }
0x1ae: {  	v24 =	vld.idx.msk [tilespmem:v2+s22+$0x20 ss:$0x1], $0xffff  }
0x1af: {  	v2 =	vld.idx.msk [tilespmem:v2+s22+$0x10 ss:$0x1], $0xffff;
	v25 =	vbroadcast v8, $0x0;
	[tilespmem:v9+s25+$0x0] =	vst.idx.msk $0xffff, v7  }
0x1b0: {  	v26 =	vld [tilespmem:s1+$0x410]  }
0x1b1: {  	v7 =	vadd.s32 v0, v25  }
0x1b2: {  	v27 =	vadd.s32 v10, v7  }
0x1b3: {  	s6 =	sor.u32 $0x20, s22  }
0x1b4: {  	v11 =	vmov s6  }
0x1b5: {  	v11 =	vmul.u32 $0x88, v11;
	v8 =	vadd.f32 v26, v2;
	_ =	sdelay $0x1  }
0x1b6: {  	v11 =	vbroadcast v11, $0x0;
	[tilespmem:v27+s25+$0x0] =	vst.idx.msk $0xffff, v8  }
0x1b7: {  	v9 =	vld [tilespmem:s1+$0x420]  }
0x1b8: {  	v28 =	vadd.s32 v0, v11  }
0x1b9: {  	v11 =	vadd.s32 v10, v28;
	_ =	sdelay $0x1  }
0x1ba: {  	v12 =	vmov s21  }
0x1bb: {  	v12 =	vmul.u32 $0x88, v12;
	v9 =	vadd.f32 v9, v24;
	_ =	sdelay $0x1  }
0x1bc: {  	v29 =	vbroadcast v12, $0x0;
	[tilespmem:v11+s25+$0x0] =	vst.idx.msk $0xffff, v9  }
0x1bd: {  	v11 =	vld [tilespmem:s1+$0x430]  }
0x1be: {  	v9 =	vadd.s32 v0, v29  }
0x1bf: {  	v10 =	vadd.s32 v10, v9  }
0x1c0: {  	s19 =	sor.u32 $0x1, s17  }
0x1c1: {  	v30 =	vmov s19  }
0x1c2: {  	v12 =	vshrl.u32 v30, $0x3;
	s1 =	sor.u32 s16, s19;
	v11 =	vadd.f32 v11, v3  }
0x1c3: {  	v12 =	vshll.u32 v12, v1;
	s1 =	sshll.u32 s1, $0x6  }
0x1c4: {  	v12 =	vbroadcast v12, $0x0;
	s1 =	sand.u32 $0x3FFFFE40, s1;
	[tilespmem:v10+s25+$0x0] =	vst.idx.msk $0xffff, v11  }
0x1c5: {  	v10 =	vld [tilespmem:s1+$0x400]  }
0x1c6: {  	v31 =	vadd.s32 v6, v12  }
0x1c7: {  	v11 =	vor.u32 $0x1, v31;
	_ =	sdelay $0x2  }
0x1c8: {  	v10 =	vadd.f32 v10, v22;
	_ =	sdelay $0x1  }
0x1c9: {  	[tilespmem:v11+s25+$0x0] =	vst.idx.msk $0xffff, v10  }
0x1ca: {  	v10 =	vld [tilespmem:s1+$0x410]  }
0x1cb: {  	v32 =	vadd.s32 v12, v7  }
0x1cc: {  	v11 =	vor.u32 $0x1, v32;
	_ =	sdelay $0x2  }
0x1cd: {  	v10 =	vadd.f32 v10, v2;
	_ =	sdelay $0x1  }
0x1ce: {  	[tilespmem:v11+s25+$0x0] =	vst.idx.msk $0xffff, v10  }
0x1cf: {  	v10 =	vld [tilespmem:s1+$0x420]  }
0x1d0: {  	v33 =	vadd.s32 v12, v28  }
0x1d1: {  	v11 =	vor.u32 $0x1, v33;
	_ =	sdelay $0x2  }
0x1d2: {  	v10 =	vadd.f32 v10, v24;
	_ =	sdelay $0x1  }
0x1d3: {  	[tilespmem:v11+s25+$0x0] =	vst.idx.msk $0xffff, v10  }
0x1d4: {  	v10 =	vld [tilespmem:s1+$0x430]  }
0x1d5: {  	v34 =	vadd.s32 v12, v9  }
0x1d6: {  	v11 =	vor.u32 $0x1, v34  }
0x1d7: {  	s21 =	sor.u32 $0x2, s17  }
0x1d8: {  	v35 =	vmov s21  }
0x1d9: {  	v12 =	vshrl.u32 v35, $0x3;
	s1 =	sor.u32 s16, s21;
	v10 =	vadd.f32 v10, v3  }
0x1da: {  	v12 =	vshll.u32 v12, v1;
	s1 =	sshll.u32 s1, $0x6  }
0x1db: {  	v12 =	vbroadcast v12, $0x0;
	s1 =	sand.u32 $0x3FFFFE80, s1;
	[tilespmem:v11+s25+$0x0] =	vst.idx.msk $0xffff, v10  }
0x1dc: {  	v10 =	vld [tilespmem:s1+$0x400]  }
0x1dd: {  	v36 =	vadd.s32 v6, v12  }
0x1de: {  	v11 =	vor.u32 $0x2, v36;
	_ =	sdelay $0x2  }
0x1df: {  	v10 =	vadd.f32 v10, v22;
	_ =	sdelay $0x1  }
0x1e0: {  	[tilespmem:v11+s25+$0x0] =	vst.idx.msk $0xffff, v10  }
0x1e1: {  	v10 =	vld [tilespmem:s1+$0x410]  }
0x1e2: {  	v37 =	vadd.s32 v12, v7  }
0x1e3: {  	v11 =	vor.u32 $0x2, v37;
	_ =	sdelay $0x2  }
0x1e4: {  	v10 =	vadd.f32 v10, v2;
	_ =	sdelay $0x1  }
0x1e5: {  	[tilespmem:v11+s25+$0x0] =	vst.idx.msk $0xffff, v10  }
0x1e6: {  	v10 =	vld [tilespmem:s1+$0x420]  }
0x1e7: {  	v38 =	vadd.s32 v12, v28  }
0x1e8: {  	v11 =	vor.u32 $0x2, v38;
	_ =	sdelay $0x2  }
0x1e9: {  	v10 =	vadd.f32 v10, v24;
	_ =	sdelay $0x1  }
0x1ea: {  	[tilespmem:v11+s25+$0x0] =	vst.idx.msk $0xffff, v10  }
0x1eb: {  	v10 =	vld [tilespmem:s1+$0x430]  }
0x1ec: {  	v39 =	vadd.s32 v12, v9  }
0x1ed: {  	v11 =	vor.u32 $0x2, v39  }
0x1ee: {  	s22 =	sor.u32 $0x3, s17  }
0x1ef: {  	v40 =	vmov s22  }
0x1f0: {  	v12 =	vshrl.u32 v40, $0x3;
	s1 =	sor.u32 s16, s22;
	v10 =	vadd.f32 v10, v3  }
0x1f1: {  	v12 =	vshll.u32 v12, v1;
	s1 =	sshll.u32 s1, $0x6  }
0x1f2: {  	v12 =	vbroadcast v12, $0x0;
	s1 =	sand.u32 $0x3FFFFEC0, s1;
	[tilespmem:v11+s25+$0x0] =	vst.idx.msk $0xffff, v10  }
0x1f3: {  	v10 =	vld [tilespmem:s1+$0x400]  }
0x1f4: {  	v41 =	vadd.s32 v6, v12  }
0x1f5: {  	v11 =	vor.u32 $0x3, v41;
	_ =	sdelay $0x2  }
0x1f6: {  	v10 =	vadd.f32 v10, v22;
	_ =	sdelay $0x1  }
0x1f7: {  	[tilespmem:v11+s25+$0x0] =	vst.idx.msk $0xffff, v10  }
0x1f8: {  	v10 =	vld [tilespmem:s1+$0x410]  }
0x1f9: {  	v42 =	vadd.s32 v12, v7  }
0x1fa: {  	v11 =	vor.u32 $0x3, v42;
	_ =	sdelay $0x2  }
0x1fb: {  	v10 =	vadd.f32 v10, v2;
	_ =	sdelay $0x1  }
0x1fc: {  	[tilespmem:v11+s25+$0x0] =	vst.idx.msk $0xffff, v10  }
0x1fd: {  	v10 =	vld [tilespmem:s1+$0x420]  }
0x1fe: {  	v43 =	vadd.s32 v12, v28  }
0x1ff: {  	v11 =	vor.u32 $0x3, v43;
	_ =	sdelay $0x2  }
0x200: {  	v10 =	vadd.f32 v10, v24;
	_ =	sdelay $0x1  }
0x201: {  	[tilespmem:v11+s25+$0x0] =	vst.idx.msk $0xffff, v10  }
0x202: {  	v10 =	vld [tilespmem:s1+$0x430]  }
0x203: {  	v44 =	vadd.s32 v12, v9  }
0x204: {  	v11 =	vor.u32 $0x3, v44  }
0x205: {  	s23 =	sor.u32 $0x4, s17  }
0x206: {  	v45 =	vmov s23  }
0x207: {  	v12 =	vshrl.u32 v45, $0x3;
	s1 =	sor.u32 s16, s23;
	v10 =	vadd.f32 v10, v3  }
0x208: {  	v12 =	vshll.u32 v12, v1;
	s1 =	sshll.u32 s1, $0x6  }
0x209: {  	v12 =	vbroadcast v12, $0x0;
	s1 =	sand.u32 $0x3FFFFF00, s1;
	[tilespmem:v11+s25+$0x0] =	vst.idx.msk $0xffff, v10  }
0x20a: {  	v10 =	vld [tilespmem:s1+$0x400]  }
0x20b: {  	v46 =	vadd.s32 v6, v12  }
0x20c: {  	v11 =	vor.u32 $0x4, v46;
	_ =	sdelay $0x2  }
0x20d: {  	v10 =	vadd.f32 v10, v22;
	_ =	sdelay $0x1  }
0x20e: {  	[tilespmem:v11+s25+$0x0] =	vst.idx.msk $0xffff, v10  }
0x20f: {  	v10 =	vld [tilespmem:s1+$0x410]  }
0x210: {  	v47 =	vadd.s32 v12, v7  }
0x211: {  	v11 =	vor.u32 $0x4, v47;
	_ =	sdelay $0x2  }
0x212: {  	v10 =	vadd.f32 v10, v2;
	_ =	sdelay $0x1  }
0x213: {  	[tilespmem:v11+s25+$0x0] =	vst.idx.msk $0xffff, v10  }
0x214: {  	v10 =	vld [tilespmem:s1+$0x420]  }
0x215: {  	v48 =	vadd.s32 v12, v28  }
0x216: {  	v11 =	vor.u32 $0x4, v48;
	_ =	sdelay $0x2  }
0x217: {  	v10 =	vadd.f32 v10, v24;
	_ =	sdelay $0x1  }
0x218: {  	[tilespmem:v11+s25+$0x0] =	vst.idx.msk $0xffff, v10  }
0x219: {  	v10 =	vld [tilespmem:s1+$0x430]  }
0x21a: {  	v49 =	vadd.s32 v12, v9  }
0x21b: {  	v11 =	vor.u32 $0x4, v49;
	_ =	sdelay $0x1  }
0x21c: {  	v50 =	vmov s14  }
0x21d: {  	s29 =	sor.u32 s16, s14;
	v12 =	vshrl.u32 v50, $0x3;
	v10 =	vadd.f32 v10, v3  }
0x21e: {  	v12 =	vshll.u32 v12, v1;
	s1 =	sshll.u32 s29, $0x6  }
0x21f: {  	v12 =	vbroadcast v12, $0x0;
	s1 =	sand.u32 $0x3FFFFF40, s1;
	[tilespmem:v11+s25+$0x0] =	vst.idx.msk $0xffff, v10  }
0x220: {  	v10 =	vld [tilespmem:s1+$0x400]  }
0x221: {  	v51 =	vadd.s32 v6, v12  }
0x222: {  	v11 =	vor.u32 $0x5, v51;
	_ =	sdelay $0x2  }
0x223: {  	v10 =	vadd.f32 v10, v22;
	_ =	sdelay $0x1  }
0x224: {  	[tilespmem:v11+s25+$0x0] =	vst.idx.msk $0xffff, v10  }
0x225: {  	v10 =	vld [tilespmem:s1+$0x410]  }
0x226: {  	v52 =	vadd.s32 v12, v7  }
0x227: {  	v11 =	vor.u32 $0x5, v52;
	_ =	sdelay $0x2  }
0x228: {  	v10 =	vadd.f32 v10, v2;
	_ =	sdelay $0x1  }
0x229: {  	[tilespmem:v11+s25+$0x0] =	vst.idx.msk $0xffff, v10  }
0x22a: {  	v10 =	vld [tilespmem:s1+$0x420]  }
0x22b: {  	v53 =	vadd.s32 v12, v28  }
0x22c: {  	v11 =	vor.u32 $0x5, v53;
	_ =	sdelay $0x2  }
0x22d: {  	v10 =	vadd.f32 v10, v24;
	_ =	sdelay $0x1  }
0x22e: {  	[tilespmem:v11+s25+$0x0] =	vst.idx.msk $0xffff, v10  }
0x22f: {  	v10 =	vld [tilespmem:s1+$0x430]  }
0x230: {  	v54 =	vadd.s32 v12, v9  }
0x231: {  	v11 =	vor.u32 $0x5, v54  }
0x232: {  	s30 =	sor.u32 $0x6, s17  }
0x233: {  	v55 =	vmov s30  }
0x234: {  	v12 =	vshrl.u32 v55, $0x3;
	s1 =	sor.u32 s16, s30;
	v10 =	vadd.f32 v10, v3  }
0x235: {  	v12 =	vshll.u32 v12, v1;
	s1 =	sshll.u32 s1, $0x6  }
0x236: {  	v12 =	vbroadcast v12, $0x0;
	s1 =	sand.u32 $0x3FFFFF80, s1;
	[tilespmem:v11+s25+$0x0] =	vst.idx.msk $0xffff, v10  }
0x237: {  	v10 =	vld [tilespmem:s1+$0x400]  }
0x238: {  	v56 =	vadd.s32 v6, v12  }
0x239: {  	v11 =	vor.u32 $0x6, v56;
	_ =	sdelay $0x2  }
0x23a: {  	v10 =	vadd.f32 v10, v22;
	_ =	sdelay $0x1  }
0x23b: {  	[tilespmem:v11+s25+$0x0] =	vst.idx.msk $0xffff, v10  }
0x23c: {  	v10 =	vld [tilespmem:s1+$0x410]  }
0x23d: {  	v57 =	vadd.s32 v12, v7  }
0x23e: {  	v11 =	vor.u32 $0x6, v57;
	_ =	sdelay $0x2  }
0x23f: {  	v10 =	vadd.f32 v10, v2;
	_ =	sdelay $0x1  }
0x240: {  	[tilespmem:v11+s25+$0x0] =	vst.idx.msk $0xffff, v10  }
0x241: {  	v10 =	vld [tilespmem:s1+$0x420]  }
0x242: {  	v58 =	vadd.s32 v12, v28  }
0x243: {  	v11 =	vor.u32 $0x6, v58;
	_ =	sdelay $0x2  }
0x244: {  	v10 =	vadd.f32 v10, v24;
	_ =	sdelay $0x1  }
0x245: {  	[tilespmem:v11+s25+$0x0] =	vst.idx.msk $0xffff, v10  }
0x246: {  	v10 =	vld [tilespmem:s1+$0x430]  }
0x247: {  	v59 =	vadd.s32 v12, v9  }
0x248: {  	v11 =	vor.u32 $0x6, v59;
	_ =	sdelay $0x1  }
0x249: {  	v60 =	vmov s13  }
0x24a: {  	s6 =	sor.u32 s16, s13;
	v12 =	vshrl.u32 v60, $0x3;
	v10 =	vadd.f32 v10, v3  }
0x24b: {  	v12 =	vshll.u32 v12, v1;
	s1 =	sshll.u32 s6, $0x6  }
0x24c: {  	v12 =	vbroadcast v12, $0x0;
	s1 =	sand.u32 $0x3FFFFFC0, s1;
	[tilespmem:v11+s25+$0x0] =	vst.idx.msk $0xffff, v10  }
0x24d: {  	v10 =	vld [tilespmem:s1+$0x400]  }
0x24e: {  	v6 =	vadd.s32 v6, v12  }
0x24f: {  	v6 =	vor.u32 $0x7, v6;
	_ =	sdelay $0x2  }
0x250: {  	v5 =	vadd.f32 v10, v22;
	_ =	sdelay $0x1  }
0x251: {  	[tilespmem:v6+s25+$0x0] =	vst.idx.msk $0xffff, v5  }
0x252: {  	v5 =	vld [tilespmem:s1+$0x410]  }
0x253: {  	v61 =	vadd.s32 v12, v7  }
0x254: {  	v6 =	vor.u32 $0x7, v61;
	_ =	sdelay $0x2  }
0x255: {  	v2 =	vadd.f32 v5, v2;
	_ =	sdelay $0x1  }
0x256: {  	[tilespmem:v6+s25+$0x0] =	vst.idx.msk $0xffff, v2  }
0x257: {  	v2 =	vld [tilespmem:s1+$0x420]  }
0x258: {  	v62 =	vadd.s32 v12, v28  }
0x259: {  	v5 =	vor.u32 $0x7, v62;
	_ =	sdelay $0x2  }
0x25a: {  	v2 =	vadd.f32 v2, v24;
	_ =	sdelay $0x1  }
0x25b: {  	[tilespmem:v5+s25+$0x0] =	vst.idx.msk $0xffff, v2  }
0x25c: {  	v2 =	vld [tilespmem:s1+$0x430]  }
0x25d: {  	v63 =	vadd.s32 v12, v9  }
0x25e: {  	v4 =	vor.u32 $0x7, v63;
	_ =	sdelay $0x1  }
0x25f: {  	s7 =	sshll.u32 s31, $0x15  }
0x260: {  	s1 =	sor.u32 s20, s7;
	v2 =	vadd.f32 v2, v3  }
0x261: {  	s11 =	rddreg [dreg:$0x1];
	s1 =	sshrl.u32 s1, $0x3  }
0x262: {  	s12 =	simm.s32 $0x10400;
	s1 =	sadd.s32 s11, s1;
	[tilespmem:v4+s25+$0x0] =	vst.idx.msk $0xffff, v2  }
0x263: {  	[hbm4b:s1+s3] =	stream.linear.scatter [tilespmem:s12], [sflag:$0x4], $0x80, $0x38;
	[tilespmem:$0x1BE00] =	vst v63  }
0x264: {  	s13 =	simm.s32 $0x10488;
	s14 =	sadd.s32 $0x10, s1  }
0x265: {  	[hbm4b:s14+s3] =	stream.linear.scatter [tilespmem:s13], [sflag:$0x4], $0x80, $0x38;
	[tilespmem:$0x1BE00] =	vst v63  }
0x266: {  	s15 =	simm.s32 $0x10510;
	s17 =	simm.s32 $0x10598;
	s16 =	sadd.s32 $0x20, s1  }
0x267: {  	[hbm4b:s16+s3] =	stream.linear.scatter [tilespmem:s15], [sflag:$0x4], $0x80, $0x38;
	[tilespmem:$0x1BE00] =	vst v63  }
0x268: {  	s19 =	simm.s32 $0x10620;
	s22 =	simm.s32 $0x106A8;
	s18 =	sadd.s32 $0x30, s1  }
0x269: {  	[hbm4b:s18+s3] =	stream.linear.scatter [tilespmem:s17], [sflag:$0x4], $0x80, $0x38;
	[tilespmem:$0x1BE00] =	vst v63  }
0x26a: {  	s29 =	simm.s32 $0x10730;
	s6 =	simm.s32 $0x440;
	s21 =	sadd.s32 $0x40, s1  }
0x26b: {  	[hbm4b:s21+s3] =	stream.linear.scatter [tilespmem:s19], [sflag:$0x4], $0x80, $0x38;
	[tilespmem:$0x1BE00] =	vst v63  }
0x26c: {  	s11 =	simm.s32 $0x2200;
	s23 =	sadd.s32 $0x50, s1;
	s30 =	sadd.s32 $0x60, s1  }
0x26d: {  	[hbm4b:s23+s3] =	stream.linear.scatter [tilespmem:s22], [sflag:$0x4], $0x80, $0x38;
	[tilespmem:$0x1BE00] =	vst v63  }
0x26e: {  	s7 =	sadd.s32 $0x1000, s1;
	s12 =	simm.s32 $0x107B8;
	s13 =	sadd.s32 $0x70, s1  }
0x26f: {  	[hbm4b:s30+s3] =	stream.linear.scatter [tilespmem:s29], [sflag:$0x4], $0x80, $0x38;
	[tilespmem:$0x1BE00] =	vst v63  }
.LBB2_5:
0x270: {  	[hbm4b:s13+s3] =	stream.linear.scatter [tilespmem:s12], [sflag:$0x4], $0x80, $0x38;
	[tilespmem:$0x1BE00] =	vst v63  }
0x271: {  	s1 =	smov.u32 s6;
	s6 =	smov.u32 s11  }
0x272: {  	s14 =	sadd.s32 $0x1100, s11;
	s6 =	sshra.s32 s6, $0x2;
	s12 =	sadd.s32 $0x10400, s1  }
0x273: {  	[hbm4b:s7+s3] =	stream.linear.scatter [tilespmem:s12], [sflag:$0x4], $0x80, $0x38;
	[tilespmem:$0x1BE00] =	vst v63  }
0x274: {  	p1 =	sne.s32 s11, $0x20F00;
	s11 =	sadd.s32 $0x10488, s1;
	s12 =	sadd.s32 $0x10, s7  }
0x275: {  	[hbm4b:s12+s3] =	stream.linear.scatter [tilespmem:s11], [sflag:$0x4], $0x80, $0x38;
	[tilespmem:$0x1BE00] =	vst v63  }
0x276: {  	s11 =	sadd.s32 $0x10510, s1;
	s12 =	sadd.s32 $0x20, s7  }
0x277: {  	[hbm4b:s12+s3] =	stream.linear.scatter [tilespmem:s11], [sflag:$0x4], $0x80, $0x38;
	[tilespmem:$0x1BE00] =	vst v63  }
0x278: {  	s11 =	sadd.s32 $0x10598, s1;
	s12 =	sadd.s32 $0x30, s7  }
0x279: {  	[hbm4b:s12+s3] =	stream.linear.scatter [tilespmem:s11], [sflag:$0x4], $0x80, $0x38;
	[tilespmem:$0x1BE00] =	vst v63  }
0x27a: {  	s11 =	sadd.s32 $0x10620, s1;
	s12 =	sadd.s32 $0x40, s7  }
0x27b: {  	[hbm4b:s12+s3] =	stream.linear.scatter [tilespmem:s11], [sflag:$0x4], $0x80, $0x38;
	[tilespmem:$0x1BE00] =	vst v63  }
.Ltmp1:
0x27c: {  	s11 =	sadd.s32 $0x106A8, s1;
	s12 =	sadd.s32 $0x50, s7;
	(pc) =	sbr.rel @p1 .LBB2_5-.Ltmp1, $4  }
0x27d: {  	[hbm4b:s12+s3] =	stream.linear.scatter [tilespmem:s11], [sflag:$0x4], $0x80, $0x38;
	[tilespmem:$0x1BE00] =	vst v63  }
0x27e: {  	s13 =	sadd.s32 $0x70, s7;
	s11 =	sadd.s32 $0x10730, s1;
	s12 =	sadd.s32 $0x60, s7  }
0x27f: {  	[hbm4b:s12+s3] =	stream.linear.scatter [tilespmem:s11], [sflag:$0x4], $0x80, $0x38;
	[tilespmem:$0x1BE00] =	vst v63  }
0x280: {  	s7 =	sadd.s32 $0x1000, s7;
	s12 =	sadd.s32 $0x107B8, s1;
	s11 =	smov.u32 s14  }
0x281: {  	[hbm4b:s13+s3] =	stream.linear.scatter [tilespmem:s12], [sflag:$0x4], $0x80, $0x38;
	[tilespmem:$0x1BE00] =	vst v63  }
0x282: {  	s1 =	sadd.s32 $0x10400, s6  }
0x283: {  	[hbm4b:s7+s3] =	stream.linear.scatter [tilespmem:s1], [sflag:$0x4], $0x80, $0x38;
	[tilespmem:$0x1BE00] =	vst v63  }
0x284: {  	s30 =	sadd.s32 $0x10488, s6;
	s11 =	sadd.s32 $0x10, s7  }
0x285: {  	[hbm4b:s11+s3] =	stream.linear.scatter [tilespmem:s30], [sflag:$0x4], $0x80, $0x38;
	[tilespmem:$0x1BE00] =	vst v63  }
0x286: {  	s12 =	sadd.s32 $0x10510, s6;
	s13 =	sadd.s32 $0x20, s7  }
0x287: {  	[hbm4b:s13+s3] =	stream.linear.scatter [tilespmem:s12], [sflag:$0x4], $0x80, $0x38;
	[tilespmem:$0x1BE00] =	vst v63  }
0x288: {  	s14 =	sadd.s32 $0x10598, s6;
	s15 =	sadd.s32 $0x30, s7  }
0x289: {  	[hbm4b:s15+s3] =	stream.linear.scatter [tilespmem:s14], [sflag:$0x4], $0x80, $0x38;
	[tilespmem:$0x1BE00] =	vst v63  }
0x28a: {  	s16 =	sadd.s32 $0x10620, s6;
	s17 =	sadd.s32 $0x40, s7  }
0x28b: {  	[hbm4b:s17+s3] =	stream.linear.scatter [tilespmem:s16], [sflag:$0x4], $0x80, $0x38;
	[tilespmem:$0x1BE00] =	vst v63  }
0x28c: {  	s18 =	sadd.s32 $0x106A8, s6;
	s19 =	sadd.s32 $0x50, s7  }
0x28d: {  	[hbm4b:s19+s3] =	stream.linear.scatter [tilespmem:s18], [sflag:$0x4], $0x80, $0x38;
	[tilespmem:$0x1BE00] =	vst v63  }
0x28e: {  	s21 =	sadd.s32 $0x10730, s6;
	s22 =	sadd.s32 $0x60, s7  }
0x28f: {  	[hbm4b:s22+s3] =	stream.linear.scatter [tilespmem:s21], [sflag:$0x4], $0x80, $0x38;
	[tilespmem:$0x1BE00] =	vst v63  }
0x290: {  	s23 =	sadd.s32 $0x107B8, s6;
	s29 =	sadd.s32 $0x70, s7;
	s1 =	simm.s32 @p0 $0x2  }
0x291: {  	[hbm4b:s29+s3] =	stream.linear.scatter [tilespmem:s23], [sflag:$0x4], $0x80, $0x38;
	[tilespmem:$0x1BE00] =	vst v63  }
0x292: {  	_ =	swait.ge @p0 [sflag:s1], $0x8000  }
0x293: {  	[sflag:s1] =	ssyncset.done @p0 $0x0  }
0x294: {  	[sflag:s1] =	ssyncadd.s32 @p0 $0xFFFF8000;
	s1 =	simm.s32 @!p0 $0x3  }
0x295: {  	_ =	swait.ge @!p0 [sflag:s1], $0x80  }
0x296: {  	[sflag:s1] =	ssyncset.done @!p0 $0x0  }
0x297: {  	[sflag:s1] =	ssyncadd.s32 @!p0 $0xFFFFFF80  }
0x298: {  	_ =	swait.ge @!p0 [sflag:s1], $0x80  }
0x299: {  	[sflag:s1] =	ssyncset.done @!p0 $0x0  }
0x29a: {  	[sflag:s1] =	ssyncadd.s32 @!p0 $0xFFFFFF80  }
0x29b: {  	_ =	swait.ge @!p0 [sflag:s1], $0x80  }
0x29c: {  	[sflag:s1] =	ssyncset.done @!p0 $0x0  }
0x29d: {  	[sflag:s1] =	ssyncadd.s32 @!p0 $0xFFFFFF80  }
0x29e: {  	_ =	swait.ge @!p0 [sflag:s1], $0x80  }
0x29f: {  	s6 =	simm.s32 @!p0 $0x0;
	[sflag:s1] =	ssyncset.done @!p0 $0x0  }
0x2a0: {  	s7 =	simm.s32 @!p0 $0x400;
	[sflag:s1] =	ssyncadd.s32 @!p0 $0xFFFFFF80;
	s1 =	simm.s32 @!p0 $0x200  }
0x2a1: {  	[tilespmem:s7], [sflag:$0x1] =	stream.indirect.gather @!p0 [hbm4b:s5+s1], $0x40, s6, s1, $0xb8;
	[tilespmem:$0x1BE00] =	vst v63  }
0x2a2: {  	s7 =	simm.s32 @!p0 $0x2  }
0x2a3: {  	_ =	swait.ge @!p0 [sflag:s7], $0x8000  }
0x2a4: {  	s11 =	rddreg [dreg:$0xd]  }
0x2a5: {  	s2 =	sadd.s32 @!p0 s11, s2  }
0x2a6: {  	[sflag:s7] =	ssyncset.done @!p0 $0x0;
	s2 =	sshrl.u32 @!p0 s2, $0x3  }
0x2a7: {  	[sflag:s7] =	ssyncadd.s32 @!p0 $0xFFFF8000;
	s7 =	sadd.s32 @!p0 s4, s2  }
0x2a8: {  	[tilespmem:s1], [sflag:$0x3] =	stream.linear.gather @!p0 [hbm4b:s7+s6], $0x80, $0x38;
	[tilespmem:$0x1BE00] =	vst v63  }
0x2a9: {  	s1 =	sadd.s32 @!p0 s2, s8;
	s7 =	simm.s32 @!p0 $0x280  }
0x2aa: {  	[tilespmem:s7], [sflag:$0x3] =	stream.linear.gather @!p0 [hbm4b:s1+s6], $0x80, $0x38;
	[tilespmem:$0x1BE00] =	vst v63  }
0x2ab: {  	s30 =	sshll.u32 s0, $0x8;
	s1 =	sadd.s32 @!p0 s2, s9;
	s7 =	simm.s32 @!p0 $0x300  }
0x2ac: {  	[tilespmem:s7], [sflag:$0x3] =	stream.linear.gather @!p0 [hbm4b:s1+s6], $0x80, $0x38;
	[tilespmem:$0x1BE00] =	vst v63  }
0x2ad: {  	s1 =	sand.u32 $0x3FFFFF00, s30  }
0x2ae: {  	s2 =	sadd.s32 @!p0 s2, s10;
	s7 =	simm.s32 @!p0 $0x380;
	s1 =	sadd.s32 $0x18C00, s1  }
0x2af: {  	[tilespmem:s7], [sflag:$0x3] =	stream.linear.gather @!p0 [hbm4b:s2+s6], $0x80, $0x38;
	v2 =	vmov s1;
	[tilespmem:$0x1BE00] =	vst v63  }
0x2b0: {  	s2 =	simm.s32 $0x0;
	s6 =	simm.s32 $0x0  }
0x2b1: {  	s13 =	simm.s32 $0x0;
	_ =	swait.ge [sflag:s26], $0x8000;
	s12 =	sand.u32 $0x78, s2;
	v3 =	vmov s6  }
0x2b2: {  	[sflag:s26] =	ssyncset.done $0x0;
	v4 =	vmov s12;
	s1 =	sor.u32 s12, s13;
	v3 =	vmul.u32 $0x88, v3  }
0x2b3: {  	[sflag:s26] =	ssyncadd.s32 $0xFFFF8000;
	s1 =	sshll.u32 s1, $0x6;
	v4 =	vshrl.u32 v4, $0x3  }
0x2b4: {  	v5 =	vshll.u32 v4, v1;
	s1 =	sand.u32 $0x3FFFFE00, s1;
	v3 =	vbroadcast v3, $0x0;
	v4 =	vld.idx.msk [tilespmem:v2+s6+$0x0 ss:$0x1], $0xffff  }
0x2b5: {  	v11 =	vbroadcast v5, $0x0;
	v7 =	vld [tilespmem:s1+$0x8400]  }
0x2b6: {  	v6 =	vadd.s32 v0, v3  }
0x2b7: {  	v8 =	vadd.s32 v11, v6  }
0x2b8: {  	s14 =	sor.u32 $0x10, s6  }
0x2b9: {  	v9 =	vmov s14  }
0x2ba: {  	v9 =	vmul.u32 $0x88, v9;
	v5 =	vld.idx.msk [tilespmem:v2+s6+$0x20 ss:$0x1], $0xffff;
	v10 =	vadd.f32 v7, v4  }
0x2bb: {  	v3 =	vld.idx.msk [tilespmem:v2+s6+$0x30 ss:$0x1], $0xffff  }
0x2bc: {  	v7 =	vld.idx.msk [tilespmem:v2+s6+$0x10 ss:$0x1], $0xffff;
	[tilespmem:v8+s25+$0x0] =	vst.idx.msk $0xffff, v10;
	v8 =	vbroadcast v9, $0x0  }
0x2bd: {  	v9 =	vld [tilespmem:s1+$0x8410]  }
0x2be: {  	v8 =	vadd.s32 v0, v8  }
0x2bf: {  	v10 =	vadd.s32 v11, v8  }
0x2c0: {  	s15 =	sor.u32 $0x20, s6  }
0x2c1: {  	v12 =	vmov s15  }
0x2c2: {  	v12 =	vmul.u32 $0x88, v12;
	v9 =	vadd.f32 v9, v7;
	_ =	sdelay $0x1  }
0x2c3: {  	v12 =	vbroadcast v12, $0x0;
	[tilespmem:v10+s25+$0x0] =	vst.idx.msk $0xffff, v9  }
0x2c4: {  	v10 =	vld [tilespmem:s1+$0x8420]  }
0x2c5: {  	v9 =	vadd.s32 v0, v12  }
0x2c6: {  	v12 =	vadd.s32 v11, v9  }
0x2c7: {  	s7 =	sor.u32 $0x30, s6  }
0x2c8: {  	v13 =	vmov s7  }
0x2c9: {  	v13 =	vmul.u32 $0x88, v13;
	v10 =	vadd.f32 v10, v5;
	_ =	sdelay $0x1  }
0x2ca: {  	[tilespmem:v12+s25+$0x0] =	vst.idx.msk $0xffff, v10;
	v10 =	vbroadcast v13, $0x0  }
0x2cb: {  	v12 =	vld [tilespmem:s1+$0x8430]  }
0x2cc: {  	v10 =	vadd.s32 v0, v10  }
0x2cd: {  	v11 =	vadd.s32 v11, v10  }
0x2ce: {  	s16 =	sor.u32 $0x1, s12  }
0x2cf: {  	v33 =	vmov s16  }
0x2d0: {  	v13 =	vshrl.u32 v33, $0x3;
	s1 =	sor.u32 s13, s16;
	v12 =	vadd.f32 v12, v3  }
0x2d1: {  	v13 =	vshll.u32 v13, v1;
	s1 =	sshll.u32 s1, $0x6  }
0x2d2: {  	v13 =	vbroadcast v13, $0x0;
	s1 =	sand.u32 $0x3FFFFE40, s1;
	[tilespmem:v11+s25+$0x0] =	vst.idx.msk $0xffff, v12  }
0x2d3: {  	v11 =	vld [tilespmem:s1+$0x8400]  }
0x2d4: {  	v34 =	vadd.s32 v6, v13  }
0x2d5: {  	v12 =	vor.u32 $0x1, v34;
	_ =	sdelay $0x2  }
0x2d6: {  	v11 =	vadd.f32 v11, v4;
	_ =	sdelay $0x1  }
0x2d7: {  	[tilespmem:v12+s25+$0x0] =	vst.idx.msk $0xffff, v11  }
0x2d8: {  	v11 =	vld [tilespmem:s1+$0x8410]  }
0x2d9: {  	v35 =	vadd.s32 v13, v8  }
0x2da: {  	v12 =	vor.u32 $0x1, v35;
	_ =	sdelay $0x2  }
0x2db: {  	v11 =	vadd.f32 v11, v7;
	_ =	sdelay $0x1  }
0x2dc: {  	[tilespmem:v12+s25+$0x0] =	vst.idx.msk $0xffff, v11  }
0x2dd: {  	v11 =	vld [tilespmem:s1+$0x8420]  }
0x2de: {  	v36 =	vadd.s32 v13, v9  }
0x2df: {  	v12 =	vor.u32 $0x1, v36;
	_ =	sdelay $0x2  }
0x2e0: {  	v11 =	vadd.f32 v11, v5;
	_ =	sdelay $0x1  }
0x2e1: {  	[tilespmem:v12+s25+$0x0] =	vst.idx.msk $0xffff, v11  }
0x2e2: {  	v11 =	vld [tilespmem:s1+$0x8430]  }
0x2e3: {  	v37 =	vadd.s32 v13, v10  }
0x2e4: {  	v12 =	vor.u32 $0x1, v37  }
0x2e5: {  	s17 =	sor.u32 $0x2, s12  }
0x2e6: {  	v38 =	vmov s17  }
0x2e7: {  	v13 =	vshrl.u32 v38, $0x3;
	s1 =	sor.u32 s13, s17;
	v11 =	vadd.f32 v11, v3  }
0x2e8: {  	v13 =	vshll.u32 v13, v1;
	s1 =	sshll.u32 s1, $0x6  }
0x2e9: {  	v13 =	vbroadcast v13, $0x0;
	s1 =	sand.u32 $0x3FFFFE80, s1;
	[tilespmem:v12+s25+$0x0] =	vst.idx.msk $0xffff, v11  }
0x2ea: {  	v11 =	vld [tilespmem:s1+$0x8400]  }
0x2eb: {  	v39 =	vadd.s32 v6, v13  }
0x2ec: {  	v12 =	vor.u32 $0x2, v39;
	_ =	sdelay $0x2  }
0x2ed: {  	v11 =	vadd.f32 v11, v4;
	_ =	sdelay $0x1  }
0x2ee: {  	[tilespmem:v12+s25+$0x0] =	vst.idx.msk $0xffff, v11  }
0x2ef: {  	v11 =	vld [tilespmem:s1+$0x8410]  }
0x2f0: {  	v40 =	vadd.s32 v13, v8  }
0x2f1: {  	v12 =	vor.u32 $0x2, v40;
	_ =	sdelay $0x2  }
0x2f2: {  	v11 =	vadd.f32 v11, v7;
	_ =	sdelay $0x1  }
0x2f3: {  	[tilespmem:v12+s25+$0x0] =	vst.idx.msk $0xffff, v11  }
0x2f4: {  	v11 =	vld [tilespmem:s1+$0x8420]  }
0x2f5: {  	v41 =	vadd.s32 v13, v9  }
0x2f6: {  	v12 =	vor.u32 $0x2, v41;
	_ =	sdelay $0x2  }
0x2f7: {  	v11 =	vadd.f32 v11, v5;
	_ =	sdelay $0x1  }
0x2f8: {  	[tilespmem:v12+s25+$0x0] =	vst.idx.msk $0xffff, v11  }
0x2f9: {  	v11 =	vld [tilespmem:s1+$0x8430]  }
0x2fa: {  	v42 =	vadd.s32 v13, v10  }
0x2fb: {  	v12 =	vor.u32 $0x2, v42  }
0x2fc: {  	s18 =	sor.u32 $0x3, s12  }
0x2fd: {  	v43 =	vmov s18  }
0x2fe: {  	v13 =	vshrl.u32 v43, $0x3;
	s1 =	sor.u32 s13, s18;
	v11 =	vadd.f32 v11, v3  }
0x2ff: {  	v13 =	vshll.u32 v13, v1;
	s1 =	sshll.u32 s1, $0x6  }
0x300: {  	v13 =	vbroadcast v13, $0x0;
	s1 =	sand.u32 $0x3FFFFEC0, s1;
	[tilespmem:v12+s25+$0x0] =	vst.idx.msk $0xffff, v11  }
0x301: {  	v11 =	vld [tilespmem:s1+$0x8400]  }
0x302: {  	v44 =	vadd.s32 v6, v13  }
0x303: {  	v12 =	vor.u32 $0x3, v44;
	_ =	sdelay $0x2  }
0x304: {  	v11 =	vadd.f32 v11, v4;
	_ =	sdelay $0x1  }
0x305: {  	[tilespmem:v12+s25+$0x0] =	vst.idx.msk $0xffff, v11  }
0x306: {  	v11 =	vld [tilespmem:s1+$0x8410]  }
0x307: {  	v45 =	vadd.s32 v13, v8  }
0x308: {  	v12 =	vor.u32 $0x3, v45;
	_ =	sdelay $0x2  }
0x309: {  	v11 =	vadd.f32 v11, v7;
	_ =	sdelay $0x1  }
0x30a: {  	[tilespmem:v12+s25+$0x0] =	vst.idx.msk $0xffff, v11  }
0x30b: {  	v11 =	vld [tilespmem:s1+$0x8420]  }
0x30c: {  	v46 =	vadd.s32 v13, v9  }
0x30d: {  	v12 =	vor.u32 $0x3, v46;
	_ =	sdelay $0x2  }
0x30e: {  	v11 =	vadd.f32 v11, v5;
	_ =	sdelay $0x1  }
0x30f: {  	[tilespmem:v12+s25+$0x0] =	vst.idx.msk $0xffff, v11  }
0x310: {  	v11 =	vld [tilespmem:s1+$0x8430]  }
0x311: {  	v47 =	vadd.s32 v13, v10  }
0x312: {  	v12 =	vor.u32 $0x3, v47  }
0x313: {  	s19 =	sor.u32 $0x4, s12  }
0x314: {  	v48 =	vmov s19  }
0x315: {  	v13 =	vshrl.u32 v48, $0x3;
	s1 =	sor.u32 s13, s19;
	v11 =	vadd.f32 v11, v3  }
0x316: {  	v13 =	vshll.u32 v13, v1;
	s1 =	sshll.u32 s1, $0x6  }
0x317: {  	v13 =	vbroadcast v13, $0x0;
	s1 =	sand.u32 $0x3FFFFF00, s1;
	[tilespmem:v12+s25+$0x0] =	vst.idx.msk $0xffff, v11  }
0x318: {  	v11 =	vld [tilespmem:s1+$0x8400]  }
0x319: {  	v49 =	vadd.s32 v6, v13  }
0x31a: {  	v12 =	vor.u32 $0x4, v49;
	_ =	sdelay $0x2  }
0x31b: {  	v11 =	vadd.f32 v11, v4;
	_ =	sdelay $0x1  }
0x31c: {  	[tilespmem:v12+s25+$0x0] =	vst.idx.msk $0xffff, v11  }
0x31d: {  	v11 =	vld [tilespmem:s1+$0x8410]  }
0x31e: {  	v50 =	vadd.s32 v13, v8  }
0x31f: {  	v12 =	vor.u32 $0x4, v50;
	_ =	sdelay $0x2  }
0x320: {  	v11 =	vadd.f32 v11, v7;
	_ =	sdelay $0x1  }
0x321: {  	[tilespmem:v12+s25+$0x0] =	vst.idx.msk $0xffff, v11  }
0x322: {  	v11 =	vld [tilespmem:s1+$0x8420]  }
0x323: {  	v51 =	vadd.s32 v13, v9  }
0x324: {  	v12 =	vor.u32 $0x4, v51;
	_ =	sdelay $0x2  }
0x325: {  	v11 =	vadd.f32 v11, v5;
	_ =	sdelay $0x1  }
0x326: {  	[tilespmem:v12+s25+$0x0] =	vst.idx.msk $0xffff, v11  }
0x327: {  	v11 =	vld [tilespmem:s1+$0x8430]  }
0x328: {  	v52 =	vadd.s32 v13, v10  }
0x329: {  	v12 =	vor.u32 $0x4, v52  }
0x32a: {  	s21 =	sor.u32 $0x5, s12  }
0x32b: {  	v53 =	vmov s21  }
0x32c: {  	v13 =	vshrl.u32 v53, $0x3;
	s1 =	sor.u32 s13, s21;
	v11 =	vadd.f32 v11, v3  }
0x32d: {  	v13 =	vshll.u32 v13, v1;
	s1 =	sshll.u32 s1, $0x6  }
0x32e: {  	v13 =	vbroadcast v13, $0x0;
	s1 =	sand.u32 $0x3FFFFF40, s1;
	[tilespmem:v12+s25+$0x0] =	vst.idx.msk $0xffff, v11  }
0x32f: {  	v11 =	vld [tilespmem:s1+$0x8400]  }
0x330: {  	v54 =	vadd.s32 v6, v13  }
0x331: {  	v12 =	vor.u32 $0x5, v54;
	_ =	sdelay $0x2  }
0x332: {  	v11 =	vadd.f32 v11, v4;
	_ =	sdelay $0x1  }
0x333: {  	[tilespmem:v12+s25+$0x0] =	vst.idx.msk $0xffff, v11  }
0x334: {  	v11 =	vld [tilespmem:s1+$0x8410]  }
0x335: {  	v55 =	vadd.s32 v13, v8  }
0x336: {  	v12 =	vor.u32 $0x5, v55;
	_ =	sdelay $0x2  }
0x337: {  	v11 =	vadd.f32 v11, v7;
	_ =	sdelay $0x1  }
0x338: {  	[tilespmem:v12+s25+$0x0] =	vst.idx.msk $0xffff, v11  }
0x339: {  	v11 =	vld [tilespmem:s1+$0x8420]  }
0x33a: {  	v56 =	vadd.s32 v13, v9  }
0x33b: {  	v12 =	vor.u32 $0x5, v56;
	_ =	sdelay $0x2  }
0x33c: {  	v11 =	vadd.f32 v11, v5;
	_ =	sdelay $0x1  }
0x33d: {  	[tilespmem:v12+s25+$0x0] =	vst.idx.msk $0xffff, v11  }
0x33e: {  	v11 =	vld [tilespmem:s1+$0x8430]  }
0x33f: {  	v57 =	vadd.s32 v13, v10  }
0x340: {  	v12 =	vor.u32 $0x5, v57  }
0x341: {  	s22 =	sor.u32 $0x6, s12  }
0x342: {  	v58 =	vmov s22  }
0x343: {  	v13 =	vshrl.u32 v58, $0x3;
	s1 =	sor.u32 s13, s22;
	v11 =	vadd.f32 v11, v3  }
0x344: {  	v13 =	vshll.u32 v13, v1;
	s1 =	sshll.u32 s1, $0x6  }
0x345: {  	v13 =	vbroadcast v13, $0x0;
	s1 =	sand.u32 $0x3FFFFF80, s1;
	[tilespmem:v12+s25+$0x0] =	vst.idx.msk $0xffff, v11  }
0x346: {  	v11 =	vld [tilespmem:s1+$0x8400]  }
0x347: {  	v59 =	vadd.s32 v6, v13  }
0x348: {  	v12 =	vor.u32 $0x6, v59;
	_ =	sdelay $0x2  }
0x349: {  	v11 =	vadd.f32 v11, v4;
	_ =	sdelay $0x1  }
0x34a: {  	[tilespmem:v12+s25+$0x0] =	vst.idx.msk $0xffff, v11  }
0x34b: {  	v11 =	vld [tilespmem:s1+$0x8410]  }
0x34c: {  	v60 =	vadd.s32 v13, v8  }
0x34d: {  	v12 =	vor.u32 $0x6, v60;
	_ =	sdelay $0x2  }
0x34e: {  	v11 =	vadd.f32 v11, v7;
	_ =	sdelay $0x1  }
0x34f: {  	[tilespmem:v12+s25+$0x0] =	vst.idx.msk $0xffff, v11  }
0x350: {  	v11 =	vld [tilespmem:s1+$0x8420]  }
0x351: {  	v61 =	vadd.s32 v13, v9  }
0x352: {  	v12 =	vor.u32 $0x6, v61;
	_ =	sdelay $0x2  }
0x353: {  	v11 =	vadd.f32 v11, v5;
	_ =	sdelay $0x1  }
0x354: {  	[tilespmem:v12+s25+$0x0] =	vst.idx.msk $0xffff, v11  }
0x355: {  	v11 =	vld [tilespmem:s1+$0x8430]  }
0x356: {  	v62 =	vadd.s32 v13, v10  }
0x357: {  	v12 =	vor.u32 $0x6, v62  }
0x358: {  	s23 =	sor.u32 $0x7, s12  }
0x359: {  	v63 =	vmov s23  }
0x35a: {  	v13 =	vshrl.u32 v63, $0x3;
	s1 =	sor.u32 s13, s23;
	v11 =	vadd.f32 v11, v3  }
0x35b: {  	v13 =	vshll.u32 v13, v1;
	s1 =	sshll.u32 s1, $0x6  }
0x35c: {  	v13 =	vbroadcast v13, $0x0;
	s1 =	sand.u32 $0x3FFFFFC0, s1;
	[tilespmem:v12+s25+$0x0] =	vst.idx.msk $0xffff, v11  }
0x35d: {  	v11 =	vld [tilespmem:s1+$0x8400]  }
0x35e: {  	v6 =	vadd.s32 v6, v13  }
0x35f: {  	v6 =	vor.u32 $0x7, v6;
	_ =	sdelay $0x2  }
0x360: {  	v4 =	vadd.f32 v11, v4;
	_ =	sdelay $0x1  }
0x361: {  	[tilespmem:v6+s25+$0x0] =	vst.idx.msk $0xffff, v4  }
0x362: {  	v4 =	vld [tilespmem:s1+$0x8410]  }
0x363: {  	v6 =	vadd.s32 v13, v8  }
0x364: {  	v6 =	vor.u32 $0x7, v6;
	_ =	sdelay $0x2  }
0x365: {  	v4 =	vadd.f32 v4, v7;
	_ =	sdelay $0x1  }
0x366: {  	[tilespmem:v6+s25+$0x0] =	vst.idx.msk $0xffff, v4  }
0x367: {  	v4 =	vld [tilespmem:s1+$0x8420]  }
0x368: {  	v6 =	vadd.s32 v13, v9  }
0x369: {  	v6 =	vor.u32 $0x7, v6;
	_ =	sdelay $0x2  }
0x36a: {  	v4 =	vadd.f32 v4, v5;
	_ =	sdelay $0x1  }
0x36b: {  	[tilespmem:v6+s25+$0x0] =	vst.idx.msk $0xffff, v4  }
0x36c: {  	v5 =	vld [tilespmem:s1+$0x8430]  }
0x36d: {  	v4 =	vadd.s32 v13, v10  }
0x36e: {  	s6 =	simm.s32 $0x8;
	s22 =	simm.s32 $0x0;
	v4 =	vor.u32 $0x7, v4  }
0x36f: {  	s15 =	simm.s32 $0x0;
	s16 =	sand.u32 $0x78, s6;
	s29 =	sor.u32 $0x10, s22  }
0x370: {  	s2 =	simm.s32 $0x2;
	s30 =	sor.u32 s16, s15;
	s12 =	sor.u32 $0x7, s16;
	v8 =	vmov s29;
	v7 =	vmov s16;
	v6 =	vmov s22  }
0x371: {  	s7 =	sshll.u32 s30, $0x6;
	s17 =	sor.u32 $0x30, s22;
	s13 =	sor.u32 $0x5, s16;
	v6 =	vmul.u32 $0x88, v6;
	v3 =	vadd.f32 v5, v3;
	v5 =	vshrl.u32 v7, $0x3  }
.LBB2_7:
0x372: {  	s1 =	sor.u32 $0x20, s22  }
0x373: {  	v5 =	vshll.u32 v5, v1;
	s18 =	sor.u32 $0x3, s16;
	s29 =	sor.u32 $0x4, s16;
	v7 =	vmov s13;
	v9 =	vmov s12;
	[tilespmem:v4+s25+$0x0] =	vst.idx.msk $0xffff, v3;
	s11 =	smov.u32 s2  }
0x374: {  	s23 =	sand.u32 $0x3FFFFE00, s7;
	s7 =	sor.u32 $0x1, s16;
	s14 =	sor.u32 $0x6, s16;
	v4 =	vld.idx.msk [tilespmem:v2+s22+$0x0 ss:$0x1], $0xffff;
	v3 =	vbroadcast v6, $0x0;
	v10 =	vbroadcast v5, $0x0;
	v5 =	vshrl.u32 v9, $0x3  }
0x375: {  	s30 =	sor.u32 s15, s13;
	s19 =	sor.u32 s15, s7;
	v9 =	vshrl.u32 v7, $0x3;
	v11 =	vmov s14;
	s13 =	sor.u32 s15, s14;
	v6 =	vld [tilespmem:s23+$0x8400];
	v5 =	vshll.u32 v5, v1  }
0x376: {  	v7 =	vmov s1;
	s14 =	sshll.u32 s30, $0x6;
	s1 =	sor.u32 s15, s12;
	s21 =	sshll.u32 s19, $0x6;
	v12 =	vadd.s32 v0, v3;
	v3 =	vmov s7  }
0x377: {  	v7 =	vmul.u32 $0x88, v7;
	s12 =	sshll.u32 s1, $0x6;
	s7 =	sor.u32 $0x2, s16;
	s16 =	sor.u32 s15, s18;
	v29 =	vbroadcast v5, $0x0;
	v13 =	vadd.s32 v10, v12  }
0x378: {  	v15 =	vmov s18;
	s1 =	sor.u32 s15, s29;
	v5 =	vshrl.u32 v3, $0x3;
	v14 =	vmov s7;
	s7 =	sor.u32 s15, s7;
	s16 =	sshll.u32 s16, $0x6  }
0x379: {  	p0 =	sne.s32 s2, $0x3F;
	s2 =	sadd.s32 $0x1, s2;
	v16 =	vbroadcast v7, $0x0;
	s15 =	sshll.u32 s1, $0x6;
	v17 =	vshll.u32 v5, v1;
	v7 =	vadd.s32 v12, v29;
	v3 =	vld.idx.msk [tilespmem:v2+s22+$0x30 ss:$0x1], $0xffff  }
0x37a: {  	v8 =	vmul.u32 $0x88, v8;
	v17 =	vbroadcast v17, $0x0;
	v5 =	vld.idx.msk [tilespmem:v2+s22+$0x20 ss:$0x1], $0xffff;
	v18 =	vadd.f32 v6, v4  }
0x37b: {  	v15 =	vshrl.u32 v15, $0x3;
	v14 =	vshrl.u32 v14, $0x3;
	v21 =	vadd.s32 v0, v16;
	v6 =	vld.idx.msk [tilespmem:v2+s22+$0x10 ss:$0x1], $0xffff  }
0x37c: {  	v8 =	vbroadcast v8, $0x0;
	v30 =	vadd.s32 v12, v17;
	[tilespmem:v13+s25+$0x0] =	vst.idx.msk $0xffff, v18;
	v13 =	vadd.s32 v10, v21  }
0x37d: {  	v15 =	vshll.u32 v15, v1;
	v14 =	vshll.u32 v14, v1;
	v31 =	vadd.s32 v17, v21;
	v16 =	vld [tilespmem:s23+$0x8410]  }
0x37e: {  	v26 =	vadd.s32 v0, v8;
	v33 =	vbroadcast v15, $0x0;
	v32 =	vbroadcast v14, $0x0  }
0x37f: {  	v15 =	vmov s29;
	v14 =	vadd.s32 v10, v26;
	v34 =	vadd.s32 v17, v26  }
0x380: {  	v35 =	vadd.s32 v12, v32;
	v28 =	vadd.s32 v32, v26;
	v27 =	vadd.s32 v32, v21  }
0x381: {  	v8 =	vadd.s32 v29, v26;
	v25 =	vadd.s32 v12, v33;
	v24 =	vadd.s32 v33, v26  }
0x382: {  	v15 =	vshrl.u32 v15, $0x3;
	v23 =	vadd.s32 v33, v21;
	v16 =	vadd.f32 v16, v6  }
0x383: {  	v9 =	vshll.u32 v9, v1;
	v11 =	vshrl.u32 v11, $0x3;
	v15 =	vshll.u32 v15, v1  }
0x384: {  	v37 =	vbroadcast v9, $0x0;
	v9 =	vshll.u32 v11, v1;
	v36 =	vbroadcast v15, $0x0;
	[tilespmem:v14+s25+$0x0] =	vst.idx.msk $0xffff, v16  }
0x385: {  	v39 =	vbroadcast v9, $0x0;
	v9 =	vadd.s32 v29, v21;
	v38 =	vld [tilespmem:s23+$0x8420]  }
0x386: {  	v22 =	vadd.s32 v12, v36;
	v20 =	vadd.s32 v36, v26;
	v19 =	vadd.s32 v36, v21  }
0x387: {  	v15 =	vadd.s32 v37, v21;
	v18 =	vadd.s32 v12, v37;
	v16 =	vadd.s32 v37, v26  }
0x388: {  	v11 =	vadd.s32 v39, v21;
	v14 =	vadd.s32 v12, v39;
	v12 =	vadd.s32 v39, v26  }
0x389: {  	v21 =	vmov s17  }
0x38a: {  	v21 =	vmul.u32 $0x88, v21;
	v26 =	vadd.f32 v38, v5;
	_ =	sdelay $0x1  }
0x38b: {  	[tilespmem:v13+s25+$0x0] =	vst.idx.msk $0xffff, v26;
	v13 =	vbroadcast v21, $0x0  }
0x38c: {  	v38 =	vld [tilespmem:s23+$0x8430]  }
0x38d: {  	v40 =	vadd.s32 v0, v13  }
0x38e: {  	v41 =	vadd.s32 v10, v40;
	v42 =	vadd.s32 v17, v40;
	v32 =	vadd.s32 v32, v40  }
0x38f: {  	v26 =	vadd.s32 v33, v40;
	v21 =	vadd.s32 v36, v40;
	v17 =	vadd.s32 v37, v40  }
0x390: {  	v13 =	vadd.s32 v39, v40;
	v10 =	vadd.s32 v29, v40  }
0x391: {  	v29 =	vadd.f32 v38, v3;
	_ =	sdelay $0x1  }
0x392: {  	s1 =	sand.u32 $0x3FFFFE40, s21;
	[tilespmem:v41+s25+$0x0] =	vst.idx.msk $0xffff, v29  }
0x393: {  	v29 =	vld [tilespmem:s1+$0x8400];
	_ =	sdelay $0x1  }
0x394: {  	v30 =	vor.u32 $0x1, v30;
	_ =	sdelay $0x2  }
0x395: {  	v29 =	vadd.f32 v29, v4;
	_ =	sdelay $0x1  }
0x396: {  	[tilespmem:v30+s25+$0x0] =	vst.idx.msk $0xffff, v29  }
0x397: {  	v29 =	vld [tilespmem:s1+$0x8410];
	_ =	sdelay $0x1  }
0x398: {  	v30 =	vor.u32 $0x1, v34;
	_ =	sdelay $0x2  }
0x399: {  	v29 =	vadd.f32 v29, v6;
	_ =	sdelay $0x1  }
0x39a: {  	[tilespmem:v30+s25+$0x0] =	vst.idx.msk $0xffff, v29  }
0x39b: {  	v29 =	vld [tilespmem:s1+$0x8420];
	_ =	sdelay $0x1  }
0x39c: {  	v30 =	vor.u32 $0x1, v31;
	_ =	sdelay $0x2  }
0x39d: {  	v29 =	vadd.f32 v29, v5;
	_ =	sdelay $0x1  }
0x39e: {  	[tilespmem:v30+s25+$0x0] =	vst.idx.msk $0xffff, v29  }
0x39f: {  	v29 =	vld [tilespmem:s1+$0x8430];
	_ =	sdelay $0x1  }
0x3a0: {  	v30 =	vor.u32 $0x1, v42;
	_ =	sdelay $0x2  }
0x3a1: {  	v29 =	vadd.f32 v29, v3  }
0x3a2: {  	s1 =	sshll.u32 s7, $0x6  }
0x3a3: {  	s1 =	sand.u32 $0x3FFFFE80, s1;
	[tilespmem:v30+s25+$0x0] =	vst.idx.msk $0xffff, v29  }
0x3a4: {  	v29 =	vld [tilespmem:s1+$0x8400];
	_ =	sdelay $0x1  }
0x3a5: {  	v30 =	vor.u32 $0x2, v35;
	_ =	sdelay $0x2  }
0x3a6: {  	v29 =	vadd.f32 v29, v4;
	_ =	sdelay $0x1  }
0x3a7: {  	[tilespmem:v30+s25+$0x0] =	vst.idx.msk $0xffff, v29  }
0x3a8: {  	v29 =	vld [tilespmem:s1+$0x8410];
	_ =	sdelay $0x1  }
0x3a9: {  	v28 =	vor.u32 $0x2, v28;
	_ =	sdelay $0x2  }
0x3aa: {  	v29 =	vadd.f32 v29, v6;
	_ =	sdelay $0x1  }
0x3ab: {  	[tilespmem:v28+s25+$0x0] =	vst.idx.msk $0xffff, v29  }
0x3ac: {  	v28 =	vld [tilespmem:s1+$0x8420];
	_ =	sdelay $0x1  }
0x3ad: {  	v27 =	vor.u32 $0x2, v27;
	_ =	sdelay $0x2  }
0x3ae: {  	v28 =	vadd.f32 v28, v5;
	_ =	sdelay $0x1  }
0x3af: {  	[tilespmem:v27+s25+$0x0] =	vst.idx.msk $0xffff, v28  }
0x3b0: {  	v27 =	vld [tilespmem:s1+$0x8430];
	_ =	sdelay $0x1  }
0x3b1: {  	v28 =	vor.u32 $0x2, v32;
	_ =	sdelay $0x2  }
0x3b2: {  	v27 =	vadd.f32 v27, v3;
	_ =	sdelay $0x1  }
0x3b3: {  	s1 =	sand.u32 $0x3FFFFEC0, s16;
	[tilespmem:v28+s25+$0x0] =	vst.idx.msk $0xffff, v27  }
0x3b4: {  	v27 =	vld [tilespmem:s1+$0x8400];
	_ =	sdelay $0x1  }
0x3b5: {  	v25 =	vor.u32 $0x3, v25;
	_ =	sdelay $0x2  }
0x3b6: {  	v27 =	vadd.f32 v27, v4;
	_ =	sdelay $0x1  }
0x3b7: {  	[tilespmem:v25+s25+$0x0] =	vst.idx.msk $0xffff, v27  }
0x3b8: {  	v25 =	vld [tilespmem:s1+$0x8410];
	_ =	sdelay $0x1  }
0x3b9: {  	v24 =	vor.u32 $0x3, v24;
	_ =	sdelay $0x2  }
0x3ba: {  	v25 =	vadd.f32 v25, v6;
	_ =	sdelay $0x1  }
0x3bb: {  	[tilespmem:v24+s25+$0x0] =	vst.idx.msk $0xffff, v25  }
0x3bc: {  	v24 =	vld [tilespmem:s1+$0x8420];
	_ =	sdelay $0x1  }
0x3bd: {  	v23 =	vor.u32 $0x3, v23;
	_ =	sdelay $0x2  }
0x3be: {  	v24 =	vadd.f32 v24, v5;
	_ =	sdelay $0x1  }
0x3bf: {  	[tilespmem:v23+s25+$0x0] =	vst.idx.msk $0xffff, v24  }
0x3c0: {  	v23 =	vld [tilespmem:s1+$0x8430];
	_ =	sdelay $0x1  }
0x3c1: {  	v24 =	vor.u32 $0x3, v26;
	_ =	sdelay $0x2  }
0x3c2: {  	v23 =	vadd.f32 v23, v3;
	_ =	sdelay $0x1  }
0x3c3: {  	s1 =	sand.u32 $0x3FFFFF00, s15;
	[tilespmem:v24+s25+$0x0] =	vst.idx.msk $0xffff, v23  }
0x3c4: {  	v23 =	vld [tilespmem:s1+$0x8400];
	_ =	sdelay $0x1  }
0x3c5: {  	v22 =	vor.u32 $0x4, v22;
	_ =	sdelay $0x2  }
0x3c6: {  	v23 =	vadd.f32 v23, v4;
	_ =	sdelay $0x1  }
0x3c7: {  	[tilespmem:v22+s25+$0x0] =	vst.idx.msk $0xffff, v23  }
0x3c8: {  	v22 =	vld [tilespmem:s1+$0x8410];
	_ =	sdelay $0x1  }
0x3c9: {  	v20 =	vor.u32 $0x4, v20;
	_ =	sdelay $0x2  }
0x3ca: {  	v22 =	vadd.f32 v22, v6;
	_ =	sdelay $0x1  }
0x3cb: {  	[tilespmem:v20+s25+$0x0] =	vst.idx.msk $0xffff, v22  }
0x3cc: {  	v20 =	vld [tilespmem:s1+$0x8420];
	_ =	sdelay $0x1  }
0x3cd: {  	v19 =	vor.u32 $0x4, v19;
	_ =	sdelay $0x2  }
0x3ce: {  	v20 =	vadd.f32 v20, v5;
	_ =	sdelay $0x1  }
0x3cf: {  	[tilespmem:v19+s25+$0x0] =	vst.idx.msk $0xffff, v20  }
0x3d0: {  	v19 =	vld [tilespmem:s1+$0x8430];
	_ =	sdelay $0x1  }
0x3d1: {  	v20 =	vor.u32 $0x4, v21;
	_ =	sdelay $0x2  }
0x3d2: {  	v19 =	vadd.f32 v19, v3;
	_ =	sdelay $0x1  }
0x3d3: {  	s1 =	sand.u32 $0x3FFFFF40, s14;
	[tilespmem:v20+s25+$0x0] =	vst.idx.msk $0xffff, v19  }
0x3d4: {  	v19 =	vld [tilespmem:s1+$0x8400];
	_ =	sdelay $0x1  }
0x3d5: {  	v18 =	vor.u32 $0x5, v18;
	_ =	sdelay $0x2  }
0x3d6: {  	v19 =	vadd.f32 v19, v4;
	_ =	sdelay $0x1  }
0x3d7: {  	[tilespmem:v18+s25+$0x0] =	vst.idx.msk $0xffff, v19  }
0x3d8: {  	v18 =	vld [tilespmem:s1+$0x8410];
	_ =	sdelay $0x1  }
0x3d9: {  	v16 =	vor.u32 $0x5, v16;
	_ =	sdelay $0x2  }
0x3da: {  	v18 =	vadd.f32 v18, v6;
	_ =	sdelay $0x1  }
0x3db: {  	[tilespmem:v16+s25+$0x0] =	vst.idx.msk $0xffff, v18  }
0x3dc: {  	v16 =	vld [tilespmem:s1+$0x8420];
	_ =	sdelay $0x1  }
0x3dd: {  	v15 =	vor.u32 $0x5, v15;
	_ =	sdelay $0x2  }
0x3de: {  	v16 =	vadd.f32 v16, v5;
	_ =	sdelay $0x1  }
0x3df: {  	[tilespmem:v15+s25+$0x0] =	vst.idx.msk $0xffff, v16  }
0x3e0: {  	v15 =	vld [tilespmem:s1+$0x8430];
	_ =	sdelay $0x1  }
0x3e1: {  	v16 =	vor.u32 $0x5, v17;
	_ =	sdelay $0x2  }
0x3e2: {  	v15 =	vadd.f32 v15, v3  }
0x3e3: {  	s1 =	sshll.u32 s13, $0x6  }
0x3e4: {  	s1 =	sand.u32 $0x3FFFFF80, s1;
	[tilespmem:v16+s25+$0x0] =	vst.idx.msk $0xffff, v15  }
0x3e5: {  	v15 =	vld [tilespmem:s1+$0x8400];
	_ =	sdelay $0x1  }
0x3e6: {  	v14 =	vor.u32 $0x6, v14;
	_ =	sdelay $0x2  }
0x3e7: {  	v15 =	vadd.f32 v15, v4;
	_ =	sdelay $0x1  }
0x3e8: {  	[tilespmem:v14+s25+$0x0] =	vst.idx.msk $0xffff, v15  }
0x3e9: {  	v14 =	vld [tilespmem:s1+$0x8410];
	_ =	sdelay $0x1  }
0x3ea: {  	v12 =	vor.u32 $0x6, v12;
	_ =	sdelay $0x2  }
0x3eb: {  	v14 =	vadd.f32 v14, v6;
	_ =	sdelay $0x1  }
0x3ec: {  	[tilespmem:v12+s25+$0x0] =	vst.idx.msk $0xffff, v14  }
0x3ed: {  	v12 =	vld [tilespmem:s1+$0x8420];
	_ =	sdelay $0x1  }
0x3ee: {  	v11 =	vor.u32 $0x6, v11;
	_ =	sdelay $0x2  }
0x3ef: {  	v12 =	vadd.f32 v12, v5;
	_ =	sdelay $0x1  }
0x3f0: {  	[tilespmem:v11+s25+$0x0] =	vst.idx.msk $0xffff, v12  }
0x3f1: {  	v11 =	vld [tilespmem:s1+$0x8430];
	_ =	sdelay $0x1  }
0x3f2: {  	v12 =	vor.u32 $0x6, v13;
	_ =	sdelay $0x2  }
0x3f3: {  	v11 =	vadd.f32 v11, v3;
	_ =	sdelay $0x1  }
0x3f4: {  	s1 =	sand.u32 $0x3FFFFFC0, s12;
	[tilespmem:v12+s25+$0x0] =	vst.idx.msk $0xffff, v11  }
0x3f5: {  	v11 =	vld [tilespmem:s1+$0x8400];
	_ =	sdelay $0x1  }
0x3f6: {  	v7 =	vor.u32 $0x7, v7;
	_ =	sdelay $0x2  }
0x3f7: {  	v4 =	vadd.f32 v11, v4;
	_ =	sdelay $0x1  }
0x3f8: {  	[tilespmem:v7+s25+$0x0] =	vst.idx.msk $0xffff, v4  }
0x3f9: {  	v4 =	vld [tilespmem:s1+$0x8410];
	_ =	sdelay $0x1  }
0x3fa: {  	v7 =	vor.u32 $0x7, v8;
	_ =	sdelay $0x2  }
0x3fb: {  	v4 =	vadd.f32 v4, v6;
	_ =	sdelay $0x1  }
0x3fc: {  	[tilespmem:v7+s25+$0x0] =	vst.idx.msk $0xffff, v4  }
0x3fd: {  	v4 =	vld [tilespmem:s1+$0x8420];
	_ =	sdelay $0x1  }
0x3fe: {  	v6 =	vor.u32 $0x7, v9;
	_ =	sdelay $0x2  }
0x3ff: {  	v4 =	vadd.f32 v4, v5;
	_ =	sdelay $0x1  }
0x400: {  	[tilespmem:v6+s25+$0x0] =	vst.idx.msk $0xffff, v4  }
0x401: {  	v5 =	vld [tilespmem:s1+$0x8430];
	_ =	sdelay $0x1  }
.Ltmp2:
0x402: {  	v4 =	vor.u32 $0x7, v10;
	(pc) =	sbr.rel @p0 .LBB2_7-.Ltmp2, $4  }
0x403: {  	s6 =	sadd.s32 $0x8, s6;
	s1 =	sshrl.u32 s11, $0x4  }
0x404: {  	s16 =	sand.u32 $0x78, s6;
	s22 =	sshll.u32 s1, $0x6;
	s15 =	sshll.u32 s1, $0x7  }
0x405: {  	s12 =	sor.u32 $0x7, s16;
	v7 =	vmov s16;
	v6 =	vmov s22;
	s1 =	sor.u32 $0x10, s22;
	s7 =	sor.u32 s16, s15;
	v3 =	vadd.f32 v5, v3  }
0x406: {  	s13 =	sor.u32 $0x5, s16;
	s17 =	sor.u32 $0x30, s22;
	v8 =	vmov s1;
	s7 =	sshll.u32 s7, $0x6;
	v6 =	vmul.u32 $0x88, v6;
	v5 =	vshrl.u32 v7, $0x3  }
0x407: {  	_ =	sdelay $0x3  }
0x408: {  	[tilespmem:v4+s25+$0x0] =	vst.idx.msk $0xffff, v3  }
0x409: {  	v3 =	vshll.u32 v5, v1;
	s1 =	sand.u32 $0x3FFFFE00, s7;
	v22 =	vld.idx.msk [tilespmem:v2+s22+$0x0 ss:$0x1], $0xffff;
	v23 =	vbroadcast v6, $0x0  }
0x40a: {  	v10 =	vbroadcast v3, $0x0;
	v7 =	vld [tilespmem:s1+$0x8400]  }
0x40b: {  	v6 =	vadd.s32 v0, v23  }
0x40c: {  	v9 =	vadd.s32 v10, v6;
	_ =	sdelay $0x2  }
0x40d: {  	v8 =	vmul.u32 $0x88, v8;
	v3 =	vld.idx.msk [tilespmem:v2+s22+$0x30 ss:$0x1], $0xffff;
	v7 =	vadd.f32 v7, v22  }
0x40e: {  	v24 =	vld.idx.msk [tilespmem:v2+s22+$0x20 ss:$0x1], $0xffff  }
0x40f: {  	v2 =	vld.idx.msk [tilespmem:v2+s22+$0x10 ss:$0x1], $0xffff;
	v25 =	vbroadcast v8, $0x0;
	[tilespmem:v9+s25+$0x0] =	vst.idx.msk $0xffff, v7  }
0x410: {  	v26 =	vld [tilespmem:s1+$0x8410]  }
0x411: {  	v7 =	vadd.s32 v0, v25  }
0x412: {  	v27 =	vadd.s32 v10, v7  }
0x413: {  	s2 =	sor.u32 $0x20, s22  }
0x414: {  	v11 =	vmov s2  }
0x415: {  	v11 =	vmul.u32 $0x88, v11;
	v8 =	vadd.f32 v26, v2;
	_ =	sdelay $0x1  }
0x416: {  	v11 =	vbroadcast v11, $0x0;
	[tilespmem:v27+s25+$0x0] =	vst.idx.msk $0xffff, v8  }
0x417: {  	v9 =	vld [tilespmem:s1+$0x8420]  }
0x418: {  	v28 =	vadd.s32 v0, v11  }
0x419: {  	v11 =	vadd.s32 v10, v28;
	_ =	sdelay $0x1  }
0x41a: {  	v12 =	vmov s17  }
0x41b: {  	v12 =	vmul.u32 $0x88, v12;
	v9 =	vadd.f32 v9, v24;
	_ =	sdelay $0x1  }
0x41c: {  	v29 =	vbroadcast v12, $0x0;
	[tilespmem:v11+s25+$0x0] =	vst.idx.msk $0xffff, v9  }
0x41d: {  	v11 =	vld [tilespmem:s1+$0x8430]  }
0x41e: {  	v9 =	vadd.s32 v0, v29  }
0x41f: {  	v10 =	vadd.s32 v10, v9  }
0x420: {  	s22 =	sor.u32 $0x1, s16  }
0x421: {  	v30 =	vmov s22  }
0x422: {  	v12 =	vshrl.u32 v30, $0x3;
	s1 =	sor.u32 s15, s22;
	v11 =	vadd.f32 v11, v3  }
0x423: {  	v12 =	vshll.u32 v12, v1;
	s1 =	sshll.u32 s1, $0x6  }
0x424: {  	v12 =	vbroadcast v12, $0x0;
	s1 =	sand.u32 $0x3FFFFE40, s1;
	[tilespmem:v10+s25+$0x0] =	vst.idx.msk $0xffff, v11  }
0x425: {  	v10 =	vld [tilespmem:s1+$0x8400]  }
0x426: {  	v31 =	vadd.s32 v6, v12  }
0x427: {  	v11 =	vor.u32 $0x1, v31;
	_ =	sdelay $0x2  }
0x428: {  	v10 =	vadd.f32 v10, v22;
	_ =	sdelay $0x1  }
0x429: {  	[tilespmem:v11+s25+$0x0] =	vst.idx.msk $0xffff, v10  }
0x42a: {  	v10 =	vld [tilespmem:s1+$0x8410]  }
0x42b: {  	v32 =	vadd.s32 v12, v7  }
0x42c: {  	v11 =	vor.u32 $0x1, v32;
	_ =	sdelay $0x2  }
0x42d: {  	v10 =	vadd.f32 v10, v2;
	_ =	sdelay $0x1  }
0x42e: {  	[tilespmem:v11+s25+$0x0] =	vst.idx.msk $0xffff, v10  }
0x42f: {  	v10 =	vld [tilespmem:s1+$0x8420]  }
0x430: {  	v33 =	vadd.s32 v12, v28  }
0x431: {  	v11 =	vor.u32 $0x1, v33;
	_ =	sdelay $0x2  }
0x432: {  	v10 =	vadd.f32 v10, v24;
	_ =	sdelay $0x1  }
0x433: {  	[tilespmem:v11+s25+$0x0] =	vst.idx.msk $0xffff, v10  }
0x434: {  	v10 =	vld [tilespmem:s1+$0x8430]  }
0x435: {  	v34 =	vadd.s32 v12, v9  }
0x436: {  	v11 =	vor.u32 $0x1, v34  }
0x437: {  	s23 =	sor.u32 $0x2, s16  }
0x438: {  	v35 =	vmov s23  }
0x439: {  	v12 =	vshrl.u32 v35, $0x3;
	s1 =	sor.u32 s15, s23;
	v10 =	vadd.f32 v10, v3  }
0x43a: {  	v12 =	vshll.u32 v12, v1;
	s1 =	sshll.u32 s1, $0x6  }
0x43b: {  	v12 =	vbroadcast v12, $0x0;
	s1 =	sand.u32 $0x3FFFFE80, s1;
	[tilespmem:v11+s25+$0x0] =	vst.idx.msk $0xffff, v10  }
0x43c: {  	v10 =	vld [tilespmem:s1+$0x8400]  }
0x43d: {  	v36 =	vadd.s32 v6, v12  }
0x43e: {  	v11 =	vor.u32 $0x2, v36;
	_ =	sdelay $0x2  }
0x43f: {  	v10 =	vadd.f32 v10, v22;
	_ =	sdelay $0x1  }
0x440: {  	[tilespmem:v11+s25+$0x0] =	vst.idx.msk $0xffff, v10  }
0x441: {  	v10 =	vld [tilespmem:s1+$0x8410]  }
0x442: {  	v37 =	vadd.s32 v12, v7  }
0x443: {  	v11 =	vor.u32 $0x2, v37;
	_ =	sdelay $0x2  }
0x444: {  	v10 =	vadd.f32 v10, v2;
	_ =	sdelay $0x1  }
0x445: {  	[tilespmem:v11+s25+$0x0] =	vst.idx.msk $0xffff, v10  }
0x446: {  	v10 =	vld [tilespmem:s1+$0x8420]  }
0x447: {  	v38 =	vadd.s32 v12, v28  }
0x448: {  	v11 =	vor.u32 $0x2, v38;
	_ =	sdelay $0x2  }
0x449: {  	v10 =	vadd.f32 v10, v24;
	_ =	sdelay $0x1  }
0x44a: {  	[tilespmem:v11+s25+$0x0] =	vst.idx.msk $0xffff, v10  }
0x44b: {  	v10 =	vld [tilespmem:s1+$0x8430]  }
0x44c: {  	v39 =	vadd.s32 v12, v9  }
0x44d: {  	v11 =	vor.u32 $0x2, v39  }
0x44e: {  	s29 =	sor.u32 $0x3, s16  }
0x44f: {  	v40 =	vmov s29  }
0x450: {  	v12 =	vshrl.u32 v40, $0x3;
	s1 =	sor.u32 s15, s29;
	v10 =	vadd.f32 v10, v3  }
0x451: {  	v12 =	vshll.u32 v12, v1;
	s1 =	sshll.u32 s1, $0x6  }
0x452: {  	v12 =	vbroadcast v12, $0x0;
	s1 =	sand.u32 $0x3FFFFEC0, s1;
	[tilespmem:v11+s25+$0x0] =	vst.idx.msk $0xffff, v10  }
0x453: {  	v10 =	vld [tilespmem:s1+$0x8400]  }
0x454: {  	v41 =	vadd.s32 v6, v12  }
0x455: {  	v11 =	vor.u32 $0x3, v41;
	_ =	sdelay $0x2  }
0x456: {  	v10 =	vadd.f32 v10, v22;
	_ =	sdelay $0x1  }
0x457: {  	[tilespmem:v11+s25+$0x0] =	vst.idx.msk $0xffff, v10  }
0x458: {  	v10 =	vld [tilespmem:s1+$0x8410]  }
0x459: {  	v42 =	vadd.s32 v12, v7  }
0x45a: {  	v11 =	vor.u32 $0x3, v42;
	_ =	sdelay $0x2  }
0x45b: {  	v10 =	vadd.f32 v10, v2;
	_ =	sdelay $0x1  }
0x45c: {  	[tilespmem:v11+s25+$0x0] =	vst.idx.msk $0xffff, v10  }
0x45d: {  	v10 =	vld [tilespmem:s1+$0x8420]  }
0x45e: {  	v43 =	vadd.s32 v12, v28  }
0x45f: {  	v11 =	vor.u32 $0x3, v43;
	_ =	sdelay $0x2  }
0x460: {  	v10 =	vadd.f32 v10, v24;
	_ =	sdelay $0x1  }
0x461: {  	[tilespmem:v11+s25+$0x0] =	vst.idx.msk $0xffff, v10  }
0x462: {  	v10 =	vld [tilespmem:s1+$0x8430]  }
0x463: {  	v44 =	vadd.s32 v12, v9  }
0x464: {  	v11 =	vor.u32 $0x3, v44  }
0x465: {  	s30 =	sor.u32 $0x4, s16  }
0x466: {  	v45 =	vmov s30  }
0x467: {  	v12 =	vshrl.u32 v45, $0x3;
	s1 =	sor.u32 s15, s30;
	v10 =	vadd.f32 v10, v3  }
0x468: {  	v12 =	vshll.u32 v12, v1;
	s1 =	sshll.u32 s1, $0x6  }
0x469: {  	v12 =	vbroadcast v12, $0x0;
	s1 =	sand.u32 $0x3FFFFF00, s1;
	[tilespmem:v11+s25+$0x0] =	vst.idx.msk $0xffff, v10  }
0x46a: {  	v10 =	vld [tilespmem:s1+$0x8400]  }
0x46b: {  	v46 =	vadd.s32 v6, v12  }
0x46c: {  	v11 =	vor.u32 $0x4, v46;
	_ =	sdelay $0x2  }
0x46d: {  	v10 =	vadd.f32 v10, v22;
	_ =	sdelay $0x1  }
0x46e: {  	[tilespmem:v11+s25+$0x0] =	vst.idx.msk $0xffff, v10  }
0x46f: {  	v10 =	vld [tilespmem:s1+$0x8410]  }
0x470: {  	v47 =	vadd.s32 v12, v7  }
0x471: {  	v11 =	vor.u32 $0x4, v47;
	_ =	sdelay $0x2  }
0x472: {  	v10 =	vadd.f32 v10, v2;
	_ =	sdelay $0x1  }
0x473: {  	[tilespmem:v11+s25+$0x0] =	vst.idx.msk $0xffff, v10  }
0x474: {  	v10 =	vld [tilespmem:s1+$0x8420]  }
0x475: {  	v48 =	vadd.s32 v12, v28  }
0x476: {  	v11 =	vor.u32 $0x4, v48;
	_ =	sdelay $0x2  }
0x477: {  	v10 =	vadd.f32 v10, v24;
	_ =	sdelay $0x1  }
0x478: {  	[tilespmem:v11+s25+$0x0] =	vst.idx.msk $0xffff, v10  }
0x479: {  	v10 =	vld [tilespmem:s1+$0x8430]  }
0x47a: {  	v49 =	vadd.s32 v12, v9  }
0x47b: {  	v11 =	vor.u32 $0x4, v49;
	_ =	sdelay $0x1  }
0x47c: {  	v50 =	vmov s13  }
0x47d: {  	s2 =	sor.u32 s15, s13;
	v12 =	vshrl.u32 v50, $0x3;
	v10 =	vadd.f32 v10, v3  }
0x47e: {  	v12 =	vshll.u32 v12, v1;
	s1 =	sshll.u32 s2, $0x6  }
0x47f: {  	v12 =	vbroadcast v12, $0x0;
	s1 =	sand.u32 $0x3FFFFF40, s1;
	[tilespmem:v11+s25+$0x0] =	vst.idx.msk $0xffff, v10  }
0x480: {  	v10 =	vld [tilespmem:s1+$0x8400]  }
0x481: {  	v51 =	vadd.s32 v6, v12  }
0x482: {  	v11 =	vor.u32 $0x5, v51;
	_ =	sdelay $0x2  }
0x483: {  	v10 =	vadd.f32 v10, v22;
	_ =	sdelay $0x1  }
0x484: {  	[tilespmem:v11+s25+$0x0] =	vst.idx.msk $0xffff, v10  }
0x485: {  	v10 =	vld [tilespmem:s1+$0x8410]  }
0x486: {  	v52 =	vadd.s32 v12, v7  }
0x487: {  	v11 =	vor.u32 $0x5, v52;
	_ =	sdelay $0x2  }
0x488: {  	v10 =	vadd.f32 v10, v2;
	_ =	sdelay $0x1  }
0x489: {  	[tilespmem:v11+s25+$0x0] =	vst.idx.msk $0xffff, v10  }
0x48a: {  	v10 =	vld [tilespmem:s1+$0x8420]  }
0x48b: {  	v53 =	vadd.s32 v12, v28  }
0x48c: {  	v11 =	vor.u32 $0x5, v53;
	_ =	sdelay $0x2  }
0x48d: {  	v10 =	vadd.f32 v10, v24;
	_ =	sdelay $0x1  }
0x48e: {  	[tilespmem:v11+s25+$0x0] =	vst.idx.msk $0xffff, v10  }
0x48f: {  	v10 =	vld [tilespmem:s1+$0x8430]  }
0x490: {  	v54 =	vadd.s32 v12, v9  }
0x491: {  	v11 =	vor.u32 $0x5, v54  }
0x492: {  	s6 =	sor.u32 $0x6, s16  }
0x493: {  	v55 =	vmov s6  }
0x494: {  	v12 =	vshrl.u32 v55, $0x3;
	s1 =	sor.u32 s15, s6;
	v10 =	vadd.f32 v10, v3  }
0x495: {  	v12 =	vshll.u32 v12, v1;
	s1 =	sshll.u32 s1, $0x6  }
0x496: {  	v12 =	vbroadcast v12, $0x0;
	s1 =	sand.u32 $0x3FFFFF80, s1;
	[tilespmem:v11+s25+$0x0] =	vst.idx.msk $0xffff, v10  }
0x497: {  	v10 =	vld [tilespmem:s1+$0x8400]  }
0x498: {  	v56 =	vadd.s32 v6, v12  }
0x499: {  	v11 =	vor.u32 $0x6, v56;
	_ =	sdelay $0x2  }
0x49a: {  	v10 =	vadd.f32 v10, v22;
	_ =	sdelay $0x1  }
0x49b: {  	[tilespmem:v11+s25+$0x0] =	vst.idx.msk $0xffff, v10  }
0x49c: {  	v10 =	vld [tilespmem:s1+$0x8410]  }
0x49d: {  	v57 =	vadd.s32 v12, v7  }
0x49e: {  	v11 =	vor.u32 $0x6, v57;
	_ =	sdelay $0x2  }
0x49f: {  	v10 =	vadd.f32 v10, v2;
	_ =	sdelay $0x1  }
0x4a0: {  	[tilespmem:v11+s25+$0x0] =	vst.idx.msk $0xffff, v10  }
0x4a1: {  	v10 =	vld [tilespmem:s1+$0x8420]  }
0x4a2: {  	v58 =	vadd.s32 v12, v28  }
0x4a3: {  	v11 =	vor.u32 $0x6, v58;
	_ =	sdelay $0x2  }
0x4a4: {  	v10 =	vadd.f32 v10, v24;
	_ =	sdelay $0x1  }
0x4a5: {  	[tilespmem:v11+s25+$0x0] =	vst.idx.msk $0xffff, v10  }
0x4a6: {  	v10 =	vld [tilespmem:s1+$0x8430]  }
0x4a7: {  	v59 =	vadd.s32 v12, v9  }
0x4a8: {  	v11 =	vor.u32 $0x6, v59;
	_ =	sdelay $0x1  }
0x4a9: {  	v60 =	vmov s12  }
0x4aa: {  	s7 =	sor.u32 s15, s12;
	v12 =	vshrl.u32 v60, $0x3;
	v10 =	vadd.f32 v10, v3  }
0x4ab: {  	v12 =	vshll.u32 v12, v1;
	s1 =	sshll.u32 s7, $0x6  }
0x4ac: {  	v12 =	vbroadcast v12, $0x0;
	s1 =	sand.u32 $0x3FFFFFC0, s1;
	[tilespmem:v11+s25+$0x0] =	vst.idx.msk $0xffff, v10  }
0x4ad: {  	v10 =	vld [tilespmem:s1+$0x8400]  }
0x4ae: {  	v6 =	vadd.s32 v6, v12  }
0x4af: {  	v6 =	vor.u32 $0x7, v6;
	_ =	sdelay $0x2  }
0x4b0: {  	v5 =	vadd.f32 v10, v22;
	_ =	sdelay $0x1  }
0x4b1: {  	[tilespmem:v6+s25+$0x0] =	vst.idx.msk $0xffff, v5  }
0x4b2: {  	v5 =	vld [tilespmem:s1+$0x8410]  }
0x4b3: {  	v61 =	vadd.s32 v12, v7  }
0x4b4: {  	v6 =	vor.u32 $0x7, v61;
	_ =	sdelay $0x2  }
0x4b5: {  	v2 =	vadd.f32 v5, v2;
	_ =	sdelay $0x1  }
0x4b6: {  	[tilespmem:v6+s25+$0x0] =	vst.idx.msk $0xffff, v2  }
0x4b7: {  	v2 =	vld [tilespmem:s1+$0x8420]  }
0x4b8: {  	v62 =	vadd.s32 v12, v28  }
0x4b9: {  	v5 =	vor.u32 $0x7, v62;
	_ =	sdelay $0x2  }
0x4ba: {  	v2 =	vadd.f32 v2, v24;
	_ =	sdelay $0x1  }
0x4bb: {  	[tilespmem:v5+s25+$0x0] =	vst.idx.msk $0xffff, v2  }
0x4bc: {  	v2 =	vld [tilespmem:s1+$0x8430]  }
0x4bd: {  	v63 =	vadd.s32 v12, v9  }
0x4be: {  	v4 =	vor.u32 $0x7, v63;
	_ =	sdelay $0x1  }
0x4bf: {  	s0 =	sshll.u32 s0, $0x14  }
0x4c0: {  	s0 =	sor.u32 s20, s0;
	v2 =	vadd.f32 v2, v3  }
0x4c1: {  	s11 =	rddreg [dreg:$0x1];
	s0 =	sshrl.u32 s0, $0x3  }
0x4c2: {  	s12 =	simm.s32 $0x10400;
	s1 =	sadd.s32 s11, s0;
	[tilespmem:v4+s25+$0x0] =	vst.idx.msk $0xffff, v2  }
0x4c3: {  	[hbm4b:s1+s3] =	stream.linear.scatter [tilespmem:s12], [sflag:$0x4], $0x80, $0x38;
	[tilespmem:$0x1BE00] =	vst v63  }
0x4c4: {  	s13 =	simm.s32 $0x10488;
	s14 =	sadd.s32 $0x10, s1  }
0x4c5: {  	[hbm4b:s14+s3] =	stream.linear.scatter [tilespmem:s13], [sflag:$0x4], $0x80, $0x38;
	[tilespmem:$0x1BE00] =	vst v63  }
0x4c6: {  	s17 =	simm.s32 $0x10598;
	s15 =	simm.s32 $0x10510;
	s16 =	sadd.s32 $0x20, s1  }
0x4c7: {  	[hbm4b:s16+s3] =	stream.linear.scatter [tilespmem:s15], [sflag:$0x4], $0x80, $0x38;
	[tilespmem:$0x1BE00] =	vst v63  }
0x4c8: {  	s19 =	simm.s32 $0x10620;
	s22 =	simm.s32 $0x106A8;
	s18 =	sadd.s32 $0x30, s1  }
0x4c9: {  	[hbm4b:s18+s3] =	stream.linear.scatter [tilespmem:s17], [sflag:$0x4], $0x80, $0x38;
	[tilespmem:$0x1BE00] =	vst v63  }
0x4ca: {  	s29 =	simm.s32 $0x10730;
	s6 =	simm.s32 $0x2200;
	s21 =	sadd.s32 $0x40, s1  }
0x4cb: {  	[hbm4b:s21+s3] =	stream.linear.scatter [tilespmem:s19], [sflag:$0x4], $0x80, $0x38;
	[tilespmem:$0x1BE00] =	vst v63  }
0x4cc: {  	s7 =	simm.s32 $0x107B8;
	s0 =	simm.s32 $0x440;
	s23 =	sadd.s32 $0x50, s1  }
0x4cd: {  	[hbm4b:s23+s3] =	stream.linear.scatter [tilespmem:s22], [sflag:$0x4], $0x80, $0x38;
	[tilespmem:$0x1BE00] =	vst v63  }
0x4ce: {  	s30 =	sadd.s32 $0x60, s1;
	s11 =	sadd.s32 $0x70, s1;
	s2 =	sadd.s32 $0x1000, s1  }
0x4cf: {  	[hbm4b:s30+s3] =	stream.linear.scatter [tilespmem:s29], [sflag:$0x4], $0x80, $0x38;
	[tilespmem:$0x1BE00] =	vst v63  }
.LBB2_9:
0x4d0: {  	[hbm4b:s11+s3] =	stream.linear.scatter [tilespmem:s7], [sflag:$0x4], $0x80, $0x38;
	[tilespmem:$0x1BE00] =	vst v63  }
0x4d1: {  	s1 =	smov.u32 s0;
	s0 =	smov.u32 s6  }
0x4d2: {  	s12 =	sadd.s32 $0x1100, s6;
	s0 =	sshra.s32 s0, $0x2;
	s7 =	sadd.s32 $0x10400, s1  }
0x4d3: {  	[hbm4b:s2+s3] =	stream.linear.scatter [tilespmem:s7], [sflag:$0x4], $0x80, $0x38;
	[tilespmem:$0x1BE00] =	vst v63  }
0x4d4: {  	p0 =	sne.s32 s6, $0x20F00;
	s6 =	sadd.s32 $0x10488, s1;
	s7 =	sadd.s32 $0x10, s2  }
0x4d5: {  	[hbm4b:s7+s3] =	stream.linear.scatter [tilespmem:s6], [sflag:$0x4], $0x80, $0x38;
	[tilespmem:$0x1BE00] =	vst v63  }
0x4d6: {  	s6 =	sadd.s32 $0x10510, s1;
	s7 =	sadd.s32 $0x20, s2  }
0x4d7: {  	[hbm4b:s7+s3] =	stream.linear.scatter [tilespmem:s6], [sflag:$0x4], $0x80, $0x38;
	[tilespmem:$0x1BE00] =	vst v63  }
0x4d8: {  	s6 =	sadd.s32 $0x10598, s1;
	s7 =	sadd.s32 $0x30, s2  }
0x4d9: {  	[hbm4b:s7+s3] =	stream.linear.scatter [tilespmem:s6], [sflag:$0x4], $0x80, $0x38;
	[tilespmem:$0x1BE00] =	vst v63  }
0x4da: {  	s6 =	sadd.s32 $0x10620, s1;
	s7 =	sadd.s32 $0x40, s2  }
0x4db: {  	[hbm4b:s7+s3] =	stream.linear.scatter [tilespmem:s6], [sflag:$0x4], $0x80, $0x38;
	[tilespmem:$0x1BE00] =	vst v63  }
.Ltmp3:
0x4dc: {  	s6 =	sadd.s32 $0x106A8, s1;
	s7 =	sadd.s32 $0x50, s2;
	(pc) =	sbr.rel @p0 .LBB2_9-.Ltmp3, $4  }
0x4dd: {  	[hbm4b:s7+s3] =	stream.linear.scatter [tilespmem:s6], [sflag:$0x4], $0x80, $0x38;
	[tilespmem:$0x1BE00] =	vst v63  }
0x4de: {  	s11 =	sadd.s32 $0x70, s2;
	s6 =	sadd.s32 $0x10730, s1;
	s7 =	sadd.s32 $0x60, s2  }
0x4df: {  	[hbm4b:s7+s3] =	stream.linear.scatter [tilespmem:s6], [sflag:$0x4], $0x80, $0x38;
	[tilespmem:$0x1BE00] =	vst v63  }
0x4e0: {  	s2 =	sadd.s32 $0x1000, s2;
	s7 =	sadd.s32 $0x107B8, s1;
	s6 =	smov.u32 s12  }
0x4e1: {  	[hbm4b:s11+s3] =	stream.linear.scatter [tilespmem:s7], [sflag:$0x4], $0x80, $0x38;
	[tilespmem:$0x1BE00] =	vst v63  }
0x4e2: {  	s1 =	sadd.s32 $0x10400, s0  }
0x4e3: {  	[hbm4b:s2+s3] =	stream.linear.scatter [tilespmem:s1], [sflag:$0x4], $0x80, $0x38;
	[tilespmem:$0x1BE00] =	vst v63  }
0x4e4: {  	s12 =	sadd.s32 $0x10488, s0;
	s6 =	sadd.s32 $0x10, s2  }
0x4e5: {  	[hbm4b:s6+s3] =	stream.linear.scatter [tilespmem:s12], [sflag:$0x4], $0x80, $0x38;
	[tilespmem:$0x1BE00] =	vst v63  }
0x4e6: {  	s13 =	sadd.s32 $0x10510, s0;
	s14 =	sadd.s32 $0x20, s2  }
0x4e7: {  	[hbm4b:s14+s3] =	stream.linear.scatter [tilespmem:s13], [sflag:$0x4], $0x80, $0x38;
	[tilespmem:$0x1BE00] =	vst v63  }
0x4e8: {  	s15 =	sadd.s32 $0x10598, s0;
	s16 =	sadd.s32 $0x30, s2  }
0x4e9: {  	[hbm4b:s16+s3] =	stream.linear.scatter [tilespmem:s15], [sflag:$0x4], $0x80, $0x38;
	[tilespmem:$0x1BE00] =	vst v63  }
0x4ea: {  	s17 =	sadd.s32 $0x10620, s0;
	s18 =	sadd.s32 $0x40, s2;
	s31 =	sadd.s32 $0x1, s31  }
0x4eb: {  	[hbm4b:s18+s3] =	stream.linear.scatter [tilespmem:s17], [sflag:$0x4], $0x80, $0x38;
	[tilespmem:$0x1BE00] =	vst v63  }
0x4ec: {  	s19 =	sadd.s32 $0x106A8, s0;
	s21 =	sadd.s32 $0x50, s2;
	p0 =	sne.s32 s31, $0x19  }
0x4ed: {  	[hbm4b:s21+s3] =	stream.linear.scatter [tilespmem:s19], [sflag:$0x4], $0x80, $0x38;
	[tilespmem:$0x1BE00] =	vst v63  }
.Ltmp4:
0x4ee: {  	_ = 	snop;
	(pc) =	sbr.rel @p0 .LBB2_2-.Ltmp4, $4  }
0x4ef: {  	s22 =	sadd.s32 $0x10730, s0;
	s23 =	sadd.s32 $0x60, s2  }
0x4f0: {  	[hbm4b:s23+s3] =	stream.linear.scatter [tilespmem:s22], [sflag:$0x4], $0x80, $0x38;
	[tilespmem:$0x1BE00] =	vst v63  }
0x4f1: {  	s29 =	sadd.s32 $0x107B8, s0;
	s30 =	sadd.s32 $0x70, s2  }
0x4f2: {  	[hbm4b:s30+s3] =	stream.linear.scatter [tilespmem:s29], [sflag:$0x4], $0x80, $0x38;
	[tilespmem:$0x1BE00] =	vst v63  }
0x4f3: {  	_ =	swait.ge [sflag:s26], $0x8000  }
0x4f4: {  	s1 =	rddreg [dreg:$0xf]  }
0x4f5: {  	s0 =	rddreg [dreg:$0xe];
	s1 =	sadd.s32 $0x1, s1  }
0x4f6: {  	p0 =	sne.s32 s1, s0  }
.Ltmp5:
0x4f7: {  	_ = 	snop;
	(pc) =	sbr.rel @p0 .LBB2_1-.Ltmp5, $3  }
0x4f8: {  	_ =	sdelay $0x1  }
0x4f9: {  	[sflag:s26] =	ssyncset.done $0x0  }
0x4fa: {  	[sflag:s26] =	ssyncadd.s32 $0xFFFF8000  }
0x4fb: {  	_ =	sfence.sel $0x180000  }
0x4fc: {  	[bflag:$0x0] =	sbarrier.arrive $0xFFFF  }
0x4fd: {  	_ =	strace $0x90000047  }
0x4fe: {  	s0 =	stileid.u32;
	[bflag:$0x2] =	sbarrier.arrive $0xFFFF  }
0x4ff: {  	p0 =	sne.s32 s0, $0x0;
	s0 =	rddreg [dreg:$0x2]  }
0x500: {  	s0 =	sadd.s32 @!p0 $0x100000, s0  }
0x501: {  	[sflag:s0] =	ssyncadd.tile.s32 @!p0 $0x1;
	_ =	shalt  }
.Lfunc_end2:
_tile_overlayer_lowered:
.L_overlay_start_2:
0x502: {  	(tag) =	ssettag $0x2  }
0x503: {  	s0 =	rddreg [dreg:$0x0];
	s2 =	stileid.u32  }
0x504: {  	s1 =	rddreg [dreg:$0x1];
	p0 =	sne.s32 s2, $0x0  }
0x505: {  	s3 =	rddreg [dreg:$0x2];
	[bflag:$0x3] =	sbarrier.arrive $0xFFFF;
	s2 =	simm.s32 @!p0 $0x1C05  }
0x506: {  	[timem:s3], [sflag:s2] =	dma.local @!p0 [hbm:s0], s1  }
0x507: {  	s0 =	simm.s32 @!p0 $0x5  }
0x508: {  	_ =	swait.ge @!p0 [sflag:s0], s1  }
0x509: {  	s1 =	ssub.s32 @!p0 $0x0, s1;
	[sflag:s0] =	ssyncset.done @!p0 $0x0  }
0x50a: {  	[sflag:s0] =	ssyncadd.s32 @!p0 s1  }
0x50b: {  	[bflag:$0x3] =	sbarrier.arrive $0xFFFF  }
0x50c: {  	_ =	shalt  }

</sc_bundles>
